<compile_context>
chip_gen: v7x
topology: tpu7x:2x2x1
jax: 0.10.2.dev20260603
libtpu: 0.0.44.dev20260713+nightly
codegen_flags: <defaults>
</compile_context>

<pallas_src>
import functools

import jax
import jax.numpy as jnp
from jax import lax
from jax.experimental import pallas as pl
from jax.experimental.pallas import tpu as pltpu
from jax.experimental.pallas import tpu_sc as plsc

N = 10000
D = 128
E = 320000

NC = 2
NS = 16
NW = NC * NS
EPW = E // NW
K = 80
NCHUNK = EPW // K
KD = 128
NCHD = EPW // KD

ROWB = 632
ROWL = N - (NS - 1) * ROWB
ZB = 8

PAD_N = 10240
ROWD = PAD_N // NS

RB = 2000
NG = N // RB

_mesh = plsc.VectorSubcoreMesh(core_axis_name="c", subcore_axis_name="s")



def _deg_body(ei_hbm, out_hbm, zbuf_v, ones_v, didx_v, tidx_v, sem, isem, deg_sh):
    c = lax.axis_index("c")
    s = lax.axis_index("s")
    wid = c * NS + s

    def _fill(i, _):
        zbuf_v[pl.ds(i * 16, 16)] = jnp.zeros((16,), jnp.float32)
        ones_v[pl.ds(i * 16, 16)] = jnp.ones((16,), jnp.float32)
        return 0
    lax.fori_loop(0, ROWD // 16, _fill, 0)

    pltpu.sync_copy(zbuf_v, deg_sh.at[pl.ds(s * ROWD, ROWD)])

    plsc.subcore_barrier()

    dbase = E + wid * EPW

    pltpu.sync_copy(ei_hbm.at[pl.ds(dbase, KD)], didx_v.at[0])
    pltpu.async_copy(ei_hbm.at[pl.ds(dbase + KD, KD)], didx_v.at[1], isem)

    def _edge(g, _):
        @pl.when(g + 2 < NCHD)
        def _():
            nxt = jnp.minimum(g + 2, NCHD - 1)
            pltpu.async_copy(ei_hbm.at[pl.ds(dbase + nxt * KD, KD)],
                             didx_v.at[jnp.bitwise_and(nxt, 15)], isem)

        @pl.when(g >= 12)
        def _():
            pltpu.make_async_copy(ones_v.at[pl.ds(0, KD)],
                                  deg_sh.at[didx_v.at[0]],
                                  sem.at[lax.rem(g, 12)]).wait()

        pltpu.async_copy(ones_v.at[pl.ds(0, KD)],
                         deg_sh.at[didx_v.at[jnp.bitwise_and(g, 15)]],
                         sem.at[lax.rem(g, 12)], add=True)

        @pl.when(g + 1 < NCHD)
        def _():
            pltpu.make_async_copy(ei_hbm.at[pl.ds(dbase, KD)], didx_v.at[0],
                                  isem).wait()
        return 0
    lax.fori_loop(0, NCHD, _edge, 0)

    def _drain(g, _):
        pltpu.make_async_copy(ones_v.at[pl.ds(0, KD)], deg_sh.at[didx_v.at[0]],
                              sem.at[lax.rem(g, 12)]).wait()
        return 0
    lax.fori_loop(NCHD - 12, NCHD, _drain, 0)

    pltpu.sync_copy(ei_hbm.at[pl.ds(dbase + NCHD * KD, EPW - NCHD * KD)], tidx_v)
    pltpu.sync_copy(ones_v.at[pl.ds(0, EPW - NCHD * KD)],
                    deg_sh.at[tidx_v], add=True)

    plsc.subcore_barrier()

    pltpu.sync_copy(deg_sh.at[pl.ds(s * ROWD, ROWD)],
                    out_hbm.at[c, pl.ds(s * ROWD, ROWD)])


_deg = pl.kernel(
    _deg_body,
    out_type=jax.ShapeDtypeStruct((NC, PAD_N), jnp.float32),
    mesh=_mesh,
    scratch_types=[
        pltpu.VMEM((ROWD,), jnp.float32),
        pltpu.VMEM((ROWD,), jnp.float32),
        pltpu.VMEM((16, KD), jnp.int32),
        pltpu.VMEM((EPW - (EPW // KD) * KD,), jnp.int32),
        pltpu.SemaphoreType.DMA((12,)),
        pltpu.SemaphoreType.DMA,
        pltpu.VMEM_SHARED((PAD_N,), jnp.float32),
    ],
)


def _edge_body(y_hbm, ei_hbm, out_hbm,
               sidx_v, didx_v, rows_v, gsem, isem, ssem, acc_sh):
    c = lax.axis_index("c")
    s = lax.axis_index("s")
    wid = c * NS + s

    def _fill(i, _):
        rows_v[0, i // 8, pl.ds((i % 8) * 16, 16)] = jnp.zeros((16,), jnp.float32)
        return 0
    lax.fori_loop(0, K * (D // 16), _fill, 0)

    nfull = jnp.where(s == NS - 1, ROWL // K, ROWB // K)

    def _zero(i, _):
        pltpu.async_copy(rows_v.at[0],
                         acc_sh.at[pl.ds(s * ROWB + i * K, K)], isem)
        return 0
    lax.fori_loop(0, nfull, _zero, 0)

    @pl.when(s < NS - 1)
    def _():
        pltpu.async_copy(rows_v.at[0, pl.ds(0, ROWB - (ROWB // K) * K)],
                         acc_sh.at[pl.ds(s * ROWB + (ROWB // K) * K,
                                         ROWB - (ROWB // K) * K)], isem)

    @pl.when(s == NS - 1)
    def _():
        pltpu.async_copy(rows_v.at[0, pl.ds(0, ROWL - (ROWL // K) * K)],
                         acc_sh.at[pl.ds(s * ROWB + (ROWL // K) * K,
                                         ROWL - (ROWL // K) * K)], isem)

    def _zdrain(i, _):
        pltpu.make_async_copy(rows_v.at[0], acc_sh.at[pl.ds(0, K)], isem).wait()
        return 0
    lax.fori_loop(0, nfull, _zdrain, 0)

    @pl.when(s < NS - 1)
    def _():
        pltpu.make_async_copy(rows_v.at[0, pl.ds(0, ROWB - (ROWB // K) * K)],
                              acc_sh.at[pl.ds(0, ROWB - (ROWB // K) * K)],
                              isem).wait()

    @pl.when(s == NS - 1)
    def _():
        pltpu.make_async_copy(rows_v.at[0, pl.ds(0, ROWL - (ROWL // K) * K)],
                              acc_sh.at[pl.ds(0, ROWL - (ROWL // K) * K)],
                              isem).wait()

    plsc.subcore_barrier()

    def _idx_start(chunk):
        slot = jnp.bitwise_and(chunk, 7)
        pltpu.async_copy(ei_hbm.at[pl.ds(wid * EPW + chunk * K, K)],
                         sidx_v.at[slot], isem)
        pltpu.async_copy(ei_hbm.at[pl.ds(E + wid * EPW + chunk * K, K)],
                         didx_v.at[slot], isem)

    def _idx_wait():
        pltpu.make_async_copy(ei_hbm.at[pl.ds(0, K)], sidx_v.at[0], isem).wait()
        pltpu.make_async_copy(ei_hbm.at[pl.ds(0, K)], didx_v.at[0], isem).wait()

    def _gather_start(chunk):
        slot = jnp.bitwise_and(chunk, 3)
        pltpu.async_copy(y_hbm.at[sidx_v.at[jnp.bitwise_and(chunk, 7)]],
                         rows_v.at[slot], gsem.at[slot])

    def _gather_wait(chunk):
        pltpu.make_async_copy(y_hbm.at[sidx_v.at[0]], rows_v.at[0],
                              gsem.at[jnp.bitwise_and(chunk, 3)]).wait()

    def _scatter_start(chunk):
        slot = jnp.bitwise_and(chunk, 3)
        pltpu.async_copy(rows_v.at[slot],
                         acc_sh.at[didx_v.at[jnp.bitwise_and(chunk, 7)]],
                         ssem.at[slot], add=True)

    def _scatter_wait(chunk):
        pltpu.make_async_copy(y_hbm.at[sidx_v.at[0]], rows_v.at[0],
                              ssem.at[jnp.bitwise_and(chunk, 3)]).wait()

    _idx_start(0)
    _idx_wait()
    _gather_start(0)
    _idx_start(1)
    _idx_wait()
    _gather_start(1)
    _idx_start(2)

    def _edge(g, _):
        @pl.when(g + 2 < NCHUNK)
        def _():
            _idx_wait()

            @pl.when(g >= 2)
            def _():
                _scatter_wait(g - 2)
            _gather_start(jnp.minimum(g + 2, NCHUNK - 1))

        @pl.when(g + 3 < NCHUNK)
        def _():
            _idx_start(jnp.minimum(g + 3, NCHUNK - 1))

        _gather_wait(g)
        _scatter_start(g)
        return 0
    lax.fori_loop(0, NCHUNK, _edge, 0)

    _scatter_wait(NCHUNK - 4)
    _scatter_wait(NCHUNK - 3)
    _scatter_wait(NCHUNK - 2)
    _scatter_wait(NCHUNK - 1)

    plsc.subcore_barrier()

    @pl.when(s < NS - 1)
    def _():
        pltpu.sync_copy(acc_sh.at[pl.ds(s * ROWB, ROWB)],
                        out_hbm.at[c, pl.ds(s * ROWB, ROWB)])

    @pl.when(s == NS - 1)
    def _():
        pltpu.sync_copy(acc_sh.at[pl.ds(s * ROWB, ROWL)],
                        out_hbm.at[c, pl.ds(s * ROWB, ROWL)])


_edge_scatter = pl.kernel(
    _edge_body,
    out_type=jax.ShapeDtypeStruct((NC, N, D), jnp.float32),
    mesh=_mesh,
    scratch_types=[
        pltpu.VMEM((8, K), jnp.int32),
        pltpu.VMEM((8, K), jnp.int32),
        pltpu.VMEM((4, K, D), jnp.float32),
        pltpu.SemaphoreType.DMA((4,)),
        pltpu.SemaphoreType.DMA,
        pltpu.SemaphoreType.DMA((4,)),
        pltpu.VMEM_SHARED((N, D), jnp.float32),
    ],
)



def _dinv_of(degp_ref):
    deg = degp_ref[0, 0, 0, :] + degp_ref[1, 0, 0, :] + 1.0
    return lax.rsqrt(deg)


def _mmscale_body(x_ref, w_ref, degp_ref, y_ref):
    dinv = _dinv_of(degp_ref)
    y_ref[...] = jnp.dot(x_ref[...], w_ref[...],
                         preferred_element_type=jnp.float32) * dinv[:, None]


def _mmscale(x, w, degp4):
    return pl.pallas_call(
        _mmscale_body,
        grid=(NG,),
        in_specs=[
            pl.BlockSpec((RB, D), lambda i: (i, 0)),
            pl.BlockSpec((D, D), lambda i: (0, 0)),
            pl.BlockSpec((NC, 1, 1, RB), lambda i: (0, i, 0, 0)),
        ],
        out_specs=pl.BlockSpec((RB, D), lambda i: (i, 0)),
        out_shape=jax.ShapeDtypeStruct((N, D), jnp.float32),
    )(x, w, degp4)


def _mid_body(acc_ref, y_ref, degp_ref, b_ref, w_ref, o_ref):
    dinv = _dinv_of(degp_ref)
    tot = acc_ref[0] + acc_ref[1] + y_ref[...]
    h = jnp.maximum(tot * dinv[:, None] + b_ref[...], 0.0)
    o_ref[...] = jnp.dot(h, w_ref[...],
                         preferred_element_type=jnp.float32) * dinv[:, None]


def _mid(acc, y, degp4, b, w):
    return pl.pallas_call(
        _mid_body,
        grid=(NG,),
        in_specs=[
            pl.BlockSpec((NC, RB, D), lambda i: (0, i, 0)),
            pl.BlockSpec((RB, D), lambda i: (i, 0)),
            pl.BlockSpec((NC, 1, 1, RB), lambda i: (0, i, 0, 0)),
            pl.BlockSpec((1, D), lambda i: (0, 0)),
            pl.BlockSpec((D, D), lambda i: (0, 0)),
        ],
        out_specs=pl.BlockSpec((RB, D), lambda i: (i, 0)),
        out_shape=jax.ShapeDtypeStruct((N, D), jnp.float32),
    )(acc, y, degp4, b, w)


def _final_body(acc_ref, y_ref, degp_ref, b_ref, o_ref):
    dinv = _dinv_of(degp_ref)
    tot = acc_ref[0] + acc_ref[1] + y_ref[...]
    o_ref[...] = tot * dinv[:, None] + b_ref[...]


def _final(acc, y, degp4, b):
    return pl.pallas_call(
        _final_body,
        grid=(NG,),
        in_specs=[
            pl.BlockSpec((NC, RB, D), lambda i: (0, i, 0)),
            pl.BlockSpec((RB, D), lambda i: (i, 0)),
            pl.BlockSpec((NC, 1, 1, RB), lambda i: (0, i, 0, 0)),
            pl.BlockSpec((1, D), lambda i: (0, 0)),
        ],
        out_specs=pl.BlockSpec((RB, D), lambda i: (i, 0)),
        out_shape=jax.ShapeDtypeStruct((N, D), jnp.float32),
    )(acc, y, degp4, b)


def kernel(x, edge_index, W1, b1, W2, b2):
    ei = edge_index.astype(jnp.int32).reshape(2 * E)
    degp = _deg(ei)[:, :N]
    degp4 = degp.reshape(NC, NG, 1, RB)
    y1 = _mmscale(x, W1, degp4)
    acc1 = _edge_scatter(y1, ei)
    y2 = _mid(acc1, y1, degp4, b1.reshape(1, D), W2)
    acc2 = _edge_scatter(y2, ei)
    return _final(acc2, y2, degp4, b2.reshape(1, D))

# --- scband reference (transcript-rebuilt; emitter-appended) ---
"""Pipeline reference for scband-torch-geo-gnn-29257317220812 (READ-ONLY COPY).

The authoritative reference and input builder live on the scoring server;
editing this copy changes nothing except your own understanding.
"""

import jax, jax.numpy as jnp
import numpy as np

N_NODES = 10000
N_EDGES = 320000
D = 128


def gcn_layer(x, src, dst, W, b, num_nodes):
    # PyG GCNConv: linear transform, add self-loops, symmetric normalization, scatter-add at dst
    xw = x @ W
    loop = jnp.arange(num_nodes, dtype=src.dtype)
    s = jnp.concatenate([src, loop])
    d = jnp.concatenate([dst, loop])
    deg = jnp.zeros((num_nodes,), dtype=x.dtype).at[d].add(1.0)
    dinv = jnp.where(deg > 0, deg ** -0.5, 0.0)
    norm = dinv[s] * dinv[d]
    msgs = jnp.take(xw, s, axis=0) * norm[:, None]
    out = jax.ops.segment_sum(msgs, d, num_segments=num_nodes)
    return out + b


def setup_inputs(seed: int = 0) -> dict:
    key = jax.random.key(seed)
    k1, k2, k3, k4, k5, k6 = jax.random.split(key, 6)
    x = jax.random.normal(k1, (N_NODES, D), dtype=jnp.float32)
    edge_index = jax.random.randint(k2, (2, N_EDGES), 0, N_NODES)
    W1 = jax.random.normal(k3, (D, D), dtype=jnp.float32) * (1.0 / np.sqrt(D))
    b1 = jnp.zeros((D,), dtype=jnp.float32)
    W2 = jax.random.normal(k4, (D, D), dtype=jnp.float32) * (1.0 / np.sqrt(D))
    b2 = jnp.zeros((D,), dtype=jnp.float32)
    return {"x": x, "edge_index": edge_index, "W1": W1, "b1": b1, "W2": W2, "b2": b2}


def reference(x, edge_index, W1, b1, W2, b2):
    src = edge_index[0]
    dst = edge_index[1]
    n = x.shape[0]
    h = gcn_layer(x, src, dst, W1, b1, n)
    h = jax.nn.relu(h)
    out = gcn_layer(h, src, dst, W2, b2, n)
    return out

if __name__ == "__main__":
    import jax
    _d = setup_inputs()
    print(jax.jit(kernel)(*tuple(_d.values())))

</pallas_src>

<mosaic_0001>
#map = affine_map<(d0, d1) -> (0, 0)>
#map1 = affine_map<(d0, d1) -> (0)>
#map2 = affine_map<(d0, d1) -> (0, 0, 0)>
module attributes {stable_mosaic.version = 14 : i64} {
  func.func @_edge_body(%arg0: i32, %arg1: i32, %arg2: memref<10000x128xf32, #tpu.memory_space<hbm>>, %arg3: memref<640000xi32, #tpu.memory_space<hbm>>, %arg4: memref<2x10000x128xf32, #tpu.memory_space<hbm>>, %arg5: memref<8x80xi32, #tpu.memory_space<vmem>>, %arg6: memref<8x80xi32, #tpu.memory_space<vmem>>, %arg7: memref<4x80x128xf32, #tpu.memory_space<vmem>>, %arg8: memref<4x!tpu.dma_semaphore, #tpu.memory_space<semaphore_mem>>, %arg9: memref<!tpu.dma_semaphore, #tpu.memory_space<semaphore_mem>>, %arg10: memref<4x!tpu.dma_semaphore, #tpu.memory_space<semaphore_mem>>, %arg11: memref<10000x128xf32, #tpu.memory_space<vmem_shared>>) attributes {dimension_semantics = [#tpu.dimension_semantics<core_parallel>, #tpu.dimension_semantics<subcore_parallel>], iteration_bounds = array<i64: 2, 16>, scalar_prefetch = 0 : i64, scratch_operands = 7 : i64, tpu.core_type = #tpu.core_type<sc_vector_subcore>, window_params = [{transform_indices = #map}, {transform_indices = #map1}, {transform_indices = #map2}]} {
    %mul3A = arith.constant 16 : i32
    %mul3A_0 = arith.muli %arg0, %mul3A : i32
    %add3A = arith.addi %mul3A_0, %arg1 : i32
    %scan3A = arith.constant 0 : i32
    %scan3A_1 = arith.constant 0 : i32
    %scan3A_2 = arith.constant 640 : i32
    %scan3A_3 = arith.addi %scan3A_1, %scan3A_2 : i32
    %scan3A_4 = arith.constant 1 : i32
    %scan3A_5 = scf.for %scan3A_299 = %scan3A_1 to %scan3A_3 step %scan3A_4 iter_args(%scan3A_300 = %scan3A) -> (i32)  : i32 {
      %broadcast_in_dim3A = arith.constant 0.000000e+00 : f32
      %broadcast_in_dim3A_301 = vector.broadcast %broadcast_in_dim3A : f32 to vector<16xf32>
      %jit3A_302 = arith.constant 8 : i32
      %div3A = arith.divsi %scan3A_299, %jit3A_302 : i32
      %sign3A = arith.constant 0 : i32
      %sign3A_303 = arith.cmpi sgt, %scan3A_299, %sign3A : i32
      %sign3A_304 = arith.extui %sign3A_303 : i1 to i32
      %sign3A_305 = arith.constant 0 : i32
      %sign3A_306 = arith.cmpi slt, %scan3A_299, %sign3A_305 : i32
      %sign3A_307 = arith.extui %sign3A_306 : i1 to i32
      %sign3A_308 = arith.subi %sign3A_304, %sign3A_307 : i32
      %sign3A_309 = arith.constant 0 : i32
      %sign3A_310 = arith.cmpi sgt, %jit3A_302, %sign3A_309 : i32
      %sign3A_311 = arith.extui %sign3A_310 : i1 to i32
      %sign3A_312 = arith.constant 0 : i32
      %sign3A_313 = arith.cmpi slt, %jit3A_302, %sign3A_312 : i32
      %sign3A_314 = arith.extui %sign3A_313 : i1 to i32
      %sign3A_315 = arith.subi %sign3A_311, %sign3A_314 : i32
      %ne3A = arith.cmpi ne, %sign3A_308, %sign3A_315 : i32
      %rem3A = arith.remsi %scan3A_299, %jit3A_302 : i32
      %ne3A_316 = arith.constant 0 : i32
      %ne3A_317 = arith.cmpi ne, %rem3A, %ne3A_316 : i32
      %and3A_318 = arith.andi %ne3A, %ne3A_317 : i1
      %sub3A = arith.constant 1 : i32
      %sub3A_319 = arith.subi %div3A, %sub3A : i32
      %select_n3A_320 = arith.select %and3A_318, %sub3A_319, %div3A : i32
      %jit3A_321 = arith.constant 8 : i32
      %eq3A_322 = arith.constant 0 : i32
      %eq3A_323 = arith.cmpi eq, %jit3A_321, %eq3A_322 : i32
      %jit3A_324 = arith.constant 1 : i32
      %select_n3A_325 = arith.select %eq3A_323, %jit3A_324, %jit3A_321 : i32
      %rem3A_326 = arith.remsi %scan3A_299, %select_n3A_325 : i32
      %ne3A_327 = arith.constant 0 : i32
      %ne3A_328 = arith.cmpi ne, %rem3A_326, %ne3A_327 : i32
      %lt3A_329 = arith.constant 0 : i32
      %lt3A_330 = arith.cmpi slt, %rem3A_326, %lt3A_329 : i32
      %lt3A_331 = arith.constant 0 : i32
      %lt3A_332 = arith.cmpi slt, %select_n3A_325, %lt3A_331 : i32
      %ne3A_333 = arith.xori %lt3A_330, %lt3A_332 : i1
      %and3A_334 = arith.andi %ne3A_333, %ne3A_328 : i1
      %add3A_335 = arith.addi %rem3A_326, %select_n3A_325 : i32
      %select_n3A_336 = arith.select %and3A_334, %add3A_335, %rem3A_326 : i32
      %mul3A_337 = arith.constant 16 : i32
      %mul3A_338 = arith.muli %select_n3A_336, %mul3A_337 : i32
      %swap3A = arith.constant 0 : i32
      %swap3A_339 = arith.index_cast %swap3A : i32 to index
      %swap3A_340 = arith.index_cast %select_n3A_320 : i32 to index
      %swap3A_341 = arith.index_cast %mul3A_338 : i32 to index
      %swap3A_342 = tpu.vector_load %arg7[%swap3A_339, %swap3A_340, %swap3A_341] {strides = array<i32>} : memref<4x80x128xf32, #tpu.memory_space<vmem>>, vector<1x1x16xf32>,
      %swap3A_343 = vector.shape_cast %swap3A_342 : vector<1x1x16xf32> to vector<16xf32>
      %swap3A_344 = vector.shape_cast %broadcast_in_dim3A_301 : vector<16xf32> to vector<1x1x16xf32>
      tpu.vector_store %arg7[%swap3A_339, %swap3A_340, %swap3A_341], %swap3A_344 {strides = array<i32>} : memref<4x80x128xf32, #tpu.memory_space<vmem>>, vector<1x1x16xf32>,
      %scan3A_345 = arith.constant 0 : i32
      scf.yield %scan3A_345 : i32
    }
    %scan3A_6 = arith.constant 640 : i32
    %eq3A = arith.constant 15 : i32
    %eq3A_7 = arith.cmpi eq, %arg1, %eq3A : i32
    %jit3A = arith.constant 6 : i32
    %jit3A_8 = arith.constant 7 : i32
    %select_n3A = arith.select %eq3A_7, %jit3A, %jit3A_8 : i32
    %while3A = arith.constant 0 : i32
    %while3A_9 = arith.constant 0 : i32
    %while3A_10 = arith.subi %select_n3A, %while3A : i32
    %while3A_11 = arith.addi %while3A, %while3A_10 : i32
    %while3A_12 = arith.constant 1 : i32
    %while3A_13 = arith.divsi %while3A_10, %while3A_12 : i32
    %while3A_14 = arith.muli %while3A_13, %while3A_12 : i32
    %while3A_15 = arith.addi %while3A, %while3A_14 : i32
    %while3A_16 = arith.constant 1 : i32
    %while3A_17 = scf.for %while3A_299 = %while3A to %while3A_15 step %while3A_16 iter_args(%while3A_300 = %while3A_9) -> (i32)  : i32 {
      %mul3A_301 = arith.constant 632 : i32
      %mul3A_302 = arith.muli %arg1, %mul3A_301 : i32
      %mul3A_303 = arith.constant 80 : i32
      %mul3A_304 = arith.muli %while3A_299, %mul3A_303 : i32
      %add3A_305 = arith.addi %mul3A_302, %mul3A_304 : i32
      %dma_start3A_306 = arith.constant 0 : i32
      %dma_start3A_307 = arith.constant 0 : i32
      %dma_start3A_308 = arith.constant 0 : i32
      %dma_start3A_309 = tpu.memref_slice %arg7[%dma_start3A_306, %dma_start3A_307, %dma_start3A_308] : memref<4x80x128xf32, #tpu.memory_space<vmem>> -> memref<1x80x128xf32, #tpu.memory_space<vmem>>
      %dma_start3A_310 = tpu.memref_squeeze %dma_start3A_309 : memref<1x80x128xf32, #tpu.memory_space<vmem>> -> memref<80x128xf32, #tpu.memory_space<vmem>>
      %dma_start3A_311 = arith.constant 0 : i32
      %dma_start3A_312 = tpu.memref_slice %arg11[%add3A_305, %dma_start3A_311] : memref<10000x128xf32, #tpu.memory_space<vmem_shared>> -> memref<80x128xf32, #tpu.memory_space<vmem_shared>>
      %dma_start3A_313 = arith.constant 0 : i32
      %dma_start3A_314 = tpu.memref_slice %arg11[%add3A_305, %dma_start3A_313] : memref<10000x128xf32, #tpu.memory_space<vmem_shared>> -> memref<80x128xf32, #tpu.memory_space<vmem_shared>>
      %dma_start3A_315 = arith.constant 0 : i32
      %dma_start3A_316 = arith.constant 0 : i32
      %dma_start3A_317 = tpu.memref_slice %arg7[%dma_start3A_306, %dma_start3A_315, %dma_start3A_316] : memref<4x80x128xf32, #tpu.memory_space<vmem>> -> memref<1x80x128xf32, #tpu.memory_space<vmem>>
      %dma_start3A_318 = tpu.memref_squeeze %dma_start3A_317 : memref<1x80x128xf32, #tpu.memory_space<vmem>> -> memref<80x128xf32, #tpu.memory_space<vmem>>
      tpu.enqueue_dma source(%dma_start3A_318 : memref<80x128xf32, #tpu.memory_space<vmem>>) target(%dma_start3A_314 : memref<80x128xf32, #tpu.memory_space<vmem_shared>>) target_semaphore(%arg9 : memref<!tpu.dma_semaphore, #tpu.memory_space<semaphore_mem>>)
      %while3A_319 = arith.constant 0 : i32
      scf.yield %while3A_319 : i32
    }
    %while3A_18 = arith.constant 1 : i32
    %while3A_19 = scf.for %while3A_299 = %while3A_15 to %while3A_11 step %while3A_18 iter_args(%while3A_300 = %while3A_17) -> (i32)  : i32 {
      %mul3A_301 = arith.constant 632 : i32
      %mul3A_302 = arith.muli %arg1, %mul3A_301 : i32
      %mul3A_303 = arith.constant 80 : i32
      %mul3A_304 = arith.muli %while3A_299, %mul3A_303 : i32
      %add3A_305 = arith.addi %mul3A_302, %mul3A_304 : i32
      %dma_start3A_306 = arith.constant 0 : i32
      %dma_start3A_307 = arith.constant 0 : i32
      %dma_start3A_308 = arith.constant 0 : i32
      %dma_start3A_309 = tpu.memref_slice %arg7[%dma_start3A_306, %dma_start3A_307, %dma_start3A_308] : memref<4x80x128xf32, #tpu.memory_space<vmem>> -> memref<1x80x128xf32, #tpu.memory_space<vmem>>
      %dma_start3A_310 = tpu.memref_squeeze %dma_start3A_309 : memref<1x80x128xf32, #tpu.memory_space<vmem>> -> memref<80x128xf32, #tpu.memory_space<vmem>>
      %dma_start3A_311 = arith.constant 0 : i32
      %dma_start3A_312 = tpu.memref_slice %arg11[%add3A_305, %dma_start3A_311] : memref<10000x128xf32, #tpu.memory_space<vmem_shared>> -> memref<80x128xf32, #tpu.memory_space<vmem_shared>>
      %dma_start3A_313 = arith.constant 0 : i32
      %dma_start3A_314 = tpu.memref_slice %arg11[%add3A_305, %dma_start3A_313] : memref<10000x128xf32, #tpu.memory_space<vmem_shared>> -> memref<80x128xf32, #tpu.memory_space<vmem_shared>>
      %dma_start3A_315 = arith.constant 0 : i32
      %dma_start3A_316 = arith.constant 0 : i32
      %dma_start3A_317 = tpu.memref_slice %arg7[%dma_start3A_306, %dma_start3A_315, %dma_start3A_316] : memref<4x80x128xf32, #tpu.memory_space<vmem>> -> memref<1x80x128xf32, #tpu.memory_space<vmem>>
      %dma_start3A_318 = tpu.memref_squeeze %dma_start3A_317 : memref<1x80x128xf32, #tpu.memory_space<vmem>> -> memref<80x128xf32, #tpu.memory_space<vmem>>
      tpu.enqueue_dma source(%dma_start3A_318 : memref<80x128xf32, #tpu.memory_space<vmem>>) target(%dma_start3A_314 : memref<80x128xf32, #tpu.memory_space<vmem_shared>>) target_semaphore(%arg9 : memref<!tpu.dma_semaphore, #tpu.memory_space<semaphore_mem>>)
      %while3A_319 = arith.constant 0 : i32
      scf.yield %while3A_319 : i32
    }
    %lt3A = arith.constant 15 : i32
    %lt3A_20 = arith.cmpi slt, %arg1, %lt3A : i32
    %convert_element_type3A = arith.extui %lt3A_20 : i1 to i32
    %cond3A = arith.constant 0 : i32
    %cond3A_21 = arith.cmpi ne, %convert_element_type3A, %cond3A : i32
    scf.if %cond3A_21 {
      %mul3A_299 = arith.constant 632 : i32
      %mul3A_300 = arith.muli %arg1, %mul3A_299 : i32
      %add3A_301 = arith.constant 560 : i32
      %add3A_302 = arith.addi %mul3A_300, %add3A_301 : i32
      %dma_start3A_303 = arith.constant 0 : i32
      %dma_start3A_304 = arith.constant 0 : i32
      %dma_start3A_305 = arith.constant 0 : i32
      %dma_start3A_306 = tpu.memref_slice %arg7[%dma_start3A_303, %dma_start3A_304, %dma_start3A_305] : memref<4x80x128xf32, #tpu.memory_space<vmem>> -> memref<1x72x128xf32, #tpu.memory_space<vmem>>
      %dma_start3A_307 = tpu.memref_squeeze %dma_start3A_306 : memref<1x72x128xf32, #tpu.memory_space<vmem>> -> memref<72x128xf32, #tpu.memory_space<vmem>>
      %dma_start3A_308 = arith.constant 0 : i32
      %dma_start3A_309 = tpu.memref_slice %arg11[%add3A_302, %dma_start3A_308] : memref<10000x128xf32, #tpu.memory_space<vmem_shared>> -> memref<72x128xf32, #tpu.memory_space<vmem_shared>>
      %dma_start3A_310 = arith.constant 0 : i32
      %dma_start3A_311 = tpu.memref_slice %arg11[%add3A_302, %dma_start3A_310] : memref<10000x128xf32, #tpu.memory_space<vmem_shared>> -> memref<72x128xf32, #tpu.memory_space<vmem_shared>>
      %dma_start3A_312 = arith.constant 0 : i32
      %dma_start3A_313 = arith.constant 0 : i32
      %dma_start3A_314 = tpu.memref_slice %arg7[%dma_start3A_303, %dma_start3A_312, %dma_start3A_313] : memref<4x80x128xf32, #tpu.memory_space<vmem>> -> memref<1x72x128xf32, #tpu.memory_space<vmem>>
      %dma_start3A_315 = tpu.memref_squeeze %dma_start3A_314 : memref<1x72x128xf32, #tpu.memory_space<vmem>> -> memref<72x128xf32, #tpu.memory_space<vmem>>
      tpu.enqueue_dma source(%dma_start3A_315 : memref<72x128xf32, #tpu.memory_space<vmem>>) target(%dma_start3A_311 : memref<72x128xf32, #tpu.memory_space<vmem_shared>>) target_semaphore(%arg9 : memref<!tpu.dma_semaphore, #tpu.memory_space<semaphore_mem>>)
    } else {
    }
    %eq3A_22 = arith.constant 15 : i32
    %eq3A_23 = arith.cmpi eq, %arg1, %eq3A_22 : i32
    %convert_element_type3A_24 = arith.extui %eq3A_23 : i1 to i32
    %cond3A_25 = arith.constant 0 : i32
    %cond3A_26 = arith.cmpi ne, %convert_element_type3A_24, %cond3A_25 : i32
    scf.if %cond3A_26 {
      %mul3A_299 = arith.constant 632 : i32
      %mul3A_300 = arith.muli %arg1, %mul3A_299 : i32
      %add3A_301 = arith.constant 480 : i32
      %add3A_302 = arith.addi %mul3A_300, %add3A_301 : i32
      %dma_start3A_303 = arith.constant 0 : i32
      %dma_start3A_304 = arith.constant 0 : i32
      %dma_start3A_305 = arith.constant 0 : i32
      %dma_start3A_306 = tpu.memref_slice %arg7[%dma_start3A_303, %dma_start3A_304, %dma_start3A_305] : memref<4x80x128xf32, #tpu.memory_space<vmem>> -> memref<1x40x128xf32, #tpu.memory_space<vmem>>
      %dma_start3A_307 = tpu.memref_squeeze %dma_start3A_306 : memref<1x40x128xf32, #tpu.memory_space<vmem>> -> memref<40x128xf32, #tpu.memory_space<vmem>>
      %dma_start3A_308 = arith.constant 0 : i32
      %dma_start3A_309 = tpu.memref_slice %arg11[%add3A_302, %dma_start3A_308] : memref<10000x128xf32, #tpu.memory_space<vmem_shared>> -> memref<40x128xf32, #tpu.memory_space<vmem_shared>>
      %dma_start3A_310 = arith.constant 0 : i32
      %dma_start3A_311 = tpu.memref_slice %arg11[%add3A_302, %dma_start3A_310] : memref<10000x128xf32, #tpu.memory_space<vmem_shared>> -> memref<40x128xf32, #tpu.memory_space<vmem_shared>>
      %dma_start3A_312 = arith.constant 0 : i32
      %dma_start3A_313 = arith.constant 0 : i32
      %dma_start3A_314 = tpu.memref_slice %arg7[%dma_start3A_303, %dma_start3A_312, %dma_start3A_313] : memref<4x80x128xf32, #tpu.memory_space<vmem>> -> memref<1x40x128xf32, #tpu.memory_space<vmem>>
      %dma_start3A_315 = tpu.memref_squeeze %dma_start3A_314 : memref<1x40x128xf32, #tpu.memory_space<vmem>> -> memref<40x128xf32, #tpu.memory_space<vmem>>
      tpu.enqueue_dma source(%dma_start3A_315 : memref<40x128xf32, #tpu.memory_space<vmem>>) target(%dma_start3A_311 : memref<40x128xf32, #tpu.memory_space<vmem_shared>>) target_semaphore(%arg9 : memref<!tpu.dma_semaphore, #tpu.memory_space<semaphore_mem>>)
    } else {
    }
    %while3A_27 = arith.constant 0 : i32
    %while3A_28 = arith.constant 0 : i32
    %while3A_29 = arith.subi %select_n3A, %while3A_27 : i32
    %while3A_30 = arith.addi %while3A_27, %while3A_29 : i32
    %while3A_31 = arith.constant 1 : i32
    %while3A_32 = arith.divsi %while3A_29, %while3A_31 : i32
    %while3A_33 = arith.muli %while3A_32, %while3A_31 : i32
    %while3A_34 = arith.addi %while3A_27, %while3A_33 : i32
    %while3A_35 = arith.constant 1 : i32
    %while3A_36 = scf.for %while3A_299 = %while3A_27 to %while3A_34 step %while3A_35 iter_args(%while3A_300 = %while3A_28) -> (i32)  : i32 {
      %dma_wait3A_301 = arith.constant 0 : i32
      %dma_wait3A_302 = arith.constant 0 : i32
      %dma_wait3A_303 = arith.constant 0 : i32
      %dma_wait3A_304 = tpu.memref_slice %arg7[%dma_wait3A_301, %dma_wait3A_302, %dma_wait3A_303] : memref<4x80x128xf32, #tpu.memory_space<vmem>> -> memref<1x80x128xf32, #tpu.memory_space<vmem>>
      %dma_wait3A_305 = tpu.memref_squeeze %dma_wait3A_304 : memref<1x80x128xf32, #tpu.memory_space<vmem>> -> memref<80x128xf32, #tpu.memory_space<vmem>>
      %dma_wait3A_306 = arith.constant 0 : i32
      %dma_wait3A_307 = arith.constant 0 : i32
      %dma_wait3A_308 = tpu.memref_slice %arg11[%dma_wait3A_306, %dma_wait3A_307] : memref<10000x128xf32, #tpu.memory_space<vmem_shared>> -> memref<80x128xf32, #tpu.memory_space<vmem_shared>>
      %dma_wait3A_309 = arith.constant 0 : i32
      %dma_wait3A_310 = arith.constant 0 : i32
      %dma_wait3A_311 = tpu.memref_slice %arg11[%dma_wait3A_309, %dma_wait3A_310] : memref<10000x128xf32, #tpu.memory_space<vmem_shared>> -> memref<80x128xf32, #tpu.memory_space<vmem_shared>>
      %dma_wait3A_312 = arith.constant 0 : i32
      %dma_wait3A_313 = arith.constant 0 : i32
      %dma_wait3A_314 = tpu.memref_slice %arg7[%dma_wait3A_301, %dma_wait3A_312, %dma_wait3A_313] : memref<4x80x128xf32, #tpu.memory_space<vmem>> -> memref<1x80x128xf32, #tpu.memory_space<vmem>>
      %dma_wait3A_315 = tpu.memref_squeeze %dma_wait3A_314 : memref<1x80x128xf32, #tpu.memory_space<vmem>> -> memref<80x128xf32, #tpu.memory_space<vmem>>
      tpu.wait_dma2 semaphore(%arg9 : memref<!tpu.dma_semaphore, #tpu.memory_space<semaphore_mem>>) src(%dma_wait3A_315 : memref<80x128xf32, #tpu.memory_space<vmem>>) dst(%dma_wait3A_311 : memref<80x128xf32, #tpu.memory_space<vmem_shared>>)
      %while3A_316 = arith.constant 0 : i32
      scf.yield %while3A_316 : i32
    }
    %while3A_37 = arith.constant 1 : i32
    %while3A_38 = scf.for %while3A_299 = %while3A_34 to %while3A_30 step %while3A_37 iter_args(%while3A_300 = %while3A_36) -> (i32)  : i32 {
      %dma_wait3A_301 = arith.constant 0 : i32
      %dma_wait3A_302 = arith.constant 0 : i32
      %dma_wait3A_303 = arith.constant 0 : i32
      %dma_wait3A_304 = tpu.memref_slice %arg7[%dma_wait3A_301, %dma_wait3A_302, %dma_wait3A_303] : memref<4x80x128xf32, #tpu.memory_space<vmem>> -> memref<1x80x128xf32, #tpu.memory_space<vmem>>
      %dma_wait3A_305 = tpu.memref_squeeze %dma_wait3A_304 : memref<1x80x128xf32, #tpu.memory_space<vmem>> -> memref<80x128xf32, #tpu.memory_space<vmem>>
      %dma_wait3A_306 = arith.constant 0 : i32
      %dma_wait3A_307 = arith.constant 0 : i32
      %dma_wait3A_308 = tpu.memref_slice %arg11[%dma_wait3A_306, %dma_wait3A_307] : memref<10000x128xf32, #tpu.memory_space<vmem_shared>> -> memref<80x128xf32, #tpu.memory_space<vmem_shared>>
      %dma_wait3A_309 = arith.constant 0 : i32
      %dma_wait3A_310 = arith.constant 0 : i32
      %dma_wait3A_311 = tpu.memref_slice %arg11[%dma_wait3A_309, %dma_wait3A_310] : memref<10000x128xf32, #tpu.memory_space<vmem_shared>> -> memref<80x128xf32, #tpu.memory_space<vmem_shared>>
      %dma_wait3A_312 = arith.constant 0 : i32
      %dma_wait3A_313 = arith.constant 0 : i32
      %dma_wait3A_314 = tpu.memref_slice %arg7[%dma_wait3A_301, %dma_wait3A_312, %dma_wait3A_313] : memref<4x80x128xf32, #tpu.memory_space<vmem>> -> memref<1x80x128xf32, #tpu.memory_space<vmem>>
      %dma_wait3A_315 = tpu.memref_squeeze %dma_wait3A_314 : memref<1x80x128xf32, #tpu.memory_space<vmem>> -> memref<80x128xf32, #tpu.memory_space<vmem>>
      tpu.wait_dma2 semaphore(%arg9 : memref<!tpu.dma_semaphore, #tpu.memory_space<semaphore_mem>>) src(%dma_wait3A_315 : memref<80x128xf32, #tpu.memory_space<vmem>>) dst(%dma_wait3A_311 : memref<80x128xf32, #tpu.memory_space<vmem_shared>>)
      %while3A_316 = arith.constant 0 : i32
      scf.yield %while3A_316 : i32
    }
    %lt3A_39 = arith.constant 15 : i32
    %lt3A_40 = arith.cmpi slt, %arg1, %lt3A_39 : i32
    %convert_element_type3A_41 = arith.extui %lt3A_40 : i1 to i32
    %cond3A_42 = arith.constant 0 : i32
    %cond3A_43 = arith.cmpi ne, %convert_element_type3A_41, %cond3A_42 : i32
    scf.if %cond3A_43 {
      %dma_wait3A_299 = arith.constant 0 : i32
      %dma_wait3A_300 = arith.constant 0 : i32
      %dma_wait3A_301 = arith.constant 0 : i32
      %dma_wait3A_302 = tpu.memref_slice %arg7[%dma_wait3A_299, %dma_wait3A_300, %dma_wait3A_301] : memref<4x80x128xf32, #tpu.memory_space<vmem>> -> memref<1x72x128xf32, #tpu.memory_space<vmem>>
      %dma_wait3A_303 = tpu.memref_squeeze %dma_wait3A_302 : memref<1x72x128xf32, #tpu.memory_space<vmem>> -> memref<72x128xf32, #tpu.memory_space<vmem>>
      %dma_wait3A_304 = arith.constant 0 : i32
      %dma_wait3A_305 = arith.constant 0 : i32
      %dma_wait3A_306 = tpu.memref_slice %arg11[%dma_wait3A_304, %dma_wait3A_305] : memref<10000x128xf32, #tpu.memory_space<vmem_shared>> -> memref<72x128xf32, #tpu.memory_space<vmem_shared>>
      %dma_wait3A_307 = arith.constant 0 : i32
      %dma_wait3A_308 = arith.constant 0 : i32
      %dma_wait3A_309 = tpu.memref_slice %arg11[%dma_wait3A_307, %dma_wait3A_308] : memref<10000x128xf32, #tpu.memory_space<vmem_shared>> -> memref<72x128xf32, #tpu.memory_space<vmem_shared>>
      %dma_wait3A_310 = arith.constant 0 : i32
      %dma_wait3A_311 = arith.constant 0 : i32
      %dma_wait3A_312 = tpu.memref_slice %arg7[%dma_wait3A_299, %dma_wait3A_310, %dma_wait3A_311] : memref<4x80x128xf32, #tpu.memory_space<vmem>> -> memref<1x72x128xf32, #tpu.memory_space<vmem>>
      %dma_wait3A_313 = tpu.memref_squeeze %dma_wait3A_312 : memref<1x72x128xf32, #tpu.memory_space<vmem>> -> memref<72x128xf32, #tpu.memory_space<vmem>>
      tpu.wait_dma2 semaphore(%arg9 : memref<!tpu.dma_semaphore, #tpu.memory_space<semaphore_mem>>) src(%dma_wait3A_313 : memref<72x128xf32, #tpu.memory_space<vmem>>) dst(%dma_wait3A_309 : memref<72x128xf32, #tpu.memory_space<vmem_shared>>)
    } else {
    }
    %eq3A_44 = arith.constant 15 : i32
    %eq3A_45 = arith.cmpi eq, %arg1, %eq3A_44 : i32
    %convert_element_type3A_46 = arith.extui %eq3A_45 : i1 to i32
    %cond3A_47 = arith.constant 0 : i32
    %cond3A_48 = arith.cmpi ne, %convert_element_type3A_46, %cond3A_47 : i32
    scf.if %cond3A_48 {
      %dma_wait3A_299 = arith.constant 0 : i32
      %dma_wait3A_300 = arith.constant 0 : i32
      %dma_wait3A_301 = arith.constant 0 : i32
      %dma_wait3A_302 = tpu.memref_slice %arg7[%dma_wait3A_299, %dma_wait3A_300, %dma_wait3A_301] : memref<4x80x128xf32, #tpu.memory_space<vmem>> -> memref<1x40x128xf32, #tpu.memory_space<vmem>>
      %dma_wait3A_303 = tpu.memref_squeeze %dma_wait3A_302 : memref<1x40x128xf32, #tpu.memory_space<vmem>> -> memref<40x128xf32, #tpu.memory_space<vmem>>
      %dma_wait3A_304 = arith.constant 0 : i32
      %dma_wait3A_305 = arith.constant 0 : i32
      %dma_wait3A_306 = tpu.memref_slice %arg11[%dma_wait3A_304, %dma_wait3A_305] : memref<10000x128xf32, #tpu.memory_space<vmem_shared>> -> memref<40x128xf32, #tpu.memory_space<vmem_shared>>
      %dma_wait3A_307 = arith.constant 0 : i32
      %dma_wait3A_308 = arith.constant 0 : i32
      %dma_wait3A_309 = tpu.memref_slice %arg11[%dma_wait3A_307, %dma_wait3A_308] : memref<10000x128xf32, #tpu.memory_space<vmem_shared>> -> memref<40x128xf32, #tpu.memory_space<vmem_shared>>
      %dma_wait3A_310 = arith.constant 0 : i32
      %dma_wait3A_311 = arith.constant 0 : i32
      %dma_wait3A_312 = tpu.memref_slice %arg7[%dma_wait3A_299, %dma_wait3A_310, %dma_wait3A_311] : memref<4x80x128xf32, #tpu.memory_space<vmem>> -> memref<1x40x128xf32, #tpu.memory_space<vmem>>
      %dma_wait3A_313 = tpu.memref_squeeze %dma_wait3A_312 : memref<1x40x128xf32, #tpu.memory_space<vmem>> -> memref<40x128xf32, #tpu.memory_space<vmem>>
      tpu.wait_dma2 semaphore(%arg9 : memref<!tpu.dma_semaphore, #tpu.memory_space<semaphore_mem>>) src(%dma_wait3A_313 : memref<40x128xf32, #tpu.memory_space<vmem>>) dst(%dma_wait3A_309 : memref<40x128xf32, #tpu.memory_space<vmem_shared>>)
    } else {
    }
    %barrier3A = arith.constant 0 : index
    tpu.barrier barrier_id(%barrier3A)
    %and3A = arith.constant 0 : i32
    %and3A_49 = arith.constant 7 : i32
    %and3A_50 = arith.andi %and3A, %and3A_49 : i32
    %mul3A_51 = arith.constant 10000 : i32
    %mul3A_52 = arith.muli %add3A, %mul3A_51 : i32
    %add3A_53 = arith.constant 0 : i32
    %add3A_54 = arith.addi %mul3A_52, %add3A_53 : i32
    %dma_start3A = arith.constant 0 : i32
    %dma_start3A_55 = tpu.memref_slice %arg5[%and3A_50, %dma_start3A] : memref<8x80xi32, #tpu.memory_space<vmem>> -> memref<1x80xi32, #tpu.memory_space<vmem>>
    %dma_start3A_56 = tpu.memref_squeeze %dma_start3A_55 : memref<1x80xi32, #tpu.memory_space<vmem>> -> memref<80xi32, #tpu.memory_space<vmem>>
    %dma_start3A_57 = tpu.memref_slice %arg3[%add3A_54] : memref<640000xi32, #tpu.memory_space<hbm>> -> memref<80xi32, #tpu.memory_space<hbm>>
    %dma_start3A_58 = arith.constant 0 : i32
    %dma_start3A_59 = tpu.memref_slice %arg5[%and3A_50, %dma_start3A_58] : memref<8x80xi32, #tpu.memory_space<vmem>> -> memref<1x80xi32, #tpu.memory_space<vmem>>
    %dma_start3A_60 = tpu.memref_squeeze %dma_start3A_59 : memref<1x80xi32, #tpu.memory_space<vmem>> -> memref<80xi32, #tpu.memory_space<vmem>>
    %dma_start3A_61 = tpu.memref_slice %arg3[%add3A_54] : memref<640000xi32, #tpu.memory_space<hbm>> -> memref<80xi32, #tpu.memory_space<hbm>>
    tpu.enqueue_dma source(%dma_start3A_61 : memref<80xi32, #tpu.memory_space<hbm>>) target(%dma_start3A_60 : memref<80xi32, #tpu.memory_space<vmem>>) target_semaphore(%arg9 : memref<!tpu.dma_semaphore, #tpu.memory_space<semaphore_mem>>)
    %mul3A_62 = arith.constant 10000 : i32
    %mul3A_63 = arith.muli %add3A, %mul3A_62 : i32
    %add3A_64 = arith.constant 320000 : i32
    %add3A_65 = arith.addi %add3A_64, %mul3A_63 : i32
    %add3A_66 = arith.constant 0 : i32
    %add3A_67 = arith.addi %add3A_65, %add3A_66 : i32
    %dma_start3A_68 = arith.constant 0 : i32
    %dma_start3A_69 = tpu.memref_slice %arg6[%and3A_50, %dma_start3A_68] : memref<8x80xi32, #tpu.memory_space<vmem>> -> memref<1x80xi32, #tpu.memory_space<vmem>>
    %dma_start3A_70 = tpu.memref_squeeze %dma_start3A_69 : memref<1x80xi32, #tpu.memory_space<vmem>> -> memref<80xi32, #tpu.memory_space<vmem>>
    %dma_start3A_71 = tpu.memref_slice %arg3[%add3A_67] : memref<640000xi32, #tpu.memory_space<hbm>> -> memref<80xi32, #tpu.memory_space<hbm>>
    %dma_start3A_72 = arith.constant 0 : i32
    %dma_start3A_73 = tpu.memref_slice %arg6[%and3A_50, %dma_start3A_72] : memref<8x80xi32, #tpu.memory_space<vmem>> -> memref<1x80xi32, #tpu.memory_space<vmem>>
    %dma_start3A_74 = tpu.memref_squeeze %dma_start3A_73 : memref<1x80xi32, #tpu.memory_space<vmem>> -> memref<80xi32, #tpu.memory_space<vmem>>
    %dma_start3A_75 = tpu.memref_slice %arg3[%add3A_67] : memref<640000xi32, #tpu.memory_space<hbm>> -> memref<80xi32, #tpu.memory_space<hbm>>
    tpu.enqueue_dma source(%dma_start3A_75 : memref<80xi32, #tpu.memory_space<hbm>>) target(%dma_start3A_74 : memref<80xi32, #tpu.memory_space<vmem>>) target_semaphore(%arg9 : memref<!tpu.dma_semaphore, #tpu.memory_space<semaphore_mem>>)
    %dma_wait3A = arith.constant 0 : i32
    %dma_wait3A_76 = arith.constant 0 : i32
    %dma_wait3A_77 = tpu.memref_slice %arg5[%dma_wait3A, %dma_wait3A_76] : memref<8x80xi32, #tpu.memory_space<vmem>> -> memref<1x80xi32, #tpu.memory_space<vmem>>
    %dma_wait3A_78 = tpu.memref_squeeze %dma_wait3A_77 : memref<1x80xi32, #tpu.memory_space<vmem>> -> memref<80xi32, #tpu.memory_space<vmem>>
    %dma_wait3A_79 = arith.constant 0 : i32
    %dma_wait3A_80 = tpu.memref_slice %arg3[%dma_wait3A_79] : memref<640000xi32, #tpu.memory_space<hbm>> -> memref<80xi32, #tpu.memory_space<hbm>>
    %dma_wait3A_81 = arith.constant 0 : i32
    %dma_wait3A_82 = tpu.memref_slice %arg5[%dma_wait3A, %dma_wait3A_81] : memref<8x80xi32, #tpu.memory_space<vmem>> -> memref<1x80xi32, #tpu.memory_space<vmem>>
    %dma_wait3A_83 = tpu.memref_squeeze %dma_wait3A_82 : memref<1x80xi32, #tpu.memory_space<vmem>> -> memref<80xi32, #tpu.memory_space<vmem>>
    %dma_wait3A_84 = arith.constant 0 : i32
    %dma_wait3A_85 = tpu.memref_slice %arg3[%dma_wait3A_84] : memref<640000xi32, #tpu.memory_space<hbm>> -> memref<80xi32, #tpu.memory_space<hbm>>
    tpu.wait_dma2 semaphore(%arg9 : memref<!tpu.dma_semaphore, #tpu.memory_space<semaphore_mem>>) src(%dma_wait3A_85 : memref<80xi32, #tpu.memory_space<hbm>>) dst(%dma_wait3A_83 : memref<80xi32, #tpu.memory_space<vmem>>)
    %dma_wait3A_86 = arith.constant 0 : i32
    %dma_wait3A_87 = arith.constant 0 : i32
    %dma_wait3A_88 = tpu.memref_slice %arg6[%dma_wait3A_86, %dma_wait3A_87] : memref<8x80xi32, #tpu.memory_space<vmem>> -> memref<1x80xi32, #tpu.memory_space<vmem>>
    %dma_wait3A_89 = tpu.memref_squeeze %dma_wait3A_88 : memref<1x80xi32, #tpu.memory_space<vmem>> -> memref<80xi32, #tpu.memory_space<vmem>>
    %dma_wait3A_90 = arith.constant 0 : i32
    %dma_wait3A_91 = tpu.memref_slice %arg3[%dma_wait3A_90] : memref<640000xi32, #tpu.memory_space<hbm>> -> memref<80xi32, #tpu.memory_space<hbm>>
    %dma_wait3A_92 = arith.constant 0 : i32
    %dma_wait3A_93 = tpu.memref_slice %arg6[%dma_wait3A_86, %dma_wait3A_92] : memref<8x80xi32, #tpu.memory_space<vmem>> -> memref<1x80xi32, #tpu.memory_space<vmem>>
    %dma_wait3A_94 = tpu.memref_squeeze %dma_wait3A_93 : memref<1x80xi32, #tpu.memory_space<vmem>> -> memref<80xi32, #tpu.memory_space<vmem>>
    %dma_wait3A_95 = arith.constant 0 : i32
    %dma_wait3A_96 = tpu.memref_slice %arg3[%dma_wait3A_95] : memref<640000xi32, #tpu.memory_space<hbm>> -> memref<80xi32, #tpu.memory_space<hbm>>
    tpu.wait_dma2 semaphore(%arg9 : memref<!tpu.dma_semaphore, #tpu.memory_space<semaphore_mem>>) src(%dma_wait3A_96 : memref<80xi32, #tpu.memory_space<hbm>>) dst(%dma_wait3A_94 : memref<80xi32, #tpu.memory_space<vmem>>)
    %and3A_97 = arith.constant 0 : i32
    %and3A_98 = arith.constant 3 : i32
    %and3A_99 = arith.andi %and3A_97, %and3A_98 : i32
    %and3A_100 = arith.constant 0 : i32
    %and3A_101 = arith.constant 7 : i32
    %and3A_102 = arith.andi %and3A_100, %and3A_101 : i32
    %dma_start3A_103 = arith.constant 0 : i32
    %dma_start3A_104 = arith.constant 0 : i32
    %dma_start3A_105 = tpu.memref_slice %arg7[%and3A_99, %dma_start3A_103, %dma_start3A_104] : memref<4x80x128xf32, #tpu.memory_space<vmem>> -> memref<1x80x128xf32, #tpu.memory_space<vmem>>
    %dma_start3A_106 = tpu.memref_squeeze %dma_start3A_105 : memref<1x80x128xf32, #tpu.memory_space<vmem>> -> memref<80x128xf32, #tpu.memory_space<vmem>>
    %dma_start3A_107 = arith.constant 0 : i32
    %dma_start3A_108 = tpu.memref_slice %arg5[%and3A_102, %dma_start3A_107] : memref<8x80xi32, #tpu.memory_space<vmem>> -> memref<1x80xi32, #tpu.memory_space<vmem>>
    %dma_start3A_109 = tpu.memref_squeeze %dma_start3A_108 : memref<1x80xi32, #tpu.memory_space<vmem>> -> memref<80xi32, #tpu.memory_space<vmem>>
    %dma_start3A_110 = arith.constant 0 : i32
    %dma_start3A_111 = arith.constant 0 : i32
    %dma_start3A_112 = tpu.memref_slice %arg2[%dma_start3A_110, %dma_start3A_111] : memref<10000x128xf32, #tpu.memory_space<hbm>> -> memref<10000x128xf32, #tpu.memory_space<hbm>>
    %dma_start3A_113 = tpu.memref_slice %arg8[%and3A_99] : memref<4x!tpu.dma_semaphore, #tpu.memory_space<semaphore_mem>> -> memref<1x!tpu.dma_semaphore, #tpu.memory_space<semaphore_mem>>
    %dma_start3A_114 = tpu.memref_squeeze %dma_start3A_113 : memref<1x!tpu.dma_semaphore, #tpu.memory_space<semaphore_mem>> -> memref<!tpu.dma_semaphore, #tpu.memory_space<semaphore_mem>>
    tpu.enqueue_indirect_dma source(%dma_start3A_112 : memref<10000x128xf32, #tpu.memory_space<hbm>>) target(%dma_start3A_106 : memref<80x128xf32, #tpu.memory_space<vmem>>) offsets(%dma_start3A_109 : memref<80xi32, #tpu.memory_space<vmem>>) semaphore(%dma_start3A_114 : memref<!tpu.dma_semaphore, #tpu.memory_space<semaphore_mem>>)
    %and3A_115 = arith.constant 1 : i32
    %and3A_116 = arith.constant 7 : i32
    %and3A_117 = arith.andi %and3A_115, %and3A_116 : i32
    %mul3A_118 = arith.constant 10000 : i32
    %mul3A_119 = arith.muli %add3A, %mul3A_118 : i32
    %add3A_120 = arith.constant 80 : i32
    %add3A_121 = arith.addi %mul3A_119, %add3A_120 : i32
    %dma_start3A_122 = arith.constant 0 : i32
    %dma_start3A_123 = tpu.memref_slice %arg5[%and3A_117, %dma_start3A_122] : memref<8x80xi32, #tpu.memory_space<vmem>> -> memref<1x80xi32, #tpu.memory_space<vmem>>
    %dma_start3A_124 = tpu.memref_squeeze %dma_start3A_123 : memref<1x80xi32, #tpu.memory_space<vmem>> -> memref<80xi32, #tpu.memory_space<vmem>>
    %dma_start3A_125 = tpu.memref_slice %arg3[%add3A_121] : memref<640000xi32, #tpu.memory_space<hbm>> -> memref<80xi32, #tpu.memory_space<hbm>>
    %dma_start3A_126 = arith.constant 0 : i32
    %dma_start3A_127 = tpu.memref_slice %arg5[%and3A_117, %dma_start3A_126] : memref<8x80xi32, #tpu.memory_space<vmem>> -> memref<1x80xi32, #tpu.memory_space<vmem>>
    %dma_start3A_128 = tpu.memref_squeeze %dma_start3A_127 : memref<1x80xi32, #tpu.memory_space<vmem>> -> memref<80xi32, #tpu.memory_space<vmem>>
    %dma_start3A_129 = tpu.memref_slice %arg3[%add3A_121] : memref<640000xi32, #tpu.memory_space<hbm>> -> memref<80xi32, #tpu.memory_space<hbm>>
    tpu.enqueue_dma source(%dma_start3A_129 : memref<80xi32, #tpu.memory_space<hbm>>) target(%dma_start3A_128 : memref<80xi32, #tpu.memory_space<vmem>>) target_semaphore(%arg9 : memref<!tpu.dma_semaphore, #tpu.memory_space<semaphore_mem>>)
    %mul3A_130 = arith.constant 10000 : i32
    %mul3A_131 = arith.muli %add3A, %mul3A_130 : i32
    %add3A_132 = arith.constant 320000 : i32
    %add3A_133 = arith.addi %add3A_132, %mul3A_131 : i32
    %add3A_134 = arith.constant 80 : i32
    %add3A_135 = arith.addi %add3A_133, %add3A_134 : i32
    %dma_start3A_136 = arith.constant 0 : i32
    %dma_start3A_137 = tpu.memref_slice %arg6[%and3A_117, %dma_start3A_136] : memref<8x80xi32, #tpu.memory_space<vmem>> -> memref<1x80xi32, #tpu.memory_space<vmem>>
    %dma_start3A_138 = tpu.memref_squeeze %dma_start3A_137 : memref<1x80xi32, #tpu.memory_space<vmem>> -> memref<80xi32, #tpu.memory_space<vmem>>
    %dma_start3A_139 = tpu.memref_slice %arg3[%add3A_135] : memref<640000xi32, #tpu.memory_space<hbm>> -> memref<80xi32, #tpu.memory_space<hbm>>
    %dma_start3A_140 = arith.constant 0 : i32
    %dma_start3A_141 = tpu.memref_slice %arg6[%and3A_117, %dma_start3A_140] : memref<8x80xi32, #tpu.memory_space<vmem>> -> memref<1x80xi32, #tpu.memory_space<vmem>>
    %dma_start3A_142 = tpu.memref_squeeze %dma_start3A_141 : memref<1x80xi32, #tpu.memory_space<vmem>> -> memref<80xi32, #tpu.memory_space<vmem>>
    %dma_start3A_143 = tpu.memref_slice %arg3[%add3A_135] : memref<640000xi32, #tpu.memory_space<hbm>> -> memref<80xi32, #tpu.memory_space<hbm>>
    tpu.enqueue_dma source(%dma_start3A_143 : memref<80xi32, #tpu.memory_space<hbm>>) target(%dma_start3A_142 : memref<80xi32, #tpu.memory_space<vmem>>) target_semaphore(%arg9 : memref<!tpu.dma_semaphore, #tpu.memory_space<semaphore_mem>>)
    %dma_wait3A_144 = arith.constant 0 : i32
    %dma_wait3A_145 = arith.constant 0 : i32
    %dma_wait3A_146 = tpu.memref_slice %arg5[%dma_wait3A_144, %dma_wait3A_145] : memref<8x80xi32, #tpu.memory_space<vmem>> -> memref<1x80xi32, #tpu.memory_space<vmem>>
    %dma_wait3A_147 = tpu.memref_squeeze %dma_wait3A_146 : memref<1x80xi32, #tpu.memory_space<vmem>> -> memref<80xi32, #tpu.memory_space<vmem>>
    %dma_wait3A_148 = arith.constant 0 : i32
    %dma_wait3A_149 = tpu.memref_slice %arg3[%dma_wait3A_148] : memref<640000xi32, #tpu.memory_space<hbm>> -> memref<80xi32, #tpu.memory_space<hbm>>
    %dma_wait3A_150 = arith.constant 0 : i32
    %dma_wait3A_151 = tpu.memref_slice %arg5[%dma_wait3A_144, %dma_wait3A_150] : memref<8x80xi32, #tpu.memory_space<vmem>> -> memref<1x80xi32, #tpu.memory_space<vmem>>
    %dma_wait3A_152 = tpu.memref_squeeze %dma_wait3A_151 : memref<1x80xi32, #tpu.memory_space<vmem>> -> memref<80xi32, #tpu.memory_space<vmem>>
    %dma_wait3A_153 = arith.constant 0 : i32
    %dma_wait3A_154 = tpu.memref_slice %arg3[%dma_wait3A_153] : memref<640000xi32, #tpu.memory_space<hbm>> -> memref<80xi32, #tpu.memory_space<hbm>>
    tpu.wait_dma2 semaphore(%arg9 : memref<!tpu.dma_semaphore, #tpu.memory_space<semaphore_mem>>) src(%dma_wait3A_154 : memref<80xi32, #tpu.memory_space<hbm>>) dst(%dma_wait3A_152 : memref<80xi32, #tpu.memory_space<vmem>>)
    %dma_wait3A_155 = arith.constant 0 : i32
    %dma_wait3A_156 = arith.constant 0 : i32
    %dma_wait3A_157 = tpu.memref_slice %arg6[%dma_wait3A_155, %dma_wait3A_156] : memref<8x80xi32, #tpu.memory_space<vmem>> -> memref<1x80xi32, #tpu.memory_space<vmem>>
    %dma_wait3A_158 = tpu.memref_squeeze %dma_wait3A_157 : memref<1x80xi32, #tpu.memory_space<vmem>> -> memref<80xi32, #tpu.memory_space<vmem>>
    %dma_wait3A_159 = arith.constant 0 : i32
    %dma_wait3A_160 = tpu.memref_slice %arg3[%dma_wait3A_159] : memref<640000xi32, #tpu.memory_space<hbm>> -> memref<80xi32, #tpu.memory_space<hbm>>
    %dma_wait3A_161 = arith.constant 0 : i32
    %dma_wait3A_162 = tpu.memref_slice %arg6[%dma_wait3A_155, %dma_wait3A_161] : memref<8x80xi32, #tpu.memory_space<vmem>> -> memref<1x80xi32, #tpu.memory_space<vmem>>
    %dma_wait3A_163 = tpu.memref_squeeze %dma_wait3A_162 : memref<1x80xi32, #tpu.memory_space<vmem>> -> memref<80xi32, #tpu.memory_space<vmem>>
    %dma_wait3A_164 = arith.constant 0 : i32
    %dma_wait3A_165 = tpu.memref_slice %arg3[%dma_wait3A_164] : memref<640000xi32, #tpu.memory_space<hbm>> -> memref<80xi32, #tpu.memory_space<hbm>>
    tpu.wait_dma2 semaphore(%arg9 : memref<!tpu.dma_semaphore, #tpu.memory_space<semaphore_mem>>) src(%dma_wait3A_165 : memref<80xi32, #tpu.memory_space<hbm>>) dst(%dma_wait3A_163 : memref<80xi32, #tpu.memory_space<vmem>>)
    %and3A_166 = arith.constant 1 : i32
    %and3A_167 = arith.constant 3 : i32
    %and3A_168 = arith.andi %and3A_166, %and3A_167 : i32
    %and3A_169 = arith.constant 1 : i32
    %and3A_170 = arith.constant 7 : i32
    %and3A_171 = arith.andi %and3A_169, %and3A_170 : i32
    %dma_start3A_172 = arith.constant 0 : i32
    %dma_start3A_173 = arith.constant 0 : i32
    %dma_start3A_174 = tpu.memref_slice %arg7[%and3A_168, %dma_start3A_172, %dma_start3A_173] : memref<4x80x128xf32, #tpu.memory_space<vmem>> -> memref<1x80x128xf32, #tpu.memory_space<vmem>>
    %dma_start3A_175 = tpu.memref_squeeze %dma_start3A_174 : memref<1x80x128xf32, #tpu.memory_space<vmem>> -> memref<80x128xf32, #tpu.memory_space<vmem>>
    %dma_start3A_176 = arith.constant 0 : i32
    %dma_start3A_177 = tpu.memref_slice %arg5[%and3A_171, %dma_start3A_176] : memref<8x80xi32, #tpu.memory_space<vmem>> -> memref<1x80xi32, #tpu.memory_space<vmem>>
    %dma_start3A_178 = tpu.memref_squeeze %dma_start3A_177 : memref<1x80xi32, #tpu.memory_space<vmem>> -> memref<80xi32, #tpu.memory_space<vmem>>
    %dma_start3A_179 = arith.constant 0 : i32
    %dma_start3A_180 = arith.constant 0 : i32
    %dma_start3A_181 = tpu.memref_slice %arg2[%dma_start3A_179, %dma_start3A_180] : memref<10000x128xf32, #tpu.memory_space<hbm>> -> memref<10000x128xf32, #tpu.memory_space<hbm>>
    %dma_start3A_182 = tpu.memref_slice %arg8[%and3A_168] : memref<4x!tpu.dma_semaphore, #tpu.memory_space<semaphore_mem>> -> memref<1x!tpu.dma_semaphore, #tpu.memory_space<semaphore_mem>>
    %dma_start3A_183 = tpu.memref_squeeze %dma_start3A_182 : memref<1x!tpu.dma_semaphore, #tpu.memory_space<semaphore_mem>> -> memref<!tpu.dma_semaphore, #tpu.memory_space<semaphore_mem>>
    tpu.enqueue_indirect_dma source(%dma_start3A_181 : memref<10000x128xf32, #tpu.memory_space<hbm>>) target(%dma_start3A_175 : memref<80x128xf32, #tpu.memory_space<vmem>>) offsets(%dma_start3A_178 : memref<80xi32, #tpu.memory_space<vmem>>) semaphore(%dma_start3A_183 : memref<!tpu.dma_semaphore, #tpu.memory_space<semaphore_mem>>)
    %and3A_184 = arith.constant 2 : i32
    %and3A_185 = arith.constant 7 : i32
    %and3A_186 = arith.andi %and3A_184, %and3A_185 : i32
    %mul3A_187 = arith.constant 10000 : i32
    %mul3A_188 = arith.muli %add3A, %mul3A_187 : i32
    %add3A_189 = arith.constant 160 : i32
    %add3A_190 = arith.addi %mul3A_188, %add3A_189 : i32
    %dma_start3A_191 = arith.constant 0 : i32
    %dma_start3A_192 = tpu.memref_slice %arg5[%and3A_186, %dma_start3A_191] : memref<8x80xi32, #tpu.memory_space<vmem>> -> memref<1x80xi32, #tpu.memory_space<vmem>>
    %dma_start3A_193 = tpu.memref_squeeze %dma_start3A_192 : memref<1x80xi32, #tpu.memory_space<vmem>> -> memref<80xi32, #tpu.memory_space<vmem>>
    %dma_start3A_194 = tpu.memref_slice %arg3[%add3A_190] : memref<640000xi32, #tpu.memory_space<hbm>> -> memref<80xi32, #tpu.memory_space<hbm>>
    %dma_start3A_195 = arith.constant 0 : i32
    %dma_start3A_196 = tpu.memref_slice %arg5[%and3A_186, %dma_start3A_195] : memref<8x80xi32, #tpu.memory_space<vmem>> -> memref<1x80xi32, #tpu.memory_space<vmem>>
    %dma_start3A_197 = tpu.memref_squeeze %dma_start3A_196 : memref<1x80xi32, #tpu.memory_space<vmem>> -> memref<80xi32, #tpu.memory_space<vmem>>
    %dma_start3A_198 = tpu.memref_slice %arg3[%add3A_190] : memref<640000xi32, #tpu.memory_space<hbm>> -> memref<80xi32, #tpu.memory_space<hbm>>
    tpu.enqueue_dma source(%dma_start3A_198 : memref<80xi32, #tpu.memory_space<hbm>>) target(%dma_start3A_197 : memref<80xi32, #tpu.memory_space<vmem>>) target_semaphore(%arg9 : memref<!tpu.dma_semaphore, #tpu.memory_space<semaphore_mem>>)
    %mul3A_199 = arith.constant 10000 : i32
    %mul3A_200 = arith.muli %add3A, %mul3A_199 : i32
    %add3A_201 = arith.constant 320000 : i32
    %add3A_202 = arith.addi %add3A_201, %mul3A_200 : i32
    %add3A_203 = arith.constant 160 : i32
    %add3A_204 = arith.addi %add3A_202, %add3A_203 : i32
    %dma_start3A_205 = arith.constant 0 : i32
    %dma_start3A_206 = tpu.memref_slice %arg6[%and3A_186, %dma_start3A_205] : memref<8x80xi32, #tpu.memory_space<vmem>> -> memref<1x80xi32, #tpu.memory_space<vmem>>
    %dma_start3A_207 = tpu.memref_squeeze %dma_start3A_206 : memref<1x80xi32, #tpu.memory_space<vmem>> -> memref<80xi32, #tpu.memory_space<vmem>>
    %dma_start3A_208 = tpu.memref_slice %arg3[%add3A_204] : memref<640000xi32, #tpu.memory_space<hbm>> -> memref<80xi32, #tpu.memory_space<hbm>>
    %dma_start3A_209 = arith.constant 0 : i32
    %dma_start3A_210 = tpu.memref_slice %arg6[%and3A_186, %dma_start3A_209] : memref<8x80xi32, #tpu.memory_space<vmem>> -> memref<1x80xi32, #tpu.memory_space<vmem>>
    %dma_start3A_211 = tpu.memref_squeeze %dma_start3A_210 : memref<1x80xi32, #tpu.memory_space<vmem>> -> memref<80xi32, #tpu.memory_space<vmem>>
    %dma_start3A_212 = tpu.memref_slice %arg3[%add3A_204] : memref<640000xi32, #tpu.memory_space<hbm>> -> memref<80xi32, #tpu.memory_space<hbm>>
    tpu.enqueue_dma source(%dma_start3A_212 : memref<80xi32, #tpu.memory_space<hbm>>) target(%dma_start3A_211 : memref<80xi32, #tpu.memory_space<vmem>>) target_semaphore(%arg9 : memref<!tpu.dma_semaphore, #tpu.memory_space<semaphore_mem>>)
    %scan3A_213 = arith.constant 0 : i32
    %scan3A_214 = arith.constant 0 : i32
    %scan3A_215 = arith.constant 125 : i32
    %scan3A_216 = arith.addi %scan3A_214, %scan3A_215 : i32
    %scan3A_217 = arith.constant 1 : i32
    %scan3A_218 = scf.for %scan3A_299 = %scan3A_214 to %scan3A_216 step %scan3A_217 iter_args(%scan3A_300 = %scan3A_213) -> (i32)  : i32 {
      %add3A_301 = arith.constant 2 : i32
      %add3A_302 = arith.addi %scan3A_299, %add3A_301 : i32
      %lt3A_303 = arith.constant 125 : i32
      %lt3A_304 = arith.cmpi slt, %add3A_302, %lt3A_303 : i32
      %convert_element_type3A_305 = arith.extui %lt3A_304 : i1 to i32
      %cond3A_306 = arith.constant 0 : i32
      %cond3A_307 = arith.cmpi ne, %convert_element_type3A_305, %cond3A_306 : i32
      scf.if %cond3A_307 {
        %dma_wait3A_348 = arith.constant 0 : i32
        %dma_wait3A_349 = arith.constant 0 : i32
        %dma_wait3A_350 = tpu.memref_slice %arg5[%dma_wait3A_348, %dma_wait3A_349] : memref<8x80xi32, #tpu.memory_space<vmem>> -> memref<1x80xi32, #tpu.memory_space<vmem>>
        %dma_wait3A_351 = tpu.memref_squeeze %dma_wait3A_350 : memref<1x80xi32, #tpu.memory_space<vmem>> -> memref<80xi32, #tpu.memory_space<vmem>>
        %dma_wait3A_352 = arith.constant 0 : i32
        %dma_wait3A_353 = tpu.memref_slice %arg3[%dma_wait3A_352] : memref<640000xi32, #tpu.memory_space<hbm>> -> memref<80xi32, #tpu.memory_space<hbm>>
        %dma_wait3A_354 = arith.constant 0 : i32
        %dma_wait3A_355 = tpu.memref_slice %arg5[%dma_wait3A_348, %dma_wait3A_354] : memref<8x80xi32, #tpu.memory_space<vmem>> -> memref<1x80xi32, #tpu.memory_space<vmem>>
        %dma_wait3A_356 = tpu.memref_squeeze %dma_wait3A_355 : memref<1x80xi32, #tpu.memory_space<vmem>> -> memref<80xi32, #tpu.memory_space<vmem>>
        %dma_wait3A_357 = arith.constant 0 : i32
        %dma_wait3A_358 = tpu.memref_slice %arg3[%dma_wait3A_357] : memref<640000xi32, #tpu.memory_space<hbm>> -> memref<80xi32, #tpu.memory_space<hbm>>
        tpu.wait_dma2 semaphore(%arg9 : memref<!tpu.dma_semaphore, #tpu.memory_space<semaphore_mem>>) src(%dma_wait3A_358 : memref<80xi32, #tpu.memory_space<hbm>>) dst(%dma_wait3A_356 : memref<80xi32, #tpu.memory_space<vmem>>)
        %dma_wait3A_359 = arith.constant 0 : i32
        %dma_wait3A_360 = arith.constant 0 : i32
        %dma_wait3A_361 = tpu.memref_slice %arg6[%dma_wait3A_359, %dma_wait3A_360] : memref<8x80xi32, #tpu.memory_space<vmem>> -> memref<1x80xi32, #tpu.memory_space<vmem>>
        %dma_wait3A_362 = tpu.memref_squeeze %dma_wait3A_361 : memref<1x80xi32, #tpu.memory_space<vmem>> -> memref<80xi32, #tpu.memory_space<vmem>>
        %dma_wait3A_363 = arith.constant 0 : i32
        %dma_wait3A_364 = tpu.memref_slice %arg3[%dma_wait3A_363] : memref<640000xi32, #tpu.memory_space<hbm>> -> memref<80xi32, #tpu.memory_space<hbm>>
        %dma_wait3A_365 = arith.constant 0 : i32
        %dma_wait3A_366 = tpu.memref_slice %arg6[%dma_wait3A_359, %dma_wait3A_365] : memref<8x80xi32, #tpu.memory_space<vmem>> -> memref<1x80xi32, #tpu.memory_space<vmem>>
        %dma_wait3A_367 = tpu.memref_squeeze %dma_wait3A_366 : memref<1x80xi32, #tpu.memory_space<vmem>> -> memref<80xi32, #tpu.memory_space<vmem>>
        %dma_wait3A_368 = arith.constant 0 : i32
        %dma_wait3A_369 = tpu.memref_slice %arg3[%dma_wait3A_368] : memref<640000xi32, #tpu.memory_space<hbm>> -> memref<80xi32, #tpu.memory_space<hbm>>
        tpu.wait_dma2 semaphore(%arg9 : memref<!tpu.dma_semaphore, #tpu.memory_space<semaphore_mem>>) src(%dma_wait3A_369 : memref<80xi32, #tpu.memory_space<hbm>>) dst(%dma_wait3A_367 : memref<80xi32, #tpu.memory_space<vmem>>)
        %ge3A = arith.constant 2 : i32
        %ge3A_370 = arith.cmpi sge, %scan3A_299, %ge3A : i32
        %convert_element_type3A_371 = arith.extui %ge3A_370 : i1 to i32
        %cond3A_372 = arith.constant 0 : i32
        %cond3A_373 = arith.cmpi ne, %convert_element_type3A_371, %cond3A_372 : i32
        scf.if %cond3A_373 {
          %sub3A = arith.constant 2 : i32
          %sub3A_393 = arith.subi %scan3A_299, %sub3A : i32
          %and3A_394 = arith.constant 3 : i32
          %and3A_395 = arith.andi %sub3A_393, %and3A_394 : i32
          %dma_wait3A_396 = arith.constant 0 : i32
          %dma_wait3A_397 = arith.constant 0 : i32
          %dma_wait3A_398 = arith.constant 0 : i32
          %dma_wait3A_399 = arith.constant 0 : i32
          %dma_wait3A_400 = tpu.memref_slice %arg7[%dma_wait3A_397, %dma_wait3A_398, %dma_wait3A_399] : memref<4x80x128xf32, #tpu.memory_space<vmem>> -> memref<1x80x128xf32, #tpu.memory_space<vmem>>
          %dma_wait3A_401 = tpu.memref_squeeze %dma_wait3A_400 : memref<1x80x128xf32, #tpu.memory_space<vmem>> -> memref<80x128xf32, #tpu.memory_space<vmem>>
          %dma_wait3A_402 = arith.constant 0 : i32
          %dma_wait3A_403 = tpu.memref_slice %arg5[%dma_wait3A_396, %dma_wait3A_402] : memref<8x80xi32, #tpu.memory_space<vmem>> -> memref<1x80xi32, #tpu.memory_space<vmem>>
          %dma_wait3A_404 = tpu.memref_squeeze %dma_wait3A_403 : memref<1x80xi32, #tpu.memory_space<vmem>> -> memref<80xi32, #tpu.memory_space<vmem>>
          %dma_wait3A_405 = arith.constant 0 : i32
          %dma_wait3A_406 = arith.constant 0 : i32
          %dma_wait3A_407 = tpu.memref_slice %arg2[%dma_wait3A_405, %dma_wait3A_406] : memref<10000x128xf32, #tpu.memory_space<hbm>> -> memref<10000x128xf32, #tpu.memory_space<hbm>>
          %dma_wait3A_408 = tpu.memref_slice %arg10[%and3A_395] : memref<4x!tpu.dma_semaphore, #tpu.memory_space<semaphore_mem>> -> memref<1x!tpu.dma_semaphore, #tpu.memory_space<semaphore_mem>>
          %dma_wait3A_409 = tpu.memref_squeeze %dma_wait3A_408 : memref<1x!tpu.dma_semaphore, #tpu.memory_space<semaphore_mem>> -> memref<!tpu.dma_semaphore, #tpu.memory_space<semaphore_mem>>
          tpu.wait_indirect_dma semaphore(%dma_wait3A_409 : memref<!tpu.dma_semaphore, #tpu.memory_space<semaphore_mem>>) src(%dma_wait3A_407 : memref<10000x128xf32, #tpu.memory_space<hbm>>) dst(%dma_wait3A_401 : memref<80x128xf32, #tpu.memory_space<vmem>>)
        } else {
        }
        %add3A_374 = arith.constant 2 : i32
        %add3A_375 = arith.addi %scan3A_299, %add3A_374 : i32
        %min3A = arith.constant 124 : i32
        %min3A_376 = arith.minsi %add3A_375, %min3A : i32
        %and3A_377 = arith.constant 3 : i32
        %and3A_378 = arith.andi %min3A_376, %and3A_377 : i32
        %and3A_379 = arith.constant 7 : i32
        %and3A_380 = arith.andi %min3A_376, %and3A_379 : i32
        %dma_start3A_381 = arith.constant 0 : i32
        %dma_start3A_382 = arith.constant 0 : i32
        %dma_start3A_383 = tpu.memref_slice %arg7[%and3A_378, %dma_start3A_381, %dma_start3A_382] : memref<4x80x128xf32, #tpu.memory_space<vmem>> -> memref<1x80x128xf32, #tpu.memory_space<vmem>>
        %dma_start3A_384 = tpu.memref_squeeze %dma_start3A_383 : memref<1x80x128xf32, #tpu.memory_space<vmem>> -> memref<80x128xf32, #tpu.memory_space<vmem>>
        %dma_start3A_385 = arith.constant 0 : i32
        %dma_start3A_386 = tpu.memref_slice %arg5[%and3A_380, %dma_start3A_385] : memref<8x80xi32, #tpu.memory_space<vmem>> -> memref<1x80xi32, #tpu.memory_space<vmem>>
        %dma_start3A_387 = tpu.memref_squeeze %dma_start3A_386 : memref<1x80xi32, #tpu.memory_space<vmem>> -> memref<80xi32, #tpu.memory_space<vmem>>
        %dma_start3A_388 = arith.constant 0 : i32
        %dma_start3A_389 = arith.constant 0 : i32
        %dma_start3A_390 = tpu.memref_slice %arg2[%dma_start3A_388, %dma_start3A_389] : memref<10000x128xf32, #tpu.memory_space<hbm>> -> memref<10000x128xf32, #tpu.memory_space<hbm>>
        %dma_start3A_391 = tpu.memref_slice %arg8[%and3A_378] : memref<4x!tpu.dma_semaphore, #tpu.memory_space<semaphore_mem>> -> memref<1x!tpu.dma_semaphore, #tpu.memory_space<semaphore_mem>>
        %dma_start3A_392 = tpu.memref_squeeze %dma_start3A_391 : memref<1x!tpu.dma_semaphore, #tpu.memory_space<semaphore_mem>> -> memref<!tpu.dma_semaphore, #tpu.memory_space<semaphore_mem>>
        tpu.enqueue_indirect_dma source(%dma_start3A_390 : memref<10000x128xf32, #tpu.memory_space<hbm>>) target(%dma_start3A_384 : memref<80x128xf32, #tpu.memory_space<vmem>>) offsets(%dma_start3A_387 : memref<80xi32, #tpu.memory_space<vmem>>) semaphore(%dma_start3A_392 : memref<!tpu.dma_semaphore, #tpu.memory_space<semaphore_mem>>)
      } else {
      }
      %add3A_308 = arith.constant 3 : i32
      %add3A_309 = arith.addi %scan3A_299, %add3A_308 : i32
      %lt3A_310 = arith.constant 125 : i32
      %lt3A_311 = arith.cmpi slt, %add3A_309, %lt3A_310 : i32
      %convert_element_type3A_312 = arith.extui %lt3A_311 : i1 to i32
      %cond3A_313 = arith.constant 0 : i32
      %cond3A_314 = arith.cmpi ne, %convert_element_type3A_312, %cond3A_313 : i32
      scf.if %cond3A_314 {
        %add3A_348 = arith.constant 3 : i32
        %add3A_349 = arith.addi %scan3A_299, %add3A_348 : i32
        %min3A = arith.constant 124 : i32
        %min3A_350 = arith.minsi %add3A_349, %min3A : i32
        %and3A_351 = arith.constant 7 : i32
        %and3A_352 = arith.andi %min3A_350, %and3A_351 : i32
        %mul3A_353 = arith.constant 10000 : i32
        %mul3A_354 = arith.muli %add3A, %mul3A_353 : i32
        %mul3A_355 = arith.constant 80 : i32
        %mul3A_356 = arith.muli %min3A_350, %mul3A_355 : i32
        %add3A_357 = arith.addi %mul3A_354, %mul3A_356 : i32
        %dma_start3A_358 = arith.constant 0 : i32
        %dma_start3A_359 = tpu.memref_slice %arg5[%and3A_352, %dma_start3A_358] : memref<8x80xi32, #tpu.memory_space<vmem>> -> memref<1x80xi32, #tpu.memory_space<vmem>>
        %dma_start3A_360 = tpu.memref_squeeze %dma_start3A_359 : memref<1x80xi32, #tpu.memory_space<vmem>> -> memref<80xi32, #tpu.memory_space<vmem>>
        %dma_start3A_361 = tpu.memref_slice %arg3[%add3A_357] : memref<640000xi32, #tpu.memory_space<hbm>> -> memref<80xi32, #tpu.memory_space<hbm>>
        %dma_start3A_362 = arith.constant 0 : i32
        %dma_start3A_363 = tpu.memref_slice %arg5[%and3A_352, %dma_start3A_362] : memref<8x80xi32, #tpu.memory_space<vmem>> -> memref<1x80xi32, #tpu.memory_space<vmem>>
        %dma_start3A_364 = tpu.memref_squeeze %dma_start3A_363 : memref<1x80xi32, #tpu.memory_space<vmem>> -> memref<80xi32, #tpu.memory_space<vmem>>
        %dma_start3A_365 = tpu.memref_slice %arg3[%add3A_357] : memref<640000xi32, #tpu.memory_space<hbm>> -> memref<80xi32, #tpu.memory_space<hbm>>
        tpu.enqueue_dma source(%dma_start3A_365 : memref<80xi32, #tpu.memory_space<hbm>>) target(%dma_start3A_364 : memref<80xi32, #tpu.memory_space<vmem>>) target_semaphore(%arg9 : memref<!tpu.dma_semaphore, #tpu.memory_space<semaphore_mem>>)
        %mul3A_366 = arith.constant 10000 : i32
        %mul3A_367 = arith.muli %add3A, %mul3A_366 : i32
        %add3A_368 = arith.constant 320000 : i32
        %add3A_369 = arith.addi %add3A_368, %mul3A_367 : i32
        %mul3A_370 = arith.constant 80 : i32
        %mul3A_371 = arith.muli %min3A_350, %mul3A_370 : i32
        %add3A_372 = arith.addi %add3A_369, %mul3A_371 : i32
        %dma_start3A_373 = arith.constant 0 : i32
        %dma_start3A_374 = tpu.memref_slice %arg6[%and3A_352, %dma_start3A_373] : memref<8x80xi32, #tpu.memory_space<vmem>> -> memref<1x80xi32, #tpu.memory_space<vmem>>
        %dma_start3A_375 = tpu.memref_squeeze %dma_start3A_374 : memref<1x80xi32, #tpu.memory_space<vmem>> -> memref<80xi32, #tpu.memory_space<vmem>>
        %dma_start3A_376 = tpu.memref_slice %arg3[%add3A_372] : memref<640000xi32, #tpu.memory_space<hbm>> -> memref<80xi32, #tpu.memory_space<hbm>>
        %dma_start3A_377 = arith.constant 0 : i32
        %dma_start3A_378 = tpu.memref_slice %arg6[%and3A_352, %dma_start3A_377] : memref<8x80xi32, #tpu.memory_space<vmem>> -> memref<1x80xi32, #tpu.memory_space<vmem>>
        %dma_start3A_379 = tpu.memref_squeeze %dma_start3A_378 : memref<1x80xi32, #tpu.memory_space<vmem>> -> memref<80xi32, #tpu.memory_space<vmem>>
        %dma_start3A_380 = tpu.memref_slice %arg3[%add3A_372] : memref<640000xi32, #tpu.memory_space<hbm>> -> memref<80xi32, #tpu.memory_space<hbm>>
        tpu.enqueue_dma source(%dma_start3A_380 : memref<80xi32, #tpu.memory_space<hbm>>) target(%dma_start3A_379 : memref<80xi32, #tpu.memory_space<vmem>>) target_semaphore(%arg9 : memref<!tpu.dma_semaphore, #tpu.memory_space<semaphore_mem>>)
      } else {
      }
      %and3A_315 = arith.constant 3 : i32
      %and3A_316 = arith.andi %scan3A_299, %and3A_315 : i32
      %dma_wait3A_317 = arith.constant 0 : i32
      %dma_wait3A_318 = arith.constant 0 : i32
      %dma_wait3A_319 = arith.constant 0 : i32
      %dma_wait3A_320 = arith.constant 0 : i32
      %dma_wait3A_321 = tpu.memref_slice %arg7[%dma_wait3A_318, %dma_wait3A_319, %dma_wait3A_320] : memref<4x80x128xf32, #tpu.memory_space<vmem>> -> memref<1x80x128xf32, #tpu.memory_space<vmem>>
      %dma_wait3A_322 = tpu.memref_squeeze %dma_wait3A_321 : memref<1x80x128xf32, #tpu.memory_space<vmem>> -> memref<80x128xf32, #tpu.memory_space<vmem>>
      %dma_wait3A_323 = arith.constant 0 : i32
      %dma_wait3A_324 = tpu.memref_slice %arg5[%dma_wait3A_317, %dma_wait3A_323] : memref<8x80xi32, #tpu.memory_space<vmem>> -> memref<1x80xi32, #tpu.memory_space<vmem>>
      %dma_wait3A_325 = tpu.memref_squeeze %dma_wait3A_324 : memref<1x80xi32, #tpu.memory_space<vmem>> -> memref<80xi32, #tpu.memory_space<vmem>>
      %dma_wait3A_326 = arith.constant 0 : i32
      %dma_wait3A_327 = arith.constant 0 : i32
      %dma_wait3A_328 = tpu.memref_slice %arg2[%dma_wait3A_326, %dma_wait3A_327] : memref<10000x128xf32, #tpu.memory_space<hbm>> -> memref<10000x128xf32, #tpu.memory_space<hbm>>
      %dma_wait3A_329 = tpu.memref_slice %arg8[%and3A_316] : memref<4x!tpu.dma_semaphore, #tpu.memory_space<semaphore_mem>> -> memref<1x!tpu.dma_semaphore, #tpu.memory_space<semaphore_mem>>
      %dma_wait3A_330 = tpu.memref_squeeze %dma_wait3A_329 : memref<1x!tpu.dma_semaphore, #tpu.memory_space<semaphore_mem>> -> memref<!tpu.dma_semaphore, #tpu.memory_space<semaphore_mem>>
      tpu.wait_indirect_dma semaphore(%dma_wait3A_330 : memref<!tpu.dma_semaphore, #tpu.memory_space<semaphore_mem>>) src(%dma_wait3A_328 : memref<10000x128xf32, #tpu.memory_space<hbm>>) dst(%dma_wait3A_322 : memref<80x128xf32, #tpu.memory_space<vmem>>)
      %and3A_331 = arith.constant 3 : i32
      %and3A_332 = arith.andi %scan3A_299, %and3A_331 : i32
      %and3A_333 = arith.constant 7 : i32
      %and3A_334 = arith.andi %scan3A_299, %and3A_333 : i32
      %dma_start3A_335 = arith.constant 0 : i32
      %dma_start3A_336 = arith.constant 0 : i32
      %dma_start3A_337 = tpu.memref_slice %arg7[%and3A_332, %dma_start3A_335, %dma_start3A_336] : memref<4x80x128xf32, #tpu.memory_space<vmem>> -> memref<1x80x128xf32, #tpu.memory_space<vmem>>
      %dma_start3A_338 = tpu.memref_squeeze %dma_start3A_337 : memref<1x80x128xf32, #tpu.memory_space<vmem>> -> memref<80x128xf32, #tpu.memory_space<vmem>>
      %dma_start3A_339 = arith.constant 0 : i32
      %dma_start3A_340 = tpu.memref_slice %arg6[%and3A_334, %dma_start3A_339] : memref<8x80xi32, #tpu.memory_space<vmem>> -> memref<1x80xi32, #tpu.memory_space<vmem>>
      %dma_start3A_341 = tpu.memref_squeeze %dma_start3A_340 : memref<1x80xi32, #tpu.memory_space<vmem>> -> memref<80xi32, #tpu.memory_space<vmem>>
      %dma_start3A_342 = arith.constant 0 : i32
      %dma_start3A_343 = arith.constant 0 : i32
      %dma_start3A_344 = tpu.memref_slice %arg11[%dma_start3A_342, %dma_start3A_343] : memref<10000x128xf32, #tpu.memory_space<vmem_shared>> -> memref<10000x128xf32, #tpu.memory_space<vmem_shared>>
      %dma_start3A_345 = tpu.memref_slice %arg10[%and3A_332] : memref<4x!tpu.dma_semaphore, #tpu.memory_space<semaphore_mem>> -> memref<1x!tpu.dma_semaphore, #tpu.memory_space<semaphore_mem>>
      %dma_start3A_346 = tpu.memref_squeeze %dma_start3A_345 : memref<1x!tpu.dma_semaphore, #tpu.memory_space<semaphore_mem>> -> memref<!tpu.dma_semaphore, #tpu.memory_space<semaphore_mem>>
      tpu.enqueue_indirect_dma source(%dma_start3A_338 : memref<80x128xf32, #tpu.memory_space<vmem>>) target(%dma_start3A_344 : memref<10000x128xf32, #tpu.memory_space<vmem_shared>>) offsets(%dma_start3A_341 : memref<80xi32, #tpu.memory_space<vmem>>) semaphore(%dma_start3A_346 : memref<!tpu.dma_semaphore, #tpu.memory_space<semaphore_mem>>) {add = true}
      %scan3A_347 = arith.constant 0 : i32
      scf.yield %scan3A_347 : i32
    }
    %scan3A_219 = arith.constant 125 : i32
    %and3A_220 = arith.constant 121 : i32
    %and3A_221 = arith.constant 3 : i32
    %and3A_222 = arith.andi %and3A_220, %and3A_221 : i32
    %dma_wait3A_223 = arith.constant 0 : i32
    %dma_wait3A_224 = arith.constant 0 : i32
    %dma_wait3A_225 = arith.constant 0 : i32
    %dma_wait3A_226 = arith.constant 0 : i32
    %dma_wait3A_227 = tpu.memref_slice %arg7[%dma_wait3A_224, %dma_wait3A_225, %dma_wait3A_226] : memref<4x80x128xf32, #tpu.memory_space<vmem>> -> memref<1x80x128xf32, #tpu.memory_space<vmem>>
    %dma_wait3A_228 = tpu.memref_squeeze %dma_wait3A_227 : memref<1x80x128xf32, #tpu.memory_space<vmem>> -> memref<80x128xf32, #tpu.memory_space<vmem>>
    %dma_wait3A_229 = arith.constant 0 : i32
    %dma_wait3A_230 = tpu.memref_slice %arg5[%dma_wait3A_223, %dma_wait3A_229] : memref<8x80xi32, #tpu.memory_space<vmem>> -> memref<1x80xi32, #tpu.memory_space<vmem>>
    %dma_wait3A_231 = tpu.memref_squeeze %dma_wait3A_230 : memref<1x80xi32, #tpu.memory_space<vmem>> -> memref<80xi32, #tpu.memory_space<vmem>>
    %dma_wait3A_232 = arith.constant 0 : i32
    %dma_wait3A_233 = arith.constant 0 : i32
    %dma_wait3A_234 = tpu.memref_slice %arg2[%dma_wait3A_232, %dma_wait3A_233] : memref<10000x128xf32, #tpu.memory_space<hbm>> -> memref<10000x128xf32, #tpu.memory_space<hbm>>
    %dma_wait3A_235 = tpu.memref_slice %arg10[%and3A_222] : memref<4x!tpu.dma_semaphore, #tpu.memory_space<semaphore_mem>> -> memref<1x!tpu.dma_semaphore, #tpu.memory_space<semaphore_mem>>
    %dma_wait3A_236 = tpu.memref_squeeze %dma_wait3A_235 : memref<1x!tpu.dma_semaphore, #tpu.memory_space<semaphore_mem>> -> memref<!tpu.dma_semaphore, #tpu.memory_space<semaphore_mem>>
    tpu.wait_indirect_dma semaphore(%dma_wait3A_236 : memref<!tpu.dma_semaphore, #tpu.memory_space<semaphore_mem>>) src(%dma_wait3A_234 : memref<10000x128xf32, #tpu.memory_space<hbm>>) dst(%dma_wait3A_228 : memref<80x128xf32, #tpu.memory_space<vmem>>)
    %and3A_237 = arith.constant 122 : i32
    %and3A_238 = arith.constant 3 : i32
    %and3A_239 = arith.andi %and3A_237, %and3A_238 : i32
    %dma_wait3A_240 = arith.constant 0 : i32
    %dma_wait3A_241 = arith.constant 0 : i32
    %dma_wait3A_242 = arith.constant 0 : i32
    %dma_wait3A_243 = arith.constant 0 : i32
    %dma_wait3A_244 = tpu.memref_slice %arg7[%dma_wait3A_241, %dma_wait3A_242, %dma_wait3A_243] : memref<4x80x128xf32, #tpu.memory_space<vmem>> -> memref<1x80x128xf32, #tpu.memory_space<vmem>>
    %dma_wait3A_245 = tpu.memref_squeeze %dma_wait3A_244 : memref<1x80x128xf32, #tpu.memory_space<vmem>> -> memref<80x128xf32, #tpu.memory_space<vmem>>
    %dma_wait3A_246 = arith.constant 0 : i32
    %dma_wait3A_247 = tpu.memref_slice %arg5[%dma_wait3A_240, %dma_wait3A_246] : memref<8x80xi32, #tpu.memory_space<vmem>> -> memref<1x80xi32, #tpu.memory_space<vmem>>
    %dma_wait3A_248 = tpu.memref_squeeze %dma_wait3A_247 : memref<1x80xi32, #tpu.memory_space<vmem>> -> memref<80xi32, #tpu.memory_space<vmem>>
    %dma_wait3A_249 = arith.constant 0 : i32
    %dma_wait3A_250 = arith.constant 0 : i32
    %dma_wait3A_251 = tpu.memref_slice %arg2[%dma_wait3A_249, %dma_wait3A_250] : memref<10000x128xf32, #tpu.memory_space<hbm>> -> memref<10000x128xf32, #tpu.memory_space<hbm>>
    %dma_wait3A_252 = tpu.memref_slice %arg10[%and3A_239] : memref<4x!tpu.dma_semaphore, #tpu.memory_space<semaphore_mem>> -> memref<1x!tpu.dma_semaphore, #tpu.memory_space<semaphore_mem>>
    %dma_wait3A_253 = tpu.memref_squeeze %dma_wait3A_252 : memref<1x!tpu.dma_semaphore, #tpu.memory_space<semaphore_mem>> -> memref<!tpu.dma_semaphore, #tpu.memory_space<semaphore_mem>>
    tpu.wait_indirect_dma semaphore(%dma_wait3A_253 : memref<!tpu.dma_semaphore, #tpu.memory_space<semaphore_mem>>) src(%dma_wait3A_251 : memref<10000x128xf32, #tpu.memory_space<hbm>>) dst(%dma_wait3A_245 : memref<80x128xf32, #tpu.memory_space<vmem>>)
    %and3A_254 = arith.constant 123 : i32
    %and3A_255 = arith.constant 3 : i32
    %and3A_256 = arith.andi %and3A_254, %and3A_255 : i32
    %dma_wait3A_257 = arith.constant 0 : i32
    %dma_wait3A_258 = arith.constant 0 : i32
    %dma_wait3A_259 = arith.constant 0 : i32
    %dma_wait3A_260 = arith.constant 0 : i32
    %dma_wait3A_261 = tpu.memref_slice %arg7[%dma_wait3A_258, %dma_wait3A_259, %dma_wait3A_260] : memref<4x80x128xf32, #tpu.memory_space<vmem>> -> memref<1x80x128xf32, #tpu.memory_space<vmem>>
    %dma_wait3A_262 = tpu.memref_squeeze %dma_wait3A_261 : memref<1x80x128xf32, #tpu.memory_space<vmem>> -> memref<80x128xf32, #tpu.memory_space<vmem>>
    %dma_wait3A_263 = arith.constant 0 : i32
    %dma_wait3A_264 = tpu.memref_slice %arg5[%dma_wait3A_257, %dma_wait3A_263] : memref<8x80xi32, #tpu.memory_space<vmem>> -> memref<1x80xi32, #tpu.memory_space<vmem>>
    %dma_wait3A_265 = tpu.memref_squeeze %dma_wait3A_264 : memref<1x80xi32, #tpu.memory_space<vmem>> -> memref<80xi32, #tpu.memory_space<vmem>>
    %dma_wait3A_266 = arith.constant 0 : i32
    %dma_wait3A_267 = arith.constant 0 : i32
    %dma_wait3A_268 = tpu.memref_slice %arg2[%dma_wait3A_266, %dma_wait3A_267] : memref<10000x128xf32, #tpu.memory_space<hbm>> -> memref<10000x128xf32, #tpu.memory_space<hbm>>
    %dma_wait3A_269 = tpu.memref_slice %arg10[%and3A_256] : memref<4x!tpu.dma_semaphore, #tpu.memory_space<semaphore_mem>> -> memref<1x!tpu.dma_semaphore, #tpu.memory_space<semaphore_mem>>
    %dma_wait3A_270 = tpu.memref_squeeze %dma_wait3A_269 : memref<1x!tpu.dma_semaphore, #tpu.memory_space<semaphore_mem>> -> memref<!tpu.dma_semaphore, #tpu.memory_space<semaphore_mem>>
    tpu.wait_indirect_dma semaphore(%dma_wait3A_270 : memref<!tpu.dma_semaphore, #tpu.memory_space<semaphore_mem>>) src(%dma_wait3A_268 : memref<10000x128xf32, #tpu.memory_space<hbm>>) dst(%dma_wait3A_262 : memref<80x128xf32, #tpu.memory_space<vmem>>)
    %and3A_271 = arith.constant 124 : i32
    %and3A_272 = arith.constant 3 : i32
    %and3A_273 = arith.andi %and3A_271, %and3A_272 : i32
    %dma_wait3A_274 = arith.constant 0 : i32
    %dma_wait3A_275 = arith.constant 0 : i32
    %dma_wait3A_276 = arith.constant 0 : i32
    %dma_wait3A_277 = arith.constant 0 : i32
    %dma_wait3A_278 = tpu.memref_slice %arg7[%dma_wait3A_275, %dma_wait3A_276, %dma_wait3A_277] : memref<4x80x128xf32, #tpu.memory_space<vmem>> -> memref<1x80x128xf32, #tpu.memory_space<vmem>>
    %dma_wait3A_279 = tpu.memref_squeeze %dma_wait3A_278 : memref<1x80x128xf32, #tpu.memory_space<vmem>> -> memref<80x128xf32, #tpu.memory_space<vmem>>
    %dma_wait3A_280 = arith.constant 0 : i32
    %dma_wait3A_281 = tpu.memref_slice %arg5[%dma_wait3A_274, %dma_wait3A_280] : memref<8x80xi32, #tpu.memory_space<vmem>> -> memref<1x80xi32, #tpu.memory_space<vmem>>
    %dma_wait3A_282 = tpu.memref_squeeze %dma_wait3A_281 : memref<1x80xi32, #tpu.memory_space<vmem>> -> memref<80xi32, #tpu.memory_space<vmem>>
    %dma_wait3A_283 = arith.constant 0 : i32
    %dma_wait3A_284 = arith.constant 0 : i32
    %dma_wait3A_285 = tpu.memref_slice %arg2[%dma_wait3A_283, %dma_wait3A_284] : memref<10000x128xf32, #tpu.memory_space<hbm>> -> memref<10000x128xf32, #tpu.memory_space<hbm>>
    %dma_wait3A_286 = tpu.memref_slice %arg10[%and3A_273] : memref<4x!tpu.dma_semaphore, #tpu.memory_space<semaphore_mem>> -> memref<1x!tpu.dma_semaphore, #tpu.memory_space<semaphore_mem>>
    %dma_wait3A_287 = tpu.memref_squeeze %dma_wait3A_286 : memref<1x!tpu.dma_semaphore, #tpu.memory_space<semaphore_mem>> -> memref<!tpu.dma_semaphore, #tpu.memory_space<semaphore_mem>>
    tpu.wait_indirect_dma semaphore(%dma_wait3A_287 : memref<!tpu.dma_semaphore, #tpu.memory_space<semaphore_mem>>) src(%dma_wait3A_285 : memref<10000x128xf32, #tpu.memory_space<hbm>>) dst(%dma_wait3A_279 : memref<80x128xf32, #tpu.memory_space<vmem>>)
    %barrier3A_288 = arith.constant 0 : index
    tpu.barrier barrier_id(%barrier3A_288)
    %lt3A_289 = arith.constant 15 : i32
    %lt3A_290 = arith.cmpi slt, %arg1, %lt3A_289 : i32
    %convert_element_type3A_291 = arith.extui %lt3A_290 : i1 to i32
    %cond3A_292 = arith.constant 0 : i32
    %cond3A_293 = arith.cmpi ne, %convert_element_type3A_291, %cond3A_292 : i32
    scf.if %cond3A_293 {
      %mul3A_299 = arith.constant 632 : i32
      %mul3A_300 = arith.muli %arg1, %mul3A_299 : i32
      %mul3A_301 = arith.constant 632 : i32
      %mul3A_302 = arith.muli %arg1, %mul3A_301 : i32
      "tpu.region"() ({
        %run_scoped3A = tpu.sem_alloc : memref<!tpu.dma_semaphore, #tpu.memory_space<semaphore_mem>>
        %dma_start3A_303 = arith.constant 0 : i32
        %dma_start3A_304 = tpu.memref_slice %arg4[%arg0, %mul3A_302, %dma_start3A_303] : memref<2x10000x128xf32, #tpu.memory_space<hbm>> -> memref<1x632x128xf32, #tpu.memory_space<hbm>>
        %dma_start3A_305 = tpu.memref_squeeze %dma_start3A_304 : memref<1x632x128xf32, #tpu.memory_space<hbm>> -> memref<632x128xf32, #tpu.memory_space<hbm>>
        %dma_start3A_306 = arith.constant 0 : i32
        %dma_start3A_307 = tpu.memref_slice %arg11[%mul3A_300, %dma_start3A_306] : memref<10000x128xf32, #tpu.memory_space<vmem_shared>> -> memref<632x128xf32, #tpu.memory_space<vmem_shared>>
        tpu.enqueue_dma source(%dma_start3A_307 : memref<632x128xf32, #tpu.memory_space<vmem_shared>>) target(%dma_start3A_305 : memref<632x128xf32, #tpu.memory_space<hbm>>) target_semaphore(%run_scoped3A : memref<!tpu.dma_semaphore, #tpu.memory_space<semaphore_mem>>)
        %dma_wait3A_308 = arith.constant 0 : i32
        %dma_wait3A_309 = tpu.memref_slice %arg4[%arg0, %mul3A_302, %dma_wait3A_308] : memref<2x10000x128xf32, #tpu.memory_space<hbm>> -> memref<1x632x128xf32, #tpu.memory_space<hbm>>
        %dma_wait3A_310 = tpu.memref_squeeze %dma_wait3A_309 : memref<1x632x128xf32, #tpu.memory_space<hbm>> -> memref<632x128xf32, #tpu.memory_space<hbm>>
        %dma_wait3A_311 = arith.constant 0 : i32
        %dma_wait3A_312 = tpu.memref_slice %arg11[%mul3A_300, %dma_wait3A_311] : memref<10000x128xf32, #tpu.memory_space<vmem_shared>> -> memref<632x128xf32, #tpu.memory_space<vmem_shared>>
        tpu.wait_dma2 semaphore(%run_scoped3A : memref<!tpu.dma_semaphore, #tpu.memory_space<semaphore_mem>>) src(%dma_wait3A_312 : memref<632x128xf32, #tpu.memory_space<vmem_shared>>) dst(%dma_wait3A_310 : memref<632x128xf32, #tpu.memory_space<hbm>>)
        tpu.yield
      }) : () -> ()
    } else {
    }
    %eq3A_294 = arith.constant 15 : i32
    %eq3A_295 = arith.cmpi eq, %arg1, %eq3A_294 : i32
    %convert_element_type3A_296 = arith.extui %eq3A_295 : i1 to i32
    %cond3A_297 = arith.constant 0 : i32
    %cond3A_298 = arith.cmpi ne, %convert_element_type3A_296, %cond3A_297 : i32
    scf.if %cond3A_298 {
      %mul3A_299 = arith.constant 632 : i32
      %mul3A_300 = arith.muli %arg1, %mul3A_299 : i32
      %mul3A_301 = arith.constant 632 : i32
      %mul3A_302 = arith.muli %arg1, %mul3A_301 : i32
      "tpu.region"() ({
        %run_scoped3A = tpu.sem_alloc : memref<!tpu.dma_semaphore, #tpu.memory_space<semaphore_mem>>
        %dma_start3A_303 = arith.constant 0 : i32
        %dma_start3A_304 = tpu.memref_slice %arg4[%arg0, %mul3A_302, %dma_start3A_303] : memref<2x10000x128xf32, #tpu.memory_space<hbm>> -> memref<1x520x128xf32, #tpu.memory_space<hbm>>
        %dma_start3A_305 = tpu.memref_squeeze %dma_start3A_304 : memref<1x520x128xf32, #tpu.memory_space<hbm>> -> memref<520x128xf32, #tpu.memory_space<hbm>>
        %dma_start3A_306 = arith.constant 0 : i32
        %dma_start3A_307 = tpu.memref_slice %arg11[%mul3A_300, %dma_start3A_306] : memref<10000x128xf32, #tpu.memory_space<vmem_shared>> -> memref<520x128xf32, #tpu.memory_space<vmem_shared>>
        tpu.enqueue_dma source(%dma_start3A_307 : memref<520x128xf32, #tpu.memory_space<vmem_shared>>) target(%dma_start3A_305 : memref<520x128xf32, #tpu.memory_space<hbm>>) target_semaphore(%run_scoped3A : memref<!tpu.dma_semaphore, #tpu.memory_space<semaphore_mem>>)
        %dma_wait3A_308 = arith.constant 0 : i32
        %dma_wait3A_309 = tpu.memref_slice %arg4[%arg0, %mul3A_302, %dma_wait3A_308] : memref<2x10000x128xf32, #tpu.memory_space<hbm>> -> memref<1x520x128xf32, #tpu.memory_space<hbm>>
        %dma_wait3A_310 = tpu.memref_squeeze %dma_wait3A_309 : memref<1x520x128xf32, #tpu.memory_space<hbm>> -> memref<520x128xf32, #tpu.memory_space<hbm>>
        %dma_wait3A_311 = arith.constant 0 : i32
        %dma_wait3A_312 = tpu.memref_slice %arg11[%mul3A_300, %dma_wait3A_311] : memref<10000x128xf32, #tpu.memory_space<vmem_shared>> -> memref<520x128xf32, #tpu.memory_space<vmem_shared>>
        tpu.wait_dma2 semaphore(%run_scoped3A : memref<!tpu.dma_semaphore, #tpu.memory_space<semaphore_mem>>) src(%dma_wait3A_312 : memref<520x128xf32, #tpu.memory_space<vmem_shared>>) dst(%dma_wait3A_310 : memref<520x128xf32, #tpu.memory_space<hbm>>)
        tpu.yield
      }) : () -> ()
    } else {
    }
    return
  }
}

#map = affine_map<(d0, d1) -> (0, 0)>
#map1 = affine_map<(d0, d1) -> (0)>
#map2 = affine_map<(d0, d1) -> (0, 0, 0)>
module attributes {stable_mosaic.version = 14 : i64} {
  func.func @_edge_body(%arg0: i32, %arg1: i32, %arg2: memref<10000x128xf32, #tpu.memory_space<hbm>>, %arg3: memref<640000xi32, #tpu.memory_space<hbm>>, %arg4: memref<2x10000x128xf32, #tpu.memory_space<hbm>>, %arg5: memref<8x80xi32, #tpu.memory_space<vmem>>, %arg6: memref<8x80xi32, #tpu.memory_space<vmem>>, %arg7: memref<4x80x128xf32, #tpu.memory_space<vmem>>, %arg8: memref<4x!tpu.dma_semaphore, #tpu.memory_space<semaphore_mem>>, %arg9: memref<!tpu.dma_semaphore, #tpu.memory_space<semaphore_mem>>, %arg10: memref<4x!tpu.dma_semaphore, #tpu.memory_space<semaphore_mem>>, %arg11: memref<10000x128xf32, #tpu.memory_space<vmem_shared>>) attributes {dimension_semantics = [#tpu.dimension_semantics<core_parallel>, #tpu.dimension_semantics<subcore_parallel>], iteration_bounds = array<i64: 2, 16>, scalar_prefetch = 0 : i64, scratch_operands = 7 : i64, tpu.core_type = #tpu.core_type<sc_vector_subcore>, window_params = [{transform_indices = #map}, {transform_indices = #map1}, {transform_indices = #map2}]} {
    %mul3A = arith.constant 16 : i32
    %mul3A_0 = arith.muli %arg0, %mul3A : i32
    %add3A = arith.addi %mul3A_0, %arg1 : i32
    %scan3A = arith.constant 0 : i32
    %scan3A_1 = arith.constant 0 : i32
    %scan3A_2 = arith.constant 640 : i32
    %scan3A_3 = arith.addi %scan3A_1, %scan3A_2 : i32
    %scan3A_4 = arith.constant 1 : i32
    %scan3A_5 = scf.for %scan3A_299 = %scan3A_1 to %scan3A_3 step %scan3A_4 iter_args(%scan3A_300 = %scan3A) -> (i32)  : i32 {
      %broadcast_in_dim3A = arith.constant 0.000000e+00 : f32
      %broadcast_in_dim3A_301 = vector.broadcast %broadcast_in_dim3A : f32 to vector<16xf32>
      %jit3A_302 = arith.constant 8 : i32
      %div3A = arith.divsi %scan3A_299, %jit3A_302 : i32
      %sign3A = arith.constant 0 : i32
      %sign3A_303 = arith.cmpi sgt, %scan3A_299, %sign3A : i32
      %sign3A_304 = arith.extui %sign3A_303 : i1 to i32
      %sign3A_305 = arith.constant 0 : i32
      %sign3A_306 = arith.cmpi slt, %scan3A_299, %sign3A_305 : i32
      %sign3A_307 = arith.extui %sign3A_306 : i1 to i32
      %sign3A_308 = arith.subi %sign3A_304, %sign3A_307 : i32
      %sign3A_309 = arith.constant 0 : i32
      %sign3A_310 = arith.cmpi sgt, %jit3A_302, %sign3A_309 : i32
      %sign3A_311 = arith.extui %sign3A_310 : i1 to i32
      %sign3A_312 = arith.constant 0 : i32
      %sign3A_313 = arith.cmpi slt, %jit3A_302, %sign3A_312 : i32
      %sign3A_314 = arith.extui %sign3A_313 : i1 to i32
      %sign3A_315 = arith.subi %sign3A_311, %sign3A_314 : i32
      %ne3A = arith.cmpi ne, %sign3A_308, %sign3A_315 : i32
      %rem3A = arith.remsi %scan3A_299, %jit3A_302 : i32
      %ne3A_316 = arith.constant 0 : i32
      %ne3A_317 = arith.cmpi ne, %rem3A, %ne3A_316 : i32
      %and3A_318 = arith.andi %ne3A, %ne3A_317 : i1
      %sub3A = arith.constant 1 : i32
      %sub3A_319 = arith.subi %div3A, %sub3A : i32
      %select_n3A_320 = arith.select %and3A_318, %sub3A_319, %div3A : i32
      %jit3A_321 = arith.constant 8 : i32
      %eq3A_322 = arith.constant 0 : i32
      %eq3A_323 = arith.cmpi eq, %jit3A_321, %eq3A_322 : i32
      %jit3A_324 = arith.constant 1 : i32
      %select_n3A_325 = arith.select %eq3A_323, %jit3A_324, %jit3A_321 : i32
      %rem3A_326 = arith.remsi %scan3A_299, %select_n3A_325 : i32
      %ne3A_327 = arith.constant 0 : i32
      %ne3A_328 = arith.cmpi ne, %rem3A_326, %ne3A_327 : i32
      %lt3A_329 = arith.constant 0 : i32
      %lt3A_330 = arith.cmpi slt, %rem3A_326, %lt3A_329 : i32
      %lt3A_331 = arith.constant 0 : i32
      %lt3A_332 = arith.cmpi slt, %select_n3A_325, %lt3A_331 : i32
      %ne3A_333 = arith.xori %lt3A_330, %lt3A_332 : i1
      %and3A_334 = arith.andi %ne3A_333, %ne3A_328 : i1
      %add3A_335 = arith.addi %rem3A_326, %select_n3A_325 : i32
      %select_n3A_336 = arith.select %and3A_334, %add3A_335, %rem3A_326 : i32
      %mul3A_337 = arith.constant 16 : i32
      %mul3A_338 = arith.muli %select_n3A_336, %mul3A_337 : i32
      %swap3A = arith.constant 0 : i32
      %swap3A_339 = arith.index_cast %swap3A : i32 to index
      %swap3A_340 = arith.index_cast %select_n3A_320 : i32 to index
      %swap3A_341 = arith.index_cast %mul3A_338 : i32 to index
      %swap3A_342 = tpu.vector_load %arg7[%swap3A_339, %swap3A_340, %swap3A_341] {strides = array<i32>} : memref<4x80x128xf32, #tpu.memory_space<vmem>>, vector<1x1x16xf32>,
      %swap3A_343 = vector.shape_cast %swap3A_342 : vector<1x1x16xf32> to vector<16xf32>
      %swap3A_344 = vector.shape_cast %broadcast_in_dim3A_301 : vector<16xf32> to vector<1x1x16xf32>
      tpu.vector_store %arg7[%swap3A_339, %swap3A_340, %swap3A_341], %swap3A_344 {strides = array<i32>} : memref<4x80x128xf32, #tpu.memory_space<vmem>>, vector<1x1x16xf32>,
      %scan3A_345 = arith.constant 0 : i32
      scf.yield %scan3A_345 : i32
    }
    %scan3A_6 = arith.constant 640 : i32
    %eq3A = arith.constant 15 : i32
    %eq3A_7 = arith.cmpi eq, %arg1, %eq3A : i32
    %jit3A = arith.constant 6 : i32
    %jit3A_8 = arith.constant 7 : i32
    %select_n3A = arith.select %eq3A_7, %jit3A, %jit3A_8 : i32
    %while3A = arith.constant 0 : i32
    %while3A_9 = arith.constant 0 : i32
    %while3A_10 = arith.subi %select_n3A, %while3A : i32
    %while3A_11 = arith.addi %while3A, %while3A_10 : i32
    %while3A_12 = arith.constant 1 : i32
    %while3A_13 = arith.divsi %while3A_10, %while3A_12 : i32
    %while3A_14 = arith.muli %while3A_13, %while3A_12 : i32
    %while3A_15 = arith.addi %while3A, %while3A_14 : i32
    %while3A_16 = arith.constant 1 : i32
    %while3A_17 = scf.for %while3A_299 = %while3A to %while3A_15 step %while3A_16 iter_args(%while3A_300 = %while3A_9) -> (i32)  : i32 {
      %mul3A_301 = arith.constant 632 : i32
      %mul3A_302 = arith.muli %arg1, %mul3A_301 : i32
      %mul3A_303 = arith.constant 80 : i32
      %mul3A_304 = arith.muli %while3A_299, %mul3A_303 : i32
      %add3A_305 = arith.addi %mul3A_302, %mul3A_304 : i32
      %dma_start3A_306 = arith.constant 0 : i32
      %dma_start3A_307 = arith.constant 0 : i32
      %dma_start3A_308 = arith.constant 0 : i32
      %dma_start3A_309 = tpu.memref_slice %arg7[%dma_start3A_306, %dma_start3A_307, %dma_start3A_308] : memref<4x80x128xf32, #tpu.memory_space<vmem>> -> memref<1x80x128xf32, #tpu.memory_space<vmem>>
      %dma_start3A_310 = tpu.memref_squeeze %dma_start3A_309 : memref<1x80x128xf32, #tpu.memory_space<vmem>> -> memref<80x128xf32, #tpu.memory_space<vmem>>
      %dma_start3A_311 = arith.constant 0 : i32
      %dma_start3A_312 = tpu.memref_slice %arg11[%add3A_305, %dma_start3A_311] : memref<10000x128xf32, #tpu.memory_space<vmem_shared>> -> memref<80x128xf32, #tpu.memory_space<vmem_shared>>
      %dma_start3A_313 = arith.constant 0 : i32
      %dma_start3A_314 = tpu.memref_slice %arg11[%add3A_305, %dma_start3A_313] : memref<10000x128xf32, #tpu.memory_space<vmem_shared>> -> memref<80x128xf32, #tpu.memory_space<vmem_shared>>
      %dma_start3A_315 = arith.constant 0 : i32
      %dma_start3A_316 = arith.constant 0 : i32
      %dma_start3A_317 = tpu.memref_slice %arg7[%dma_start3A_306, %dma_start3A_315, %dma_start3A_316] : memref<4x80x128xf32, #tpu.memory_space<vmem>> -> memref<1x80x128xf32, #tpu.memory_space<vmem>>
      %dma_start3A_318 = tpu.memref_squeeze %dma_start3A_317 : memref<1x80x128xf32, #tpu.memory_space<vmem>> -> memref<80x128xf32, #tpu.memory_space<vmem>>
      tpu.enqueue_dma source(%dma_start3A_318 : memref<80x128xf32, #tpu.memory_space<vmem>>) target(%dma_start3A_314 : memref<80x128xf32, #tpu.memory_space<vmem_shared>>) target_semaphore(%arg9 : memref<!tpu.dma_semaphore, #tpu.memory_space<semaphore_mem>>)
      %while3A_319 = arith.constant 0 : i32
      scf.yield %while3A_319 : i32
    }
    %while3A_18 = arith.constant 1 : i32
    %while3A_19 = scf.for %while3A_299 = %while3A_15 to %while3A_11 step %while3A_18 iter_args(%while3A_300 = %while3A_17) -> (i32)  : i32 {
      %mul3A_301 = arith.constant 632 : i32
      %mul3A_302 = arith.muli %arg1, %mul3A_301 : i32
      %mul3A_303 = arith.constant 80 : i32
      %mul3A_304 = arith.muli %while3A_299, %mul3A_303 : i32
      %add3A_305 = arith.addi %mul3A_302, %mul3A_304 : i32
      %dma_start3A_306 = arith.constant 0 : i32
      %dma_start3A_307 = arith.constant 0 : i32
      %dma_start3A_308 = arith.constant 0 : i32
      %dma_start3A_309 = tpu.memref_slice %arg7[%dma_start3A_306, %dma_start3A_307, %dma_start3A_308] : memref<4x80x128xf32, #tpu.memory_space<vmem>> -> memref<1x80x128xf32, #tpu.memory_space<vmem>>
      %dma_start3A_310 = tpu.memref_squeeze %dma_start3A_309 : memref<1x80x128xf32, #tpu.memory_space<vmem>> -> memref<80x128xf32, #tpu.memory_space<vmem>>
      %dma_start3A_311 = arith.constant 0 : i32
      %dma_start3A_312 = tpu.memref_slice %arg11[%add3A_305, %dma_start3A_311] : memref<10000x128xf32, #tpu.memory_space<vmem_shared>> -> memref<80x128xf32, #tpu.memory_space<vmem_shared>>
      %dma_start3A_313 = arith.constant 0 : i32
      %dma_start3A_314 = tpu.memref_slice %arg11[%add3A_305, %dma_start3A_313] : memref<10000x128xf32, #tpu.memory_space<vmem_shared>> -> memref<80x128xf32, #tpu.memory_space<vmem_shared>>
      %dma_start3A_315 = arith.constant 0 : i32
      %dma_start3A_316 = arith.constant 0 : i32
      %dma_start3A_317 = tpu.memref_slice %arg7[%dma_start3A_306, %dma_start3A_315, %dma_start3A_316] : memref<4x80x128xf32, #tpu.memory_space<vmem>> -> memref<1x80x128xf32, #tpu.memory_space<vmem>>
      %dma_start3A_318 = tpu.memref_squeeze %dma_start3A_317 : memref<1x80x128xf32, #tpu.memory_space<vmem>> -> memref<80x128xf32, #tpu.memory_space<vmem>>
      tpu.enqueue_dma source(%dma_start3A_318 : memref<80x128xf32, #tpu.memory_space<vmem>>) target(%dma_start3A_314 : memref<80x128xf32, #tpu.memory_space<vmem_shared>>) target_semaphore(%arg9 : memref<!tpu.dma_semaphore, #tpu.memory_space<semaphore_mem>>)
      %while3A_319 = arith.constant 0 : i32
      scf.yield %while3A_319 : i32
    }
    %lt3A = arith.constant 15 : i32
    %lt3A_20 = arith.cmpi slt, %arg1, %lt3A : i32
    %convert_element_type3A = arith.extui %lt3A_20 : i1 to i32
    %cond3A = arith.constant 0 : i32
    %cond3A_21 = arith.cmpi ne, %convert_element_type3A, %cond3A : i32
    scf.if %cond3A_21 {
      %mul3A_299 = arith.constant 632 : i32
      %mul3A_300 = arith.muli %arg1, %mul3A_299 : i32
      %add3A_301 = arith.constant 560 : i32
      %add3A_302 = arith.addi %mul3A_300, %add3A_301 : i32
      %dma_start3A_303 = arith.constant 0 : i32
      %dma_start3A_304 = arith.constant 0 : i32
      %dma_start3A_305 = arith.constant 0 : i32
      %dma_start3A_306 = tpu.memref_slice %arg7[%dma_start3A_303, %dma_start3A_304, %dma_start3A_305] : memref<4x80x128xf32, #tpu.memory_space<vmem>> -> memref<1x72x128xf32, #tpu.memory_space<vmem>>
      %dma_start3A_307 = tpu.memref_squeeze %dma_start3A_306 : memref<1x72x128xf32, #tpu.memory_space<vmem>> -> memref<72x128xf32, #tpu.memory_space<vmem>>
      %dma_start3A_308 = arith.constant 0 : i32
      %dma_start3A_309 = tpu.memref_slice %arg11[%add3A_302, %dma_start3A_308] : memref<10000x128xf32, #tpu.memory_space<vmem_shared>> -> memref<72x128xf32, #tpu.memory_space<vmem_shared>>
      %dma_start3A_310 = arith.constant 0 : i32
      %dma_start3A_311 = tpu.memref_slice %arg11[%add3A_302, %dma_start3A_310] : memref<10000x128xf32, #tpu.memory_space<vmem_shared>> -> memref<72x128xf32, #tpu.memory_space<vmem_shared>>
      %dma_start3A_312 = arith.constant 0 : i32
      %dma_start3A_313 = arith.constant 0 : i32
      %dma_start3A_314 = tpu.memref_slice %arg7[%dma_start3A_303, %dma_start3A_312, %dma_start3A_313] : memref<4x80x128xf32, #tpu.memory_space<vmem>> -> memref<1x72x128xf32, #tpu.memory_space<vmem>>
      %dma_start3A_315 = tpu.memref_squeeze %dma_start3A_314 : memref<1x72x128xf32, #tpu.memory_space<vmem>> -> memref<72x128xf32, #tpu.memory_space<vmem>>
      tpu.enqueue_dma source(%dma_start3A_315 : memref<72x128xf32, #tpu.memory_space<vmem>>) target(%dma_start3A_311 : memref<72x128xf32, #tpu.memory_space<vmem_shared>>) target_semaphore(%arg9 : memref<!tpu.dma_semaphore, #tpu.memory_space<semaphore_mem>>)
    } else {
    }
    %eq3A_22 = arith.constant 15 : i32
    %eq3A_23 = arith.cmpi eq, %arg1, %eq3A_22 : i32
    %convert_element_type3A_24 = arith.extui %eq3A_23 : i1 to i32
    %cond3A_25 = arith.constant 0 : i32
    %cond3A_26 = arith.cmpi ne, %convert_element_type3A_24, %cond3A_25 : i32
    scf.if %cond3A_26 {
      %mul3A_299 = arith.constant 632 : i32
      %mul3A_300 = arith.muli %arg1, %mul3A_299 : i32
      %add3A_301 = arith.constant 480 : i32
      %add3A_302 = arith.addi %mul3A_300, %add3A_301 : i32
      %dma_start3A_303 = arith.constant 0 : i32
      %dma_start3A_304 = arith.constant 0 : i32
      %dma_start3A_305 = arith.constant 0 : i32
      %dma_start3A_306 = tpu.memref_slice %arg7[%dma_start3A_303, %dma_start3A_304, %dma_start3A_305] : memref<4x80x128xf32, #tpu.memory_space<vmem>> -> memref<1x40x128xf32, #tpu.memory_space<vmem>>
      %dma_start3A_307 = tpu.memref_squeeze %dma_start3A_306 : memref<1x40x128xf32, #tpu.memory_space<vmem>> -> memref<40x128xf32, #tpu.memory_space<vmem>>
      %dma_start3A_308 = arith.constant 0 : i32
      %dma_start3A_309 = tpu.memref_slice %arg11[%add3A_302, %dma_start3A_308] : memref<10000x128xf32, #tpu.memory_space<vmem_shared>> -> memref<40x128xf32, #tpu.memory_space<vmem_shared>>
      %dma_start3A_310 = arith.constant 0 : i32
      %dma_start3A_311 = tpu.memref_slice %arg11[%add3A_302, %dma_start3A_310] : memref<10000x128xf32, #tpu.memory_space<vmem_shared>> -> memref<40x128xf32, #tpu.memory_space<vmem_shared>>
      %dma_start3A_312 = arith.constant 0 : i32
      %dma_start3A_313 = arith.constant 0 : i32
      %dma_start3A_314 = tpu.memref_slice %arg7[%dma_start3A_303, %dma_start3A_312, %dma_start3A_313] : memref<4x80x128xf32, #tpu.memory_space<vmem>> -> memref<1x40x128xf32, #tpu.memory_space<vmem>>
      %dma_start3A_315 = tpu.memref_squeeze %dma_start3A_314 : memref<1x40x128xf32, #tpu.memory_space<vmem>> -> memref<40x128xf32, #tpu.memory_space<vmem>>
      tpu.enqueue_dma source(%dma_start3A_315 : memref<40x128xf32, #tpu.memory_space<vmem>>) target(%dma_start3A_311 : memref<40x128xf32, #tpu.memory_space<vmem_shared>>) target_semaphore(%arg9 : memref<!tpu.dma_semaphore, #tpu.memory_space<semaphore_mem>>)
    } else {
    }
    %while3A_27 = arith.constant 0 : i32
    %while3A_28 = arith.constant 0 : i32
    %while3A_29 = arith.subi %select_n3A, %while3A_27 : i32
    %while3A_30 = arith.addi %while3A_27, %while3A_29 : i32
    %while3A_31 = arith.constant 1 : i32
    %while3A_32 = arith.divsi %while3A_29, %while3A_31 : i32
    %while3A_33 = arith.muli %while3A_32, %while3A_31 : i32
    %while3A_34 = arith.addi %while3A_27, %while3A_33 : i32
    %while3A_35 = arith.constant 1 : i32
    %while3A_36 = scf.for %while3A_299 = %while3A_27 to %while3A_34 step %while3A_35 iter_args(%while3A_300 = %while3A_28) -> (i32)  : i32 {
      %dma_wait3A_301 = arith.constant 0 : i32
      %dma_wait3A_302 = arith.constant 0 : i32
      %dma_wait3A_303 = arith.constant 0 : i32
      %dma_wait3A_304 = tpu.memref_slice %arg7[%dma_wait3A_301, %dma_wait3A_302, %dma_wait3A_303] : memref<4x80x128xf32, #tpu.memory_space<vmem>> -> memref<1x80x128xf32, #tpu.memory_space<vmem>>
      %dma_wait3A_305 = tpu.memref_squeeze %dma_wait3A_304 : memref<1x80x128xf32, #tpu.memory_space<vmem>> -> memref<80x128xf32, #tpu.memory_space<vmem>>
      %dma_wait3A_306 = arith.constant 0 : i32
      %dma_wait3A_307 = arith.constant 0 : i32
      %dma_wait3A_308 = tpu.memref_slice %arg11[%dma_wait3A_306, %dma_wait3A_307] : memref<10000x128xf32, #tpu.memory_space<vmem_shared>> -> memref<80x128xf32, #tpu.memory_space<vmem_shared>>
      %dma_wait3A_309 = arith.constant 0 : i32
      %dma_wait3A_310 = arith.constant 0 : i32
      %dma_wait3A_311 = tpu.memref_slice %arg11[%dma_wait3A_309, %dma_wait3A_310] : memref<10000x128xf32, #tpu.memory_space<vmem_shared>> -> memref<80x128xf32, #tpu.memory_space<vmem_shared>>
      %dma_wait3A_312 = arith.constant 0 : i32
      %dma_wait3A_313 = arith.constant 0 : i32
      %dma_wait3A_314 = tpu.memref_slice %arg7[%dma_wait3A_301, %dma_wait3A_312, %dma_wait3A_313] : memref<4x80x128xf32, #tpu.memory_space<vmem>> -> memref<1x80x128xf32, #tpu.memory_space<vmem>>
      %dma_wait3A_315 = tpu.memref_squeeze %dma_wait3A_314 : memref<1x80x128xf32, #tpu.memory_space<vmem>> -> memref<80x128xf32, #tpu.memory_space<vmem>>
      tpu.wait_dma2 semaphore(%arg9 : memref<!tpu.dma_semaphore, #tpu.memory_space<semaphore_mem>>) src(%dma_wait3A_315 : memref<80x128xf32, #tpu.memory_space<vmem>>) dst(%dma_wait3A_311 : memref<80x128xf32, #tpu.memory_space<vmem_shared>>)
      %while3A_316 = arith.constant 0 : i32
      scf.yield %while3A_316 : i32
    }
    %while3A_37 = arith.constant 1 : i32
    %while3A_38 = scf.for %while3A_299 = %while3A_34 to %while3A_30 step %while3A_37 iter_args(%while3A_300 = %while3A_36) -> (i32)  : i32 {
      %dma_wait3A_301 = arith.constant 0 : i32
      %dma_wait3A_302 = arith.constant 0 : i32
      %dma_wait3A_303 = arith.constant 0 : i32
      %dma_wait3A_304 = tpu.memref_slice %arg7[%dma_wait3A_301, %dma_wait3A_302, %dma_wait3A_303] : memref<4x80x128xf32, #tpu.memory_space<vmem>> -> memref<1x80x128xf32, #tpu.memory_space<vmem>>
      %dma_wait3A_305 = tpu.memref_squeeze %dma_wait3A_304 : memref<1x80x128xf32, #tpu.memory_space<vmem>> -> memref<80x128xf32, #tpu.memory_space<vmem>>
      %dma_wait3A_306 = arith.constant 0 : i32
      %dma_wait3A_307 = arith.constant 0 : i32
      %dma_wait3A_308 = tpu.memref_slice %arg11[%dma_wait3A_306, %dma_wait3A_307] : memref<10000x128xf32, #tpu.memory_space<vmem_shared>> -> memref<80x128xf32, #tpu.memory_space<vmem_shared>>
      %dma_wait3A_309 = arith.constant 0 : i32
      %dma_wait3A_310 = arith.constant 0 : i32
      %dma_wait3A_311 = tpu.memref_slice %arg11[%dma_wait3A_309, %dma_wait3A_310] : memref<10000x128xf32, #tpu.memory_space<vmem_shared>> -> memref<80x128xf32, #tpu.memory_space<vmem_shared>>
      %dma_wait3A_312 = arith.constant 0 : i32
      %dma_wait3A_313 = arith.constant 0 : i32
      %dma_wait3A_314 = tpu.memref_slice %arg7[%dma_wait3A_301, %dma_wait3A_312, %dma_wait3A_313] : memref<4x80x128xf32, #tpu.memory_space<vmem>> -> memref<1x80x128xf32, #tpu.memory_space<vmem>>
      %dma_wait3A_315 = tpu.memref_squeeze %dma_wait3A_314 : memref<1x80x128xf32, #tpu.memory_space<vmem>> -> memref<80x128xf32, #tpu.memory_space<vmem>>
      tpu.wait_dma2 semaphore(%arg9 : memref<!tpu.dma_semaphore, #tpu.memory_space<semaphore_mem>>) src(%dma_wait3A_315 : memref<80x128xf32, #tpu.memory_space<vmem>>) dst(%dma_wait3A_311 : memref<80x128xf32, #tpu.memory_space<vmem_shared>>)
      %while3A_316 = arith.constant 0 : i32
      scf.yield %while3A_316 : i32
    }
    %lt3A_39 = arith.constant 15 : i32
    %lt3A_40 = arith.cmpi slt, %arg1, %lt3A_39 : i32
    %convert_element_type3A_41 = arith.extui %lt3A_40 : i1 to i32
    %cond3A_42 = arith.constant 0 : i32
    %cond3A_43 = arith.cmpi ne, %convert_element_type3A_41, %cond3A_42 : i32
    scf.if %cond3A_43 {
      %dma_wait3A_299 = arith.constant 0 : i32
      %dma_wait3A_300 = arith.constant 0 : i32
      %dma_wait3A_301 = arith.constant 0 : i32
      %dma_wait3A_302 = tpu.memref_slice %arg7[%dma_wait3A_299, %dma_wait3A_300, %dma_wait3A_301] : memref<4x80x128xf32, #tpu.memory_space<vmem>> -> memref<1x72x128xf32, #tpu.memory_space<vmem>>
      %dma_wait3A_303 = tpu.memref_squeeze %dma_wait3A_302 : memref<1x72x128xf32, #tpu.memory_space<vmem>> -> memref<72x128xf32, #tpu.memory_space<vmem>>
      %dma_wait3A_304 = arith.constant 0 : i32
      %dma_wait3A_305 = arith.constant 0 : i32
      %dma_wait3A_306 = tpu.memref_slice %arg11[%dma_wait3A_304, %dma_wait3A_305] : memref<10000x128xf32, #tpu.memory_space<vmem_shared>> -> memref<72x128xf32, #tpu.memory_space<vmem_shared>>
      %dma_wait3A_307 = arith.constant 0 : i32
      %dma_wait3A_308 = arith.constant 0 : i32
      %dma_wait3A_309 = tpu.memref_slice %arg11[%dma_wait3A_307, %dma_wait3A_308] : memref<10000x128xf32, #tpu.memory_space<vmem_shared>> -> memref<72x128xf32, #tpu.memory_space<vmem_shared>>
      %dma_wait3A_310 = arith.constant 0 : i32
      %dma_wait3A_311 = arith.constant 0 : i32
      %dma_wait3A_312 = tpu.memref_slice %arg7[%dma_wait3A_299, %dma_wait3A_310, %dma_wait3A_311] : memref<4x80x128xf32, #tpu.memory_space<vmem>> -> memref<1x72x128xf32, #tpu.memory_space<vmem>>
      %dma_wait3A_313 = tpu.memref_squeeze %dma_wait3A_312 : memref<1x72x128xf32, #tpu.memory_space<vmem>> -> memref<72x128xf32, #tpu.memory_space<vmem>>
      tpu.wait_dma2 semaphore(%arg9 : memref<!tpu.dma_semaphore, #tpu.memory_space<semaphore_mem>>) src(%dma_wait3A_313 : memref<72x128xf32, #tpu.memory_space<vmem>>) dst(%dma_wait3A_309 : memref<72x128xf32, #tpu.memory_space<vmem_shared>>)
    } else {
    }
    %eq3A_44 = arith.constant 15 : i32
    %eq3A_45 = arith.cmpi eq, %arg1, %eq3A_44 : i32
    %convert_element_type3A_46 = arith.extui %eq3A_45 : i1 to i32
    %cond3A_47 = arith.constant 0 : i32
    %cond3A_48 = arith.cmpi ne, %convert_element_type3A_46, %cond3A_47 : i32
    scf.if %cond3A_48 {
      %dma_wait3A_299 = arith.constant 0 : i32
      %dma_wait3A_300 = arith.constant 0 : i32
      %dma_wait3A_301 = arith.constant 0 : i32
      %dma_wait3A_302 = tpu.memref_slice %arg7[%dma_wait3A_299, %dma_wait3A_300, %dma_wait3A_301] : memref<4x80x128xf32, #tpu.memory_space<vmem>> -> memref<1x40x128xf32, #tpu.memory_space<vmem>>
      %dma_wait3A_303 = tpu.memref_squeeze %dma_wait3A_302 : memref<1x40x128xf32, #tpu.memory_space<vmem>> -> memref<40x128xf32, #tpu.memory_space<vmem>>
      %dma_wait3A_304 = arith.constant 0 : i32
      %dma_wait3A_305 = arith.constant 0 : i32
      %dma_wait3A_306 = tpu.memref_slice %arg11[%dma_wait3A_304, %dma_wait3A_305] : memref<10000x128xf32, #tpu.memory_space<vmem_shared>> -> memref<40x128xf32, #tpu.memory_space<vmem_shared>>
      %dma_wait3A_307 = arith.constant 0 : i32
      %dma_wait3A_308 = arith.constant 0 : i32
      %dma_wait3A_309 = tpu.memref_slice %arg11[%dma_wait3A_307, %dma_wait3A_308] : memref<10000x128xf32, #tpu.memory_space<vmem_shared>> -> memref<40x128xf32, #tpu.memory_space<vmem_shared>>
      %dma_wait3A_310 = arith.constant 0 : i32
      %dma_wait3A_311 = arith.constant 0 : i32
      %dma_wait3A_312 = tpu.memref_slice %arg7[%dma_wait3A_299, %dma_wait3A_310, %dma_wait3A_311] : memref<4x80x128xf32, #tpu.memory_space<vmem>> -> memref<1x40x128xf32, #tpu.memory_space<vmem>>
      %dma_wait3A_313 = tpu.memref_squeeze %dma_wait3A_312 : memref<1x40x128xf32, #tpu.memory_space<vmem>> -> memref<40x128xf32, #tpu.memory_space<vmem>>
      tpu.wait_dma2 semaphore(%arg9 : memref<!tpu.dma_semaphore, #tpu.memory_space<semaphore_mem>>) src(%dma_wait3A_313 : memref<40x128xf32, #tpu.memory_space<vmem>>) dst(%dma_wait3A_309 : memref<40x128xf32, #tpu.memory_space<vmem_shared>>)
    } else {
    }
    %barrier3A = arith.constant 0 : index
    tpu.barrier barrier_id(%barrier3A)
    %and3A = arith.constant 0 : i32
    %and3A_49 = arith.constant 7 : i32
    %and3A_50 = arith.andi %and3A, %and3A_49 : i32
    %mul3A_51 = arith.constant 10000 : i32
    %mul3A_52 = arith.muli %add3A, %mul3A_51 : i32
    %add3A_53 = arith.constant 0 : i32
    %add3A_54 = arith.addi %mul3A_52, %add3A_53 : i32
    %dma_start3A = arith.constant 0 : i32
    %dma_start3A_55 = tpu.memref_slice %arg5[%and3A_50, %dma_start3A] : memref<8x80xi32, #tpu.memory_space<vmem>> -> memref<1x80xi32, #tpu.memory_space<vmem>>
    %dma_start3A_56 = tpu.memref_squeeze %dma_start3A_55 : memref<1x80xi32, #tpu.memory_space<vmem>> -> memref<80xi32, #tpu.memory_space<vmem>>
    %dma_start3A_57 = tpu.memref_slice %arg3[%add3A_54] : memref<640000xi32, #tpu.memory_space<hbm>> -> memref<80xi32, #tpu.memory_space<hbm>>
    %dma_start3A_58 = arith.constant 0 : i32
    %dma_start3A_59 = tpu.memref_slice %arg5[%and3A_50, %dma_start3A_58] : memref<8x80xi32, #tpu.memory_space<vmem>> -> memref<1x80xi32, #tpu.memory_space<vmem>>
    %dma_start3A_60 = tpu.memref_squeeze %dma_start3A_59 : memref<1x80xi32, #tpu.memory_space<vmem>> -> memref<80xi32, #tpu.memory_space<vmem>>
    %dma_start3A_61 = tpu.memref_slice %arg3[%add3A_54] : memref<640000xi32, #tpu.memory_space<hbm>> -> memref<80xi32, #tpu.memory_space<hbm>>
    tpu.enqueue_dma source(%dma_start3A_61 : memref<80xi32, #tpu.memory_space<hbm>>) target(%dma_start3A_60 : memref<80xi32, #tpu.memory_space<vmem>>) target_semaphore(%arg9 : memref<!tpu.dma_semaphore, #tpu.memory_space<semaphore_mem>>)
    %mul3A_62 = arith.constant 10000 : i32
    %mul3A_63 = arith.muli %add3A, %mul3A_62 : i32
    %add3A_64 = arith.constant 320000 : i32
    %add3A_65 = arith.addi %add3A_64, %mul3A_63 : i32
    %add3A_66 = arith.constant 0 : i32
    %add3A_67 = arith.addi %add3A_65, %add3A_66 : i32
    %dma_start3A_68 = arith.constant 0 : i32
    %dma_start3A_69 = tpu.memref_slice %arg6[%and3A_50, %dma_start3A_68] : memref<8x80xi32, #tpu.memory_space<vmem>> -> memref<1x80xi32, #tpu.memory_space<vmem>>
    %dma_start3A_70 = tpu.memref_squeeze %dma_start3A_69 : memref<1x80xi32, #tpu.memory_space<vmem>> -> memref<80xi32, #tpu.memory_space<vmem>>
    %dma_start3A_71 = tpu.memref_slice %arg3[%add3A_67] : memref<640000xi32, #tpu.memory_space<hbm>> -> memref<80xi32, #tpu.memory_space<hbm>>
    %dma_start3A_72 = arith.constant 0 : i32
    %dma_start3A_73 = tpu.memref_slice %arg6[%and3A_50, %dma_start3A_72] : memref<8x80xi32, #tpu.memory_space<vmem>> -> memref<1x80xi32, #tpu.memory_space<vmem>>
    %dma_start3A_74 = tpu.memref_squeeze %dma_start3A_73 : memref<1x80xi32, #tpu.memory_space<vmem>> -> memref<80xi32, #tpu.memory_space<vmem>>
    %dma_start3A_75 = tpu.memref_slice %arg3[%add3A_67] : memref<640000xi32, #tpu.memory_space<hbm>> -> memref<80xi32, #tpu.memory_space<hbm>>
    tpu.enqueue_dma source(%dma_start3A_75 : memref<80xi32, #tpu.memory_space<hbm>>) target(%dma_start3A_74 : memref<80xi32, #tpu.memory_space<vmem>>) target_semaphore(%arg9 : memref<!tpu.dma_semaphore, #tpu.memory_space<semaphore_mem>>)
    %dma_wait3A = arith.constant 0 : i32
    %dma_wait3A_76 = arith.constant 0 : i32
    %dma_wait3A_77 = tpu.memref_slice %arg5[%dma_wait3A, %dma_wait3A_76] : memref<8x80xi32, #tpu.memory_space<vmem>> -> memref<1x80xi32, #tpu.memory_space<vmem>>
    %dma_wait3A_78 = tpu.memref_squeeze %dma_wait3A_77 : memref<1x80xi32, #tpu.memory_space<vmem>> -> memref<80xi32, #tpu.memory_space<vmem>>
    %dma_wait3A_79 = arith.constant 0 : i32
    %dma_wait3A_80 = tpu.memref_slice %arg3[%dma_wait3A_79] : memref<640000xi32, #tpu.memory_space<hbm>> -> memref<80xi32, #tpu.memory_space<hbm>>
    %dma_wait3A_81 = arith.constant 0 : i32
    %dma_wait3A_82 = tpu.memref_slice %arg5[%dma_wait3A, %dma_wait3A_81] : memref<8x80xi32, #tpu.memory_space<vmem>> -> memref<1x80xi32, #tpu.memory_space<vmem>>
    %dma_wait3A_83 = tpu.memref_squeeze %dma_wait3A_82 : memref<1x80xi32, #tpu.memory_space<vmem>> -> memref<80xi32, #tpu.memory_space<vmem>>
    %dma_wait3A_84 = arith.constant 0 : i32
    %dma_wait3A_85 = tpu.memref_slice %arg3[%dma_wait3A_84] : memref<640000xi32, #tpu.memory_space<hbm>> -> memref<80xi32, #tpu.memory_space<hbm>>
    tpu.wait_dma2 semaphore(%arg9 : memref<!tpu.dma_semaphore, #tpu.memory_space<semaphore_mem>>) src(%dma_wait3A_85 : memref<80xi32, #tpu.memory_space<hbm>>) dst(%dma_wait3A_83 : memref<80xi32, #tpu.memory_space<vmem>>)
    %dma_wait3A_86 = arith.constant 0 : i32
    %dma_wait3A_87 = arith.constant 0 : i32
    %dma_wait3A_88 = tpu.memref_slice %arg6[%dma_wait3A_86, %dma_wait3A_87] : memref<8x80xi32, #tpu.memory_space<vmem>> -> memref<1x80xi32, #tpu.memory_space<vmem>>
    %dma_wait3A_89 = tpu.memref_squeeze %dma_wait3A_88 : memref<1x80xi32, #tpu.memory_space<vmem>> -> memref<80xi32, #tpu.memory_space<vmem>>
    %dma_wait3A_90 = arith.constant 0 : i32
    %dma_wait3A_91 = tpu.memref_slice %arg3[%dma_wait3A_90] : memref<640000xi32, #tpu.memory_space<hbm>> -> memref<80xi32, #tpu.memory_space<hbm>>
    %dma_wait3A_92 = arith.constant 0 : i32
    %dma_wait3A_93 = tpu.memref_slice %arg6[%dma_wait3A_86, %dma_wait3A_92] : memref<8x80xi32, #tpu.memory_space<vmem>> -> memref<1x80xi32, #tpu.memory_space<vmem>>
    %dma_wait3A_94 = tpu.memref_squeeze %dma_wait3A_93 : memref<1x80xi32, #tpu.memory_space<vmem>> -> memref<80xi32, #tpu.memory_space<vmem>>
    %dma_wait3A_95 = arith.constant 0 : i32
    %dma_wait3A_96 = tpu.memref_slice %arg3[%dma_wait3A_95] : memref<640000xi32, #tpu.memory_space<hbm>> -> memref<80xi32, #tpu.memory_space<hbm>>
    tpu.wait_dma2 semaphore(%arg9 : memref<!tpu.dma_semaphore, #tpu.memory_space<semaphore_mem>>) src(%dma_wait3A_96 : memref<80xi32, #tpu.memory_space<hbm>>) dst(%dma_wait3A_94 : memref<80xi32, #tpu.memory_space<vmem>>)
    %and3A_97 = arith.constant 0 : i32
    %and3A_98 = arith.constant 3 : i32
    %and3A_99 = arith.andi %and3A_97, %and3A_98 : i32
    %and3A_100 = arith.constant 0 : i32
    %and3A_101 = arith.constant 7 : i32
    %and3A_102 = arith.andi %and3A_100, %and3A_101 : i32
    %dma_start3A_103 = arith.constant 0 : i32
    %dma_start3A_104 = arith.constant 0 : i32
    %dma_start3A_105 = tpu.memref_slice %arg7[%and3A_99, %dma_start3A_103, %dma_start3A_104] : memref<4x80x128xf32, #tpu.memory_space<vmem>> -> memref<1x80x128xf32, #tpu.memory_space<vmem>>
    %dma_start3A_106 = tpu.memref_squeeze %dma_start3A_105 : memref<1x80x128xf32, #tpu.memory_space<vmem>> -> memref<80x128xf32, #tpu.memory_space<vmem>>
    %dma_start3A_107 = arith.constant 0 : i32
    %dma_start3A_108 = tpu.memref_slice %arg5[%and3A_102, %dma_start3A_107] : memref<8x80xi32, #tpu.memory_space<vmem>> -> memref<1x80xi32, #tpu.memory_space<vmem>>
    %dma_start3A_109 = tpu.memref_squeeze %dma_start3A_108 : memref<1x80xi32, #tpu.memory_space<vmem>> -> memref<80xi32, #tpu.memory_space<vmem>>
    %dma_start3A_110 = arith.constant 0 : i32
    %dma_start3A_111 = arith.constant 0 : i32
    %dma_start3A_112 = tpu.memref_slice %arg2[%dma_start3A_110, %dma_start3A_111] : memref<10000x128xf32, #tpu.memory_space<hbm>> -> memref<10000x128xf32, #tpu.memory_space<hbm>>
    %dma_start3A_113 = tpu.memref_slice %arg8[%and3A_99] : memref<4x!tpu.dma_semaphore, #tpu.memory_space<semaphore_mem>> -> memref<1x!tpu.dma_semaphore, #tpu.memory_space<semaphore_mem>>
    %dma_start3A_114 = tpu.memref_squeeze %dma_start3A_113 : memref<1x!tpu.dma_semaphore, #tpu.memory_space<semaphore_mem>> -> memref<!tpu.dma_semaphore, #tpu.memory_space<semaphore_mem>>
    tpu.enqueue_indirect_dma source(%dma_start3A_112 : memref<10000x128xf32, #tpu.memory_space<hbm>>) target(%dma_start3A_106 : memref<80x128xf32, #tpu.memory_space<vmem>>) offsets(%dma_start3A_109 : memref<80xi32, #tpu.memory_space<vmem>>) semaphore(%dma_start3A_114 : memref<!tpu.dma_semaphore, #tpu.memory_space<semaphore_mem>>)
    %and3A_115 = arith.constant 1 : i32
    %and3A_116 = arith.constant 7 : i32
    %and3A_117 = arith.andi %and3A_115, %and3A_116 : i32
    %mul3A_118 = arith.constant 10000 : i32
    %mul3A_119 = arith.muli %add3A, %mul3A_118 : i32
    %add3A_120 = arith.constant 80 : i32
    %add3A_121 = arith.addi %mul3A_119, %add3A_120 : i32
    %dma_start3A_122 = arith.constant 0 : i32
    %dma_start3A_123 = tpu.memref_slice %arg5[%and3A_117, %dma_start3A_122] : memref<8x80xi32, #tpu.memory_space<vmem>> -> memref<1x80xi32, #tpu.memory_space<vmem>>
    %dma_start3A_124 = tpu.memref_squeeze %dma_start3A_123 : memref<1x80xi32, #tpu.memory_space<vmem>> -> memref<80xi32, #tpu.memory_space<vmem>>
    %dma_start3A_125 = tpu.memref_slice %arg3[%add3A_121] : memref<640000xi32, #tpu.memory_space<hbm>> -> memref<80xi32, #tpu.memory_space<hbm>>
    %dma_start3A_126 = arith.constant 0 : i32
    %dma_start3A_127 = tpu.memref_slice %arg5[%and3A_117, %dma_start3A_126] : memref<8x80xi32, #tpu.memory_space<vmem>> -> memref<1x80xi32, #tpu.memory_space<vmem>>
    %dma_start3A_128 = tpu.memref_squeeze %dma_start3A_127 : memref<1x80xi32, #tpu.memory_space<vmem>> -> memref<80xi32, #tpu.memory_space<vmem>>
    %dma_start3A_129 = tpu.memref_slice %arg3[%add3A_121] : memref<640000xi32, #tpu.memory_space<hbm>> -> memref<80xi32, #tpu.memory_space<hbm>>
    tpu.enqueue_dma source(%dma_start3A_129 : memref<80xi32, #tpu.memory_space<hbm>>) target(%dma_start3A_128 : memref<80xi32, #tpu.memory_space<vmem>>) target_semaphore(%arg9 : memref<!tpu.dma_semaphore, #tpu.memory_space<semaphore_mem>>)
    %mul3A_130 = arith.constant 10000 : i32
    %mul3A_131 = arith.muli %add3A, %mul3A_130 : i32
    %add3A_132 = arith.constant 320000 : i32
    %add3A_133 = arith.addi %add3A_132, %mul3A_131 : i32
    %add3A_134 = arith.constant 80 : i32
    %add3A_135 = arith.addi %add3A_133, %add3A_134 : i32
    %dma_start3A_136 = arith.constant 0 : i32
    %dma_start3A_137 = tpu.memref_slice %arg6[%and3A_117, %dma_start3A_136] : memref<8x80xi32, #tpu.memory_space<vmem>> -> memref<1x80xi32, #tpu.memory_space<vmem>>
    %dma_start3A_138 = tpu.memref_squeeze %dma_start3A_137 : memref<1x80xi32, #tpu.memory_space<vmem>> -> memref<80xi32, #tpu.memory_space<vmem>>
    %dma_start3A_139 = tpu.memref_slice %arg3[%add3A_135] : memref<640000xi32, #tpu.memory_space<hbm>> -> memref<80xi32, #tpu.memory_space<hbm>>
    %dma_start3A_140 = arith.constant 0 : i32
    %dma_start3A_141 = tpu.memref_slice %arg6[%and3A_117, %dma_start3A_140] : memref<8x80xi32, #tpu.memory_space<vmem>> -> memref<1x80xi32, #tpu.memory_space<vmem>>
    %dma_start3A_142 = tpu.memref_squeeze %dma_start3A_141 : memref<1x80xi32, #tpu.memory_space<vmem>> -> memref<80xi32, #tpu.memory_space<vmem>>
    %dma_start3A_143 = tpu.memref_slice %arg3[%add3A_135] : memref<640000xi32, #tpu.memory_space<hbm>> -> memref<80xi32, #tpu.memory_space<hbm>>
    tpu.enqueue_dma source(%dma_start3A_143 : memref<80xi32, #tpu.memory_space<hbm>>) target(%dma_start3A_142 : memref<80xi32, #tpu.memory_space<vmem>>) target_semaphore(%arg9 : memref<!tpu.dma_semaphore, #tpu.memory_space<semaphore_mem>>)
    %dma_wait3A_144 = arith.constant 0 : i32
    %dma_wait3A_145 = arith.constant 0 : i32
    %dma_wait3A_146 = tpu.memref_slice %arg5[%dma_wait3A_144, %dma_wait3A_145] : memref<8x80xi32, #tpu.memory_space<vmem>> -> memref<1x80xi32, #tpu.memory_space<vmem>>
    %dma_wait3A_147 = tpu.memref_squeeze %dma_wait3A_146 : memref<1x80xi32, #tpu.memory_space<vmem>> -> memref<80xi32, #tpu.memory_space<vmem>>
    %dma_wait3A_148 = arith.constant 0 : i32
    %dma_wait3A_149 = tpu.memref_slice %arg3[%dma_wait3A_148] : memref<640000xi32, #tpu.memory_space<hbm>> -> memref<80xi32, #tpu.memory_space<hbm>>
    %dma_wait3A_150 = arith.constant 0 : i32
    %dma_wait3A_151 = tpu.memref_slice %arg5[%dma_wait3A_144, %dma_wait3A_150] : memref<8x80xi32, #tpu.memory_space<vmem>> -> memref<1x80xi32, #tpu.memory_space<vmem>>
    %dma_wait3A_152 = tpu.memref_squeeze %dma_wait3A_151 : memref<1x80xi32, #tpu.memory_space<vmem>> -> memref<80xi32, #tpu.memory_space<vmem>>
    %dma_wait3A_153 = arith.constant 0 : i32
    %dma_wait3A_154 = tpu.memref_slice %arg3[%dma_wait3A_153] : memref<640000xi32, #tpu.memory_space<hbm>> -> memref<80xi32, #tpu.memory_space<hbm>>
    tpu.wait_dma2 semaphore(%arg9 : memref<!tpu.dma_semaphore, #tpu.memory_space<semaphore_mem>>) src(%dma_wait3A_154 : memref<80xi32, #tpu.memory_space<hbm>>) dst(%dma_wait3A_152 : memref<80xi32, #tpu.memory_space<vmem>>)
    %dma_wait3A_155 = arith.constant 0 : i32
    %dma_wait3A_156 = arith.constant 0 : i32
    %dma_wait3A_157 = tpu.memref_slice %arg6[%dma_wait3A_155, %dma_wait3A_156] : memref<8x80xi32, #tpu.memory_space<vmem>> -> memref<1x80xi32, #tpu.memory_space<vmem>>
    %dma_wait3A_158 = tpu.memref_squeeze %dma_wait3A_157 : memref<1x80xi32, #tpu.memory_space<vmem>> -> memref<80xi32, #tpu.memory_space<vmem>>
    %dma_wait3A_159 = arith.constant 0 : i32
    %dma_wait3A_160 = tpu.memref_slice %arg3[%dma_wait3A_159] : memref<640000xi32, #tpu.memory_space<hbm>> -> memref<80xi32, #tpu.memory_space<hbm>>
    %dma_wait3A_161 = arith.constant 0 : i32
    %dma_wait3A_162 = tpu.memref_slice %arg6[%dma_wait3A_155, %dma_wait3A_161] : memref<8x80xi32, #tpu.memory_space<vmem>> -> memref<1x80xi32, #tpu.memory_space<vmem>>
    %dma_wait3A_163 = tpu.memref_squeeze %dma_wait3A_162 : memref<1x80xi32, #tpu.memory_space<vmem>> -> memref<80xi32, #tpu.memory_space<vmem>>
    %dma_wait3A_164 = arith.constant 0 : i32
    %dma_wait3A_165 = tpu.memref_slice %arg3[%dma_wait3A_164] : memref<640000xi32, #tpu.memory_space<hbm>> -> memref<80xi32, #tpu.memory_space<hbm>>
    tpu.wait_dma2 semaphore(%arg9 : memref<!tpu.dma_semaphore, #tpu.memory_space<semaphore_mem>>) src(%dma_wait3A_165 : memref<80xi32, #tpu.memory_space<hbm>>) dst(%dma_wait3A_163 : memref<80xi32, #tpu.memory_space<vmem>>)
    %and3A_166 = arith.constant 1 : i32
    %and3A_167 = arith.constant 3 : i32
    %and3A_168 = arith.andi %and3A_166, %and3A_167 : i32
    %and3A_169 = arith.constant 1 : i32
    %and3A_170 = arith.constant 7 : i32
    %and3A_171 = arith.andi %and3A_169, %and3A_170 : i32
    %dma_start3A_172 = arith.constant 0 : i32
    %dma_start3A_173 = arith.constant 0 : i32
    %dma_start3A_174 = tpu.memref_slice %arg7[%and3A_168, %dma_start3A_172, %dma_start3A_173] : memref<4x80x128xf32, #tpu.memory_space<vmem>> -> memref<1x80x128xf32, #tpu.memory_space<vmem>>
    %dma_start3A_175 = tpu.memref_squeeze %dma_start3A_174 : memref<1x80x128xf32, #tpu.memory_space<vmem>> -> memref<80x128xf32, #tpu.memory_space<vmem>>
    %dma_start3A_176 = arith.constant 0 : i32
    %dma_start3A_177 = tpu.memref_slice %arg5[%and3A_171, %dma_start3A_176] : memref<8x80xi32, #tpu.memory_space<vmem>> -> memref<1x80xi32, #tpu.memory_space<vmem>>
    %dma_start3A_178 = tpu.memref_squeeze %dma_start3A_177 : memref<1x80xi32, #tpu.memory_space<vmem>> -> memref<80xi32, #tpu.memory_space<vmem>>
    %dma_start3A_179 = arith.constant 0 : i32
    %dma_start3A_180 = arith.constant 0 : i32
    %dma_start3A_181 = tpu.memref_slice %arg2[%dma_start3A_179, %dma_start3A_180] : memref<10000x128xf32, #tpu.memory_space<hbm>> -> memref<10000x128xf32, #tpu.memory_space<hbm>>
    %dma_start3A_182 = tpu.memref_slice %arg8[%and3A_168] : memref<4x!tpu.dma_semaphore, #tpu.memory_space<semaphore_mem>> -> memref<1x!tpu.dma_semaphore, #tpu.memory_space<semaphore_mem>>
    %dma_start3A_183 = tpu.memref_squeeze %dma_start3A_182 : memref<1x!tpu.dma_semaphore, #tpu.memory_space<semaphore_mem>> -> memref<!tpu.dma_semaphore, #tpu.memory_space<semaphore_mem>>
    tpu.enqueue_indirect_dma source(%dma_start3A_181 : memref<10000x128xf32, #tpu.memory_space<hbm>>) target(%dma_start3A_175 : memref<80x128xf32, #tpu.memory_space<vmem>>) offsets(%dma_start3A_178 : memref<80xi32, #tpu.memory_space<vmem>>) semaphore(%dma_start3A_183 : memref<!tpu.dma_semaphore, #tpu.memory_space<semaphore_mem>>)
    %and3A_184 = arith.constant 2 : i32
    %and3A_185 = arith.constant 7 : i32
    %and3A_186 = arith.andi %and3A_184, %and3A_185 : i32
    %mul3A_187 = arith.constant 10000 : i32
    %mul3A_188 = arith.muli %add3A, %mul3A_187 : i32
    %add3A_189 = arith.constant 160 : i32
    %add3A_190 = arith.addi %mul3A_188, %add3A_189 : i32
    %dma_start3A_191 = arith.constant 0 : i32
    %dma_start3A_192 = tpu.memref_slice %arg5[%and3A_186, %dma_start3A_191] : memref<8x80xi32, #tpu.memory_space<vmem>> -> memref<1x80xi32, #tpu.memory_space<vmem>>
    %dma_start3A_193 = tpu.memref_squeeze %dma_start3A_192 : memref<1x80xi32, #tpu.memory_space<vmem>> -> memref<80xi32, #tpu.memory_space<vmem>>
    %dma_start3A_194 = tpu.memref_slice %arg3[%add3A_190] : memref<640000xi32, #tpu.memory_space<hbm>> -> memref<80xi32, #tpu.memory_space<hbm>>
    %dma_start3A_195 = arith.constant 0 : i32
    %dma_start3A_196 = tpu.memref_slice %arg5[%and3A_186, %dma_start3A_195] : memref<8x80xi32, #tpu.memory_space<vmem>> -> memref<1x80xi32, #tpu.memory_space<vmem>>
    %dma_start3A_197 = tpu.memref_squeeze %dma_start3A_196 : memref<1x80xi32, #tpu.memory_space<vmem>> -> memref<80xi32, #tpu.memory_space<vmem>>
    %dma_start3A_198 = tpu.memref_slice %arg3[%add3A_190] : memref<640000xi32, #tpu.memory_space<hbm>> -> memref<80xi32, #tpu.memory_space<hbm>>
    tpu.enqueue_dma source(%dma_start3A_198 : memref<80xi32, #tpu.memory_space<hbm>>) target(%dma_start3A_197 : memref<80xi32, #tpu.memory_space<vmem>>) target_semaphore(%arg9 : memref<!tpu.dma_semaphore, #tpu.memory_space<semaphore_mem>>)
    %mul3A_199 = arith.constant 10000 : i32
    %mul3A_200 = arith.muli %add3A, %mul3A_199 : i32
    %add3A_201 = arith.constant 320000 : i32
    %add3A_202 = arith.addi %add3A_201, %mul3A_200 : i32
    %add3A_203 = arith.constant 160 : i32
    %add3A_204 = arith.addi %add3A_202, %add3A_203 : i32
    %dma_start3A_205 = arith.constant 0 : i32
    %dma_start3A_206 = tpu.memref_slice %arg6[%and3A_186, %dma_start3A_205] : memref<8x80xi32, #tpu.memory_space<vmem>> -> memref<1x80xi32, #tpu.memory_space<vmem>>
    %dma_start3A_207 = tpu.memref_squeeze %dma_start3A_206 : memref<1x80xi32, #tpu.memory_space<vmem>> -> memref<80xi32, #tpu.memory_space<vmem>>
    %dma_start3A_208 = tpu.memref_slice %arg3[%add3A_204] : memref<640000xi32, #tpu.memory_space<hbm>> -> memref<80xi32, #tpu.memory_space<hbm>>
    %dma_start3A_209 = arith.constant 0 : i32
    %dma_start3A_210 = tpu.memref_slice %arg6[%and3A_186, %dma_start3A_209] : memref<8x80xi32, #tpu.memory_space<vmem>> -> memref<1x80xi32, #tpu.memory_space<vmem>>
    %dma_start3A_211 = tpu.memref_squeeze %dma_start3A_210 : memref<1x80xi32, #tpu.memory_space<vmem>> -> memref<80xi32, #tpu.memory_space<vmem>>
    %dma_start3A_212 = tpu.memref_slice %arg3[%add3A_204] : memref<640000xi32, #tpu.memory_space<hbm>> -> memref<80xi32, #tpu.memory_space<hbm>>
    tpu.enqueue_dma source(%dma_start3A_212 : memref<80xi32, #tpu.memory_space<hbm>>) target(%dma_start3A_211 : memref<80xi32, #tpu.memory_space<vmem>>) target_semaphore(%arg9 : memref<!tpu.dma_semaphore, #tpu.memory_space<semaphore_mem>>)
    %scan3A_213 = arith.constant 0 : i32
    %scan3A_214 = arith.constant 0 : i32
    %scan3A_215 = arith.constant 125 : i32
    %scan3A_216 = arith.addi %scan3A_214, %scan3A_215 : i32
    %scan3A_217 = arith.constant 1 : i32
    %scan3A_218 = scf.for %scan3A_299 = %scan3A_214 to %scan3A_216 step %scan3A_217 iter_args(%scan3A_300 = %scan3A_213) -> (i32)  : i32 {
      %add3A_301 = arith.constant 2 : i32
      %add3A_302 = arith.addi %scan3A_299, %add3A_301 : i32
      %lt3A_303 = arith.constant 125 : i32
      %lt3A_304 = arith.cmpi slt, %add3A_302, %lt3A_303 : i32
      %convert_element_type3A_305 = arith.extui %lt3A_304 : i1 to i32
      %cond3A_306 = arith.constant 0 : i32
      %cond3A_307 = arith.cmpi ne, %convert_element_type3A_305, %cond3A_306 : i32
      scf.if %cond3A_307 {
        %dma_wait3A_348 = arith.constant 0 : i32
        %dma_wait3A_349 = arith.constant 0 : i32
        %dma_wait3A_350 = tpu.memref_slice %arg5[%dma_wait3A_348, %dma_wait3A_349] : memref<8x80xi32, #tpu.memory_space<vmem>> -> memref<1x80xi32, #tpu.memory_space<vmem>>
        %dma_wait3A_351 = tpu.memref_squeeze %dma_wait3A_350 : memref<1x80xi32, #tpu.memory_space<vmem>> -> memref<80xi32, #tpu.memory_space<vmem>>
        %dma_wait3A_352 = arith.constant 0 : i32
        %dma_wait3A_353 = tpu.memref_slice %arg3[%dma_wait3A_352] : memref<640000xi32, #tpu.memory_space<hbm>> -> memref<80xi32, #tpu.memory_space<hbm>>
        %dma_wait3A_354 = arith.constant 0 : i32
        %dma_wait3A_355 = tpu.memref_slice %arg5[%dma_wait3A_348, %dma_wait3A_354] : memref<8x80xi32, #tpu.memory_space<vmem>> -> memref<1x80xi32, #tpu.memory_space<vmem>>
        %dma_wait3A_356 = tpu.memref_squeeze %dma_wait3A_355 : memref<1x80xi32, #tpu.memory_space<vmem>> -> memref<80xi32, #tpu.memory_space<vmem>>
        %dma_wait3A_357 = arith.constant 0 : i32
        %dma_wait3A_358 = tpu.memref_slice %arg3[%dma_wait3A_357] : memref<640000xi32, #tpu.memory_space<hbm>> -> memref<80xi32, #tpu.memory_space<hbm>>
        tpu.wait_dma2 semaphore(%arg9 : memref<!tpu.dma_semaphore, #tpu.memory_space<semaphore_mem>>) src(%dma_wait3A_358 : memref<80xi32, #tpu.memory_space<hbm>>) dst(%dma_wait3A_356 : memref<80xi32, #tpu.memory_space<vmem>>)
        %dma_wait3A_359 = arith.constant 0 : i32
        %dma_wait3A_360 = arith.constant 0 : i32
        %dma_wait3A_361 = tpu.memref_slice %arg6[%dma_wait3A_359, %dma_wait3A_360] : memref<8x80xi32, #tpu.memory_space<vmem>> -> memref<1x80xi32, #tpu.memory_space<vmem>>
        %dma_wait3A_362 = tpu.memref_squeeze %dma_wait3A_361 : memref<1x80xi32, #tpu.memory_space<vmem>> -> memref<80xi32, #tpu.memory_space<vmem>>
        %dma_wait3A_363 = arith.constant 0 : i32
        %dma_wait3A_364 = tpu.memref_slice %arg3[%dma_wait3A_363] : memref<640000xi32, #tpu.memory_space<hbm>> -> memref<80xi32, #tpu.memory_space<hbm>>
        %dma_wait3A_365 = arith.constant 0 : i32
        %dma_wait3A_366 = tpu.memref_slice %arg6[%dma_wait3A_359, %dma_wait3A_365] : memref<8x80xi32, #tpu.memory_space<vmem>> -> memref<1x80xi32, #tpu.memory_space<vmem>>
        %dma_wait3A_367 = tpu.memref_squeeze %dma_wait3A_366 : memref<1x80xi32, #tpu.memory_space<vmem>> -> memref<80xi32, #tpu.memory_space<vmem>>
        %dma_wait3A_368 = arith.constant 0 : i32
        %dma_wait3A_369 = tpu.memref_slice %arg3[%dma_wait3A_368] : memref<640000xi32, #tpu.memory_space<hbm>> -> memref<80xi32, #tpu.memory_space<hbm>>
        tpu.wait_dma2 semaphore(%arg9 : memref<!tpu.dma_semaphore, #tpu.memory_space<semaphore_mem>>) src(%dma_wait3A_369 : memref<80xi32, #tpu.memory_space<hbm>>) dst(%dma_wait3A_367 : memref<80xi32, #tpu.memory_space<vmem>>)
        %ge3A = arith.constant 2 : i32
        %ge3A_370 = arith.cmpi sge, %scan3A_299, %ge3A : i32
        %convert_element_type3A_371 = arith.extui %ge3A_370 : i1 to i32
        %cond3A_372 = arith.constant 0 : i32
        %cond3A_373 = arith.cmpi ne, %convert_element_type3A_371, %cond3A_372 : i32
        scf.if %cond3A_373 {
          %sub3A = arith.constant 2 : i32
          %sub3A_393 = arith.subi %scan3A_299, %sub3A : i32
          %and3A_394 = arith.constant 3 : i32
          %and3A_395 = arith.andi %sub3A_393, %and3A_394 : i32
          %dma_wait3A_396 = arith.constant 0 : i32
          %dma_wait3A_397 = arith.constant 0 : i32
          %dma_wait3A_398 = arith.constant 0 : i32
          %dma_wait3A_399 = arith.constant 0 : i32
          %dma_wait3A_400 = tpu.memref_slice %arg7[%dma_wait3A_397, %dma_wait3A_398, %dma_wait3A_399] : memref<4x80x128xf32, #tpu.memory_space<vmem>> -> memref<1x80x128xf32, #tpu.memory_space<vmem>>
          %dma_wait3A_401 = tpu.memref_squeeze %dma_wait3A_400 : memref<1x80x128xf32, #tpu.memory_space<vmem>> -> memref<80x128xf32, #tpu.memory_space<vmem>>
          %dma_wait3A_402 = arith.constant 0 : i32
          %dma_wait3A_403 = tpu.memref_slice %arg5[%dma_wait3A_396, %dma_wait3A_402] : memref<8x80xi32, #tpu.memory_space<vmem>> -> memref<1x80xi32, #tpu.memory_space<vmem>>
          %dma_wait3A_404 = tpu.memref_squeeze %dma_wait3A_403 : memref<1x80xi32, #tpu.memory_space<vmem>> -> memref<80xi32, #tpu.memory_space<vmem>>
          %dma_wait3A_405 = arith.constant 0 : i32
          %dma_wait3A_406 = arith.constant 0 : i32
          %dma_wait3A_407 = tpu.memref_slice %arg2[%dma_wait3A_405, %dma_wait3A_406] : memref<10000x128xf32, #tpu.memory_space<hbm>> -> memref<10000x128xf32, #tpu.memory_space<hbm>>
          %dma_wait3A_408 = tpu.memref_slice %arg10[%and3A_395] : memref<4x!tpu.dma_semaphore, #tpu.memory_space<semaphore_mem>> -> memref<1x!tpu.dma_semaphore, #tpu.memory_space<semaphore_mem>>
          %dma_wait3A_409 = tpu.memref_squeeze %dma_wait3A_408 : memref<1x!tpu.dma_semaphore, #tpu.memory_space<semaphore_mem>> -> memref<!tpu.dma_semaphore, #tpu.memory_space<semaphore_mem>>
          tpu.wait_indirect_dma semaphore(%dma_wait3A_409 : memref<!tpu.dma_semaphore, #tpu.memory_space<semaphore_mem>>) src(%dma_wait3A_407 : memref<10000x128xf32, #tpu.memory_space<hbm>>) dst(%dma_wait3A_401 : memref<80x128xf32, #tpu.memory_space<vmem>>)
        } else {
        }
        %add3A_374 = arith.constant 2 : i32
        %add3A_375 = arith.addi %scan3A_299, %add3A_374 : i32
        %min3A = arith.constant 124 : i32
        %min3A_376 = arith.minsi %add3A_375, %min3A : i32
        %and3A_377 = arith.constant 3 : i32
        %and3A_378 = arith.andi %min3A_376, %and3A_377 : i32
        %and3A_379 = arith.constant 7 : i32
        %and3A_380 = arith.andi %min3A_376, %and3A_379 : i32
        %dma_start3A_381 = arith.constant 0 : i32
        %dma_start3A_382 = arith.constant 0 : i32
        %dma_start3A_383 = tpu.memref_slice %arg7[%and3A_378, %dma_start3A_381, %dma_start3A_382] : memref<4x80x128xf32, #tpu.memory_space<vmem>> -> memref<1x80x128xf32, #tpu.memory_space<vmem>>
        %dma_start3A_384 = tpu.memref_squeeze %dma_start3A_383 : memref<1x80x128xf32, #tpu.memory_space<vmem>> -> memref<80x128xf32, #tpu.memory_space<vmem>>
        %dma_start3A_385 = arith.constant 0 : i32
        %dma_start3A_386 = tpu.memref_slice %arg5[%and3A_380, %dma_start3A_385] : memref<8x80xi32, #tpu.memory_space<vmem>> -> memref<1x80xi32, #tpu.memory_space<vmem>>
        %dma_start3A_387 = tpu.memref_squeeze %dma_start3A_386 : memref<1x80xi32, #tpu.memory_space<vmem>> -> memref<80xi32, #tpu.memory_space<vmem>>
        %dma_start3A_388 = arith.constant 0 : i32
        %dma_start3A_389 = arith.constant 0 : i32
        %dma_start3A_390 = tpu.memref_slice %arg2[%dma_start3A_388, %dma_start3A_389] : memref<10000x128xf32, #tpu.memory_space<hbm>> -> memref<10000x128xf32, #tpu.memory_space<hbm>>
        %dma_start3A_391 = tpu.memref_slice %arg8[%and3A_378] : memref<4x!tpu.dma_semaphore, #tpu.memory_space<semaphore_mem>> -> memref<1x!tpu.dma_semaphore, #tpu.memory_space<semaphore_mem>>
        %dma_start3A_392 = tpu.memref_squeeze %dma_start3A_391 : memref<1x!tpu.dma_semaphore, #tpu.memory_space<semaphore_mem>> -> memref<!tpu.dma_semaphore, #tpu.memory_space<semaphore_mem>>
        tpu.enqueue_indirect_dma source(%dma_start3A_390 : memref<10000x128xf32, #tpu.memory_space<hbm>>) target(%dma_start3A_384 : memref<80x128xf32, #tpu.memory_space<vmem>>) offsets(%dma_start3A_387 : memref<80xi32, #tpu.memory_space<vmem>>) semaphore(%dma_start3A_392 : memref<!tpu.dma_semaphore, #tpu.memory_space<semaphore_mem>>)
      } else {
      }
      %add3A_308 = arith.constant 3 : i32
      %add3A_309 = arith.addi %scan3A_299, %add3A_308 : i32
      %lt3A_310 = arith.constant 125 : i32
      %lt3A_311 = arith.cmpi slt, %add3A_309, %lt3A_310 : i32
      %convert_element_type3A_312 = arith.extui %lt3A_311 : i1 to i32
      %cond3A_313 = arith.constant 0 : i32
      %cond3A_314 = arith.cmpi ne, %convert_element_type3A_312, %cond3A_313 : i32
      scf.if %cond3A_314 {
        %add3A_348 = arith.constant 3 : i32
        %add3A_349 = arith.addi %scan3A_299, %add3A_348 : i32
        %min3A = arith.constant 124 : i32
        %min3A_350 = arith.minsi %add3A_349, %min3A : i32
        %and3A_351 = arith.constant 7 : i32
        %and3A_352 = arith.andi %min3A_350, %and3A_351 : i32
        %mul3A_353 = arith.constant 10000 : i32
        %mul3A_354 = arith.muli %add3A, %mul3A_353 : i32
        %mul3A_355 = arith.constant 80 : i32
        %mul3A_356 = arith.muli %min3A_350, %mul3A_355 : i32
        %add3A_357 = arith.addi %mul3A_354, %mul3A_356 : i32
        %dma_start3A_358 = arith.constant 0 : i32
        %dma_start3A_359 = tpu.memref_slice %arg5[%and3A_352, %dma_start3A_358] : memref<8x80xi32, #tpu.memory_space<vmem>> -> memref<1x80xi32, #tpu.memory_space<vmem>>
        %dma_start3A_360 = tpu.memref_squeeze %dma_start3A_359 : memref<1x80xi32, #tpu.memory_space<vmem>> -> memref<80xi32, #tpu.memory_space<vmem>>
        %dma_start3A_361 = tpu.memref_slice %arg3[%add3A_357] : memref<640000xi32, #tpu.memory_space<hbm>> -> memref<80xi32, #tpu.memory_space<hbm>>
        %dma_start3A_362 = arith.constant 0 : i32
        %dma_start3A_363 = tpu.memref_slice %arg5[%and3A_352, %dma_start3A_362] : memref<8x80xi32, #tpu.memory_space<vmem>> -> memref<1x80xi32, #tpu.memory_space<vmem>>
        %dma_start3A_364 = tpu.memref_squeeze %dma_start3A_363 : memref<1x80xi32, #tpu.memory_space<vmem>> -> memref<80xi32, #tpu.memory_space<vmem>>
        %dma_start3A_365 = tpu.memref_slice %arg3[%add3A_357] : memref<640000xi32, #tpu.memory_space<hbm>> -> memref<80xi32, #tpu.memory_space<hbm>>
        tpu.enqueue_dma source(%dma_start3A_365 : memref<80xi32, #tpu.memory_space<hbm>>) target(%dma_start3A_364 : memref<80xi32, #tpu.memory_space<vmem>>) target_semaphore(%arg9 : memref<!tpu.dma_semaphore, #tpu.memory_space<semaphore_mem>>)
        %mul3A_366 = arith.constant 10000 : i32
        %mul3A_367 = arith.muli %add3A, %mul3A_366 : i32
        %add3A_368 = arith.constant 320000 : i32
        %add3A_369 = arith.addi %add3A_368, %mul3A_367 : i32
        %mul3A_370 = arith.constant 80 : i32
        %mul3A_371 = arith.muli %min3A_350, %mul3A_370 : i32
        %add3A_372 = arith.addi %add3A_369, %mul3A_371 : i32
        %dma_start3A_373 = arith.constant 0 : i32
        %dma_start3A_374 = tpu.memref_slice %arg6[%and3A_352, %dma_start3A_373] : memref<8x80xi32, #tpu.memory_space<vmem>> -> memref<1x80xi32, #tpu.memory_space<vmem>>
        %dma_start3A_375 = tpu.memref_squeeze %dma_start3A_374 : memref<1x80xi32, #tpu.memory_space<vmem>> -> memref<80xi32, #tpu.memory_space<vmem>>
        %dma_start3A_376 = tpu.memref_slice %arg3[%add3A_372] : memref<640000xi32, #tpu.memory_space<hbm>> -> memref<80xi32, #tpu.memory_space<hbm>>
        %dma_start3A_377 = arith.constant 0 : i32
        %dma_start3A_378 = tpu.memref_slice %arg6[%and3A_352, %dma_start3A_377] : memref<8x80xi32, #tpu.memory_space<vmem>> -> memref<1x80xi32, #tpu.memory_space<vmem>>
        %dma_start3A_379 = tpu.memref_squeeze %dma_start3A_378 : memref<1x80xi32, #tpu.memory_space<vmem>> -> memref<80xi32, #tpu.memory_space<vmem>>
        %dma_start3A_380 = tpu.memref_slice %arg3[%add3A_372] : memref<640000xi32, #tpu.memory_space<hbm>> -> memref<80xi32, #tpu.memory_space<hbm>>
        tpu.enqueue_dma source(%dma_start3A_380 : memref<80xi32, #tpu.memory_space<hbm>>) target(%dma_start3A_379 : memref<80xi32, #tpu.memory_space<vmem>>) target_semaphore(%arg9 : memref<!tpu.dma_semaphore, #tpu.memory_space<semaphore_mem>>)
      } else {
      }
      %and3A_315 = arith.constant 3 : i32
      %and3A_316 = arith.andi %scan3A_299, %and3A_315 : i32
      %dma_wait3A_317 = arith.constant 0 : i32
      %dma_wait3A_318 = arith.constant 0 : i32
      %dma_wait3A_319 = arith.constant 0 : i32
      %dma_wait3A_320 = arith.constant 0 : i32
      %dma_wait3A_321 = tpu.memref_slice %arg7[%dma_wait3A_318, %dma_wait3A_319, %dma_wait3A_320] : memref<4x80x128xf32, #tpu.memory_space<vmem>> -> memref<1x80x128xf32, #tpu.memory_space<vmem>>
      %dma_wait3A_322 = tpu.memref_squeeze %dma_wait3A_321 : memref<1x80x128xf32, #tpu.memory_space<vmem>> -> memref<80x128xf32, #tpu.memory_space<vmem>>
      %dma_wait3A_323 = arith.constant 0 : i32
      %dma_wait3A_324 = tpu.memref_slice %arg5[%dma_wait3A_317, %dma_wait3A_323] : memref<8x80xi32, #tpu.memory_space<vmem>> -> memref<1x80xi32, #tpu.memory_space<vmem>>
      %dma_wait3A_325 = tpu.memref_squeeze %dma_wait3A_324 : memref<1x80xi32, #tpu.memory_space<vmem>> -> memref<80xi32, #tpu.memory_space<vmem>>
      %dma_wait3A_326 = arith.constant 0 : i32
      %dma_wait3A_327 = arith.constant 0 : i32
      %dma_wait3A_328 = tpu.memref_slice %arg2[%dma_wait3A_326, %dma_wait3A_327] : memref<10000x128xf32, #tpu.memory_space<hbm>> -> memref<10000x128xf32, #tpu.memory_space<hbm>>
      %dma_wait3A_329 = tpu.memref_slice %arg8[%and3A_316] : memref<4x!tpu.dma_semaphore, #tpu.memory_space<semaphore_mem>> -> memref<1x!tpu.dma_semaphore, #tpu.memory_space<semaphore_mem>>
      %dma_wait3A_330 = tpu.memref_squeeze %dma_wait3A_329 : memref<1x!tpu.dma_semaphore, #tpu.memory_space<semaphore_mem>> -> memref<!tpu.dma_semaphore, #tpu.memory_space<semaphore_mem>>
      tpu.wait_indirect_dma semaphore(%dma_wait3A_330 : memref<!tpu.dma_semaphore, #tpu.memory_space<semaphore_mem>>) src(%dma_wait3A_328 : memref<10000x128xf32, #tpu.memory_space<hbm>>) dst(%dma_wait3A_322 : memref<80x128xf32, #tpu.memory_space<vmem>>)
      %and3A_331 = arith.constant 3 : i32
      %and3A_332 = arith.andi %scan3A_299, %and3A_331 : i32
      %and3A_333 = arith.constant 7 : i32
      %and3A_334 = arith.andi %scan3A_299, %and3A_333 : i32
      %dma_start3A_335 = arith.constant 0 : i32
      %dma_start3A_336 = arith.constant 0 : i32
      %dma_start3A_337 = tpu.memref_slice %arg7[%and3A_332, %dma_start3A_335, %dma_start3A_336] : memref<4x80x128xf32, #tpu.memory_space<vmem>> -> memref<1x80x128xf32, #tpu.memory_space<vmem>>
      %dma_start3A_338 = tpu.memref_squeeze %dma_start3A_337 : memref<1x80x128xf32, #tpu.memory_space<vmem>> -> memref<80x128xf32, #tpu.memory_space<vmem>>
      %dma_start3A_339 = arith.constant 0 : i32
      %dma_start3A_340 = tpu.memref_slice %arg6[%and3A_334, %dma_start3A_339] : memref<8x80xi32, #tpu.memory_space<vmem>> -> memref<1x80xi32, #tpu.memory_space<vmem>>
      %dma_start3A_341 = tpu.memref_squeeze %dma_start3A_340 : memref<1x80xi32, #tpu.memory_space<vmem>> -> memref<80xi32, #tpu.memory_space<vmem>>
      %dma_start3A_342 = arith.constant 0 : i32
      %dma_start3A_343 = arith.constant 0 : i32
      %dma_start3A_344 = tpu.memref_slice %arg11[%dma_start3A_342, %dma_start3A_343] : memref<10000x128xf32, #tpu.memory_space<vmem_shared>> -> memref<10000x128xf32, #tpu.memory_space<vmem_shared>>
      %dma_start3A_345 = tpu.memref_slice %arg10[%and3A_332] : memref<4x!tpu.dma_semaphore, #tpu.memory_space<semaphore_mem>> -> memref<1x!tpu.dma_semaphore, #tpu.memory_space<semaphore_mem>>
      %dma_start3A_346 = tpu.memref_squeeze %dma_start3A_345 : memref<1x!tpu.dma_semaphore, #tpu.memory_space<semaphore_mem>> -> memref<!tpu.dma_semaphore, #tpu.memory_space<semaphore_mem>>
      tpu.enqueue_indirect_dma source(%dma_start3A_338 : memref<80x128xf32, #tpu.memory_space<vmem>>) target(%dma_start3A_344 : memref<10000x128xf32, #tpu.memory_space<vmem_shared>>) offsets(%dma_start3A_341 : memref<80xi32, #tpu.memory_space<vmem>>) semaphore(%dma_start3A_346 : memref<!tpu.dma_semaphore, #tpu.memory_space<semaphore_mem>>) {add = true}
      %scan3A_347 = arith.constant 0 : i32
      scf.yield %scan3A_347 : i32
    }
    %scan3A_219 = arith.constant 125 : i32
    %and3A_220 = arith.constant 121 : i32
    %and3A_221 = arith.constant 3 : i32
    %and3A_222 = arith.andi %and3A_220, %and3A_221 : i32
    %dma_wait3A_223 = arith.constant 0 : i32
    %dma_wait3A_224 = arith.constant 0 : i32
    %dma_wait3A_225 = arith.constant 0 : i32
    %dma_wait3A_226 = arith.constant 0 : i32
    %dma_wait3A_227 = tpu.memref_slice %arg7[%dma_wait3A_224, %dma_wait3A_225, %dma_wait3A_226] : memref<4x80x128xf32, #tpu.memory_space<vmem>> -> memref<1x80x128xf32, #tpu.memory_space<vmem>>
    %dma_wait3A_228 = tpu.memref_squeeze %dma_wait3A_227 : memref<1x80x128xf32, #tpu.memory_space<vmem>> -> memref<80x128xf32, #tpu.memory_space<vmem>>
    %dma_wait3A_229 = arith.constant 0 : i32
    %dma_wait3A_230 = tpu.memref_slice %arg5[%dma_wait3A_223, %dma_wait3A_229] : memref<8x80xi32, #tpu.memory_space<vmem>> -> memref<1x80xi32, #tpu.memory_space<vmem>>
    %dma_wait3A_231 = tpu.memref_squeeze %dma_wait3A_230 : memref<1x80xi32, #tpu.memory_space<vmem>> -> memref<80xi32, #tpu.memory_space<vmem>>
    %dma_wait3A_232 = arith.constant 0 : i32
    %dma_wait3A_233 = arith.constant 0 : i32
    %dma_wait3A_234 = tpu.memref_slice %arg2[%dma_wait3A_232, %dma_wait3A_233] : memref<10000x128xf32, #tpu.memory_space<hbm>> -> memref<10000x128xf32, #tpu.memory_space<hbm>>
    %dma_wait3A_235 = tpu.memref_slice %arg10[%and3A_222] : memref<4x!tpu.dma_semaphore, #tpu.memory_space<semaphore_mem>> -> memref<1x!tpu.dma_semaphore, #tpu.memory_space<semaphore_mem>>
    %dma_wait3A_236 = tpu.memref_squeeze %dma_wait3A_235 : memref<1x!tpu.dma_semaphore, #tpu.memory_space<semaphore_mem>> -> memref<!tpu.dma_semaphore, #tpu.memory_space<semaphore_mem>>
    tpu.wait_indirect_dma semaphore(%dma_wait3A_236 : memref<!tpu.dma_semaphore, #tpu.memory_space<semaphore_mem>>) src(%dma_wait3A_234 : memref<10000x128xf32, #tpu.memory_space<hbm>>) dst(%dma_wait3A_228 : memref<80x128xf32, #tpu.memory_space<vmem>>)
    %and3A_237 = arith.constant 122 : i32
    %and3A_238 = arith.constant 3 : i32
    %and3A_239 = arith.andi %and3A_237, %and3A_238 : i32
    %dma_wait3A_240 = arith.constant 0 : i32
    %dma_wait3A_241 = arith.constant 0 : i32
    %dma_wait3A_242 = arith.constant 0 : i32
    %dma_wait3A_243 = arith.constant 0 : i32
    %dma_wait3A_244 = tpu.memref_slice %arg7[%dma_wait3A_241, %dma_wait3A_242, %dma_wait3A_243] : memref<4x80x128xf32, #tpu.memory_space<vmem>> -> memref<1x80x128xf32, #tpu.memory_space<vmem>>
    %dma_wait3A_245 = tpu.memref_squeeze %dma_wait3A_244 : memref<1x80x128xf32, #tpu.memory_space<vmem>> -> memref<80x128xf32, #tpu.memory_space<vmem>>
    %dma_wait3A_246 = arith.constant 0 : i32
    %dma_wait3A_247 = tpu.memref_slice %arg5[%dma_wait3A_240, %dma_wait3A_246] : memref<8x80xi32, #tpu.memory_space<vmem>> -> memref<1x80xi32, #tpu.memory_space<vmem>>
    %dma_wait3A_248 = tpu.memref_squeeze %dma_wait3A_247 : memref<1x80xi32, #tpu.memory_space<vmem>> -> memref<80xi32, #tpu.memory_space<vmem>>
    %dma_wait3A_249 = arith.constant 0 : i32
    %dma_wait3A_250 = arith.constant 0 : i32
    %dma_wait3A_251 = tpu.memref_slice %arg2[%dma_wait3A_249, %dma_wait3A_250] : memref<10000x128xf32, #tpu.memory_space<hbm>> -> memref<10000x128xf32, #tpu.memory_space<hbm>>
    %dma_wait3A_252 = tpu.memref_slice %arg10[%and3A_239] : memref<4x!tpu.dma_semaphore, #tpu.memory_space<semaphore_mem>> -> memref<1x!tpu.dma_semaphore, #tpu.memory_space<semaphore_mem>>
    %dma_wait3A_253 = tpu.memref_squeeze %dma_wait3A_252 : memref<1x!tpu.dma_semaphore, #tpu.memory_space<semaphore_mem>> -> memref<!tpu.dma_semaphore, #tpu.memory_space<semaphore_mem>>
    tpu.wait_indirect_dma semaphore(%dma_wait3A_253 : memref<!tpu.dma_semaphore, #tpu.memory_space<semaphore_mem>>) src(%dma_wait3A_251 : memref<10000x128xf32, #tpu.memory_space<hbm>>) dst(%dma_wait3A_245 : memref<80x128xf32, #tpu.memory_space<vmem>>)
    %and3A_254 = arith.constant 123 : i32
    %and3A_255 = arith.constant 3 : i32
    %and3A_256 = arith.andi %and3A_254, %and3A_255 : i32
    %dma_wait3A_257 = arith.constant 0 : i32
    %dma_wait3A_258 = arith.constant 0 : i32
    %dma_wait3A_259 = arith.constant 0 : i32
    %dma_wait3A_260 = arith.constant 0 : i32
    %dma_wait3A_261 = tpu.memref_slice %arg7[%dma_wait3A_258, %dma_wait3A_259, %dma_wait3A_260] : memref<4x80x128xf32, #tpu.memory_space<vmem>> -> memref<1x80x128xf32, #tpu.memory_space<vmem>>
    %dma_wait3A_262 = tpu.memref_squeeze %dma_wait3A_261 : memref<1x80x128xf32, #tpu.memory_space<vmem>> -> memref<80x128xf32, #tpu.memory_space<vmem>>
    %dma_wait3A_263 = arith.constant 0 : i32
    %dma_wait3A_264 = tpu.memref_slice %arg5[%dma_wait3A_257, %dma_wait3A_263] : memref<8x80xi32, #tpu.memory_space<vmem>> -> memref<1x80xi32, #tpu.memory_space<vmem>>
    %dma_wait3A_265 = tpu.memref_squeeze %dma_wait3A_264 : memref<1x80xi32, #tpu.memory_space<vmem>> -> memref<80xi32, #tpu.memory_space<vmem>>
    %dma_wait3A_266 = arith.constant 0 : i32
    %dma_wait3A_267 = arith.constant 0 : i32
    %dma_wait3A_268 = tpu.memref_slice %arg2[%dma_wait3A_266, %dma_wait3A_267] : memref<10000x128xf32, #tpu.memory_space<hbm>> -> memref<10000x128xf32, #tpu.memory_space<hbm>>
    %dma_wait3A_269 = tpu.memref_slice %arg10[%and3A_256] : memref<4x!tpu.dma_semaphore, #tpu.memory_space<semaphore_mem>> -> memref<1x!tpu.dma_semaphore, #tpu.memory_space<semaphore_mem>>
    %dma_wait3A_270 = tpu.memref_squeeze %dma_wait3A_269 : memref<1x!tpu.dma_semaphore, #tpu.memory_space<semaphore_mem>> -> memref<!tpu.dma_semaphore, #tpu.memory_space<semaphore_mem>>
    tpu.wait_indirect_dma semaphore(%dma_wait3A_270 : memref<!tpu.dma_semaphore, #tpu.memory_space<semaphore_mem>>) src(%dma_wait3A_268 : memref<10000x128xf32, #tpu.memory_space<hbm>>) dst(%dma_wait3A_262 : memref<80x128xf32, #tpu.memory_space<vmem>>)
    %and3A_271 = arith.constant 124 : i32
    %and3A_272 = arith.constant 3 : i32
    %and3A_273 = arith.andi %and3A_271, %and3A_272 : i32
    %dma_wait3A_274 = arith.constant 0 : i32
    %dma_wait3A_275 = arith.constant 0 : i32
    %dma_wait3A_276 = arith.constant 0 : i32
    %dma_wait3A_277 = arith.constant 0 : i32
    %dma_wait3A_278 = tpu.memref_slice %arg7[%dma_wait3A_275, %dma_wait3A_276, %dma_wait3A_277] : memref<4x80x128xf32, #tpu.memory_space<vmem>> -> memref<1x80x128xf32, #tpu.memory_space<vmem>>
    %dma_wait3A_279 = tpu.memref_squeeze %dma_wait3A_278 : memref<1x80x128xf32, #tpu.memory_space<vmem>> -> memref<80x128xf32, #tpu.memory_space<vmem>>
    %dma_wait3A_280 = arith.constant 0 : i32
    %dma_wait3A_281 = tpu.memref_slice %arg5[%dma_wait3A_274, %dma_wait3A_280] : memref<8x80xi32, #tpu.memory_space<vmem>> -> memref<1x80xi32, #tpu.memory_space<vmem>>
    %dma_wait3A_282 = tpu.memref_squeeze %dma_wait3A_281 : memref<1x80xi32, #tpu.memory_space<vmem>> -> memref<80xi32, #tpu.memory_space<vmem>>
    %dma_wait3A_283 = arith.constant 0 : i32
    %dma_wait3A_284 = arith.constant 0 : i32
    %dma_wait3A_285 = tpu.memref_slice %arg2[%dma_wait3A_283, %dma_wait3A_284] : memref<10000x128xf32, #tpu.memory_space<hbm>> -> memref<10000x128xf32, #tpu.memory_space<hbm>>
    %dma_wait3A_286 = tpu.memref_slice %arg10[%and3A_273] : memref<4x!tpu.dma_semaphore, #tpu.memory_space<semaphore_mem>> -> memref<1x!tpu.dma_semaphore, #tpu.memory_space<semaphore_mem>>
    %dma_wait3A_287 = tpu.memref_squeeze %dma_wait3A_286 : memref<1x!tpu.dma_semaphore, #tpu.memory_space<semaphore_mem>> -> memref<!tpu.dma_semaphore, #tpu.memory_space<semaphore_mem>>
    tpu.wait_indirect_dma semaphore(%dma_wait3A_287 : memref<!tpu.dma_semaphore, #tpu.memory_space<semaphore_mem>>) src(%dma_wait3A_285 : memref<10000x128xf32, #tpu.memory_space<hbm>>) dst(%dma_wait3A_279 : memref<80x128xf32, #tpu.memory_space<vmem>>)
    %barrier3A_288 = arith.constant 0 : index
    tpu.barrier barrier_id(%barrier3A_288)
    %lt3A_289 = arith.constant 15 : i32
    %lt3A_290 = arith.cmpi slt, %arg1, %lt3A_289 : i32
    %convert_element_type3A_291 = arith.extui %lt3A_290 : i1 to i32
    %cond3A_292 = arith.constant 0 : i32
    %cond3A_293 = arith.cmpi ne, %convert_element_type3A_291, %cond3A_292 : i32
    scf.if %cond3A_293 {
      %mul3A_299 = arith.constant 632 : i32
      %mul3A_300 = arith.muli %arg1, %mul3A_299 : i32
      %mul3A_301 = arith.constant 632 : i32
      %mul3A_302 = arith.muli %arg1, %mul3A_301 : i32
      "tpu.region"() ({
        %run_scoped3A = tpu.sem_alloc : memref<!tpu.dma_semaphore, #tpu.memory_space<semaphore_mem>>
        %dma_start3A_303 = arith.constant 0 : i32
        %dma_start3A_304 = tpu.memref_slice %arg4[%arg0, %mul3A_302, %dma_start3A_303] : memref<2x10000x128xf32, #tpu.memory_space<hbm>> -> memref<1x632x128xf32, #tpu.memory_space<hbm>>
        %dma_start3A_305 = tpu.memref_squeeze %dma_start3A_304 : memref<1x632x128xf32, #tpu.memory_space<hbm>> -> memref<632x128xf32, #tpu.memory_space<hbm>>
        %dma_start3A_306 = arith.constant 0 : i32
        %dma_start3A_307 = tpu.memref_slice %arg11[%mul3A_300, %dma_start3A_306] : memref<10000x128xf32, #tpu.memory_space<vmem_shared>> -> memref<632x128xf32, #tpu.memory_space<vmem_shared>>
        tpu.enqueue_dma source(%dma_start3A_307 : memref<632x128xf32, #tpu.memory_space<vmem_shared>>) target(%dma_start3A_305 : memref<632x128xf32, #tpu.memory_space<hbm>>) target_semaphore(%run_scoped3A : memref<!tpu.dma_semaphore, #tpu.memory_space<semaphore_mem>>)
        %dma_wait3A_308 = arith.constant 0 : i32
        %dma_wait3A_309 = tpu.memref_slice %arg4[%arg0, %mul3A_302, %dma_wait3A_308] : memref<2x10000x128xf32, #tpu.memory_space<hbm>> -> memref<1x632x128xf32, #tpu.memory_space<hbm>>
        %dma_wait3A_310 = tpu.memref_squeeze %dma_wait3A_309 : memref<1x632x128xf32, #tpu.memory_space<hbm>> -> memref<632x128xf32, #tpu.memory_space<hbm>>
        %dma_wait3A_311 = arith.constant 0 : i32
        %dma_wait3A_312 = tpu.memref_slice %arg11[%mul3A_300, %dma_wait3A_311] : memref<10000x128xf32, #tpu.memory_space<vmem_shared>> -> memref<632x128xf32, #tpu.memory_space<vmem_shared>>
        tpu.wait_dma2 semaphore(%run_scoped3A : memref<!tpu.dma_semaphore, #tpu.memory_space<semaphore_mem>>) src(%dma_wait3A_312 : memref<632x128xf32, #tpu.memory_space<vmem_shared>>) dst(%dma_wait3A_310 : memref<632x128xf32, #tpu.memory_space<hbm>>)
        tpu.yield
      }) : () -> ()
    } else {
    }
    %eq3A_294 = arith.constant 15 : i32
    %eq3A_295 = arith.cmpi eq, %arg1, %eq3A_294 : i32
    %convert_element_type3A_296 = arith.extui %eq3A_295 : i1 to i32
    %cond3A_297 = arith.constant 0 : i32
    %cond3A_298 = arith.cmpi ne, %convert_element_type3A_296, %cond3A_297 : i32
    scf.if %cond3A_298 {
      %mul3A_299 = arith.constant 632 : i32
      %mul3A_300 = arith.muli %arg1, %mul3A_299 : i32
      %mul3A_301 = arith.constant 632 : i32
      %mul3A_302 = arith.muli %arg1, %mul3A_301 : i32
      "tpu.region"() ({
        %run_scoped3A = tpu.sem_alloc : memref<!tpu.dma_semaphore, #tpu.memory_space<semaphore_mem>>
        %dma_start3A_303 = arith.constant 0 : i32
        %dma_start3A_304 = tpu.memref_slice %arg4[%arg0, %mul3A_302, %dma_start3A_303] : memref<2x10000x128xf32, #tpu.memory_space<hbm>> -> memref<1x520x128xf32, #tpu.memory_space<hbm>>
        %dma_start3A_305 = tpu.memref_squeeze %dma_start3A_304 : memref<1x520x128xf32, #tpu.memory_space<hbm>> -> memref<520x128xf32, #tpu.memory_space<hbm>>
        %dma_start3A_306 = arith.constant 0 : i32
        %dma_start3A_307 = tpu.memref_slice %arg11[%mul3A_300, %dma_start3A_306] : memref<10000x128xf32, #tpu.memory_space<vmem_shared>> -> memref<520x128xf32, #tpu.memory_space<vmem_shared>>
        tpu.enqueue_dma source(%dma_start3A_307 : memref<520x128xf32, #tpu.memory_space<vmem_shared>>) target(%dma_start3A_305 : memref<520x128xf32, #tpu.memory_space<hbm>>) target_semaphore(%run_scoped3A : memref<!tpu.dma_semaphore, #tpu.memory_space<semaphore_mem>>)
        %dma_wait3A_308 = arith.constant 0 : i32
        %dma_wait3A_309 = tpu.memref_slice %arg4[%arg0, %mul3A_302, %dma_wait3A_308] : memref<2x10000x128xf32, #tpu.memory_space<hbm>> -> memref<1x520x128xf32, #tpu.memory_space<hbm>>
        %dma_wait3A_310 = tpu.memref_squeeze %dma_wait3A_309 : memref<1x520x128xf32, #tpu.memory_space<hbm>> -> memref<520x128xf32, #tpu.memory_space<hbm>>
        %dma_wait3A_311 = arith.constant 0 : i32
        %dma_wait3A_312 = tpu.memref_slice %arg11[%mul3A_300, %dma_wait3A_311] : memref<10000x128xf32, #tpu.memory_space<vmem_shared>> -> memref<520x128xf32, #tpu.memory_space<vmem_shared>>
        tpu.wait_dma2 semaphore(%run_scoped3A : memref<!tpu.dma_semaphore, #tpu.memory_space<semaphore_mem>>) src(%dma_wait3A_312 : memref<520x128xf32, #tpu.memory_space<vmem_shared>>) dst(%dma_wait3A_310 : memref<520x128xf32, #tpu.memory_space<hbm>>)
        tpu.yield
      }) : () -> ()
    } else {
    }
    return
  }
}

#map = affine_map<(d0, d1) -> (0)>
#map1 = affine_map<(d0, d1) -> (0, 0)>
module attributes {stable_mosaic.version = 14 : i64} {
  func.func @_deg_body(%arg0: i32, %arg1: i32, %arg2: memref<640000xi32, #tpu.memory_space<hbm>>, %arg3: memref<2x10240xf32, #tpu.memory_space<hbm>>, %arg4: memref<640xf32, #tpu.memory_space<vmem>>, %arg5: memref<640xf32, #tpu.memory_space<vmem>>, %arg6: memref<16x128xi32, #tpu.memory_space<vmem>>, %arg7: memref<16xi32, #tpu.memory_space<vmem>>, %arg8: memref<12x!tpu.dma_semaphore, #tpu.memory_space<semaphore_mem>>, %arg9: memref<!tpu.dma_semaphore, #tpu.memory_space<semaphore_mem>>, %arg10: memref<10240xf32, #tpu.memory_space<vmem_shared>>) attributes {dimension_semantics = [#tpu.dimension_semantics<core_parallel>, #tpu.dimension_semantics<subcore_parallel>], iteration_bounds = array<i64: 2, 16>, scalar_prefetch = 0 : i64, scratch_operands = 7 : i64, tpu.core_type = #tpu.core_type<sc_vector_subcore>, window_params = [{transform_indices = #map}, {transform_indices = #map1}]} {
    %mul3A = arith.constant 16 : i32
    %mul3A_0 = arith.muli %arg0, %mul3A : i32
    %add3A = arith.addi %mul3A_0, %arg1 : i32
    %scan3A = arith.constant 0 : i32
    %scan3A_1 = arith.constant 0 : i32
    %scan3A_2 = arith.constant 40 : i32
    %scan3A_3 = arith.addi %scan3A_1, %scan3A_2 : i32
    %scan3A_4 = arith.constant 1 : i32
    %scan3A_5 = scf.for %scan3A_44 = %scan3A_1 to %scan3A_3 step %scan3A_4 iter_args(%scan3A_45 = %scan3A) -> (i32)  : i32 {
      %broadcast_in_dim3A = arith.constant 0.000000e+00 : f32
      %broadcast_in_dim3A_46 = vector.broadcast %broadcast_in_dim3A : f32 to vector<16xf32>
      %mul3A_47 = arith.constant 16 : i32
      %mul3A_48 = arith.muli %scan3A_44, %mul3A_47 : i32
      %swap3A = arith.index_cast %mul3A_48 : i32 to index
      %swap3A_49 = tpu.vector_load %arg4[%swap3A] {strides = array<i32>} : memref<640xf32, #tpu.memory_space<vmem>>, vector<16xf32>,
      %swap3A_50 = vector.shape_cast %swap3A_49 : vector<16xf32> to vector<16xf32>
      %swap3A_51 = vector.shape_cast %broadcast_in_dim3A_46 : vector<16xf32> to vector<16xf32>
      tpu.vector_store %arg4[%swap3A], %swap3A_51 {strides = array<i32>} : memref<640xf32, #tpu.memory_space<vmem>>, vector<16xf32>,
      %broadcast_in_dim3A_52 = arith.constant 1.000000e+00 : f32
      %broadcast_in_dim3A_53 = vector.broadcast %broadcast_in_dim3A_52 : f32 to vector<16xf32>
      %mul3A_54 = arith.constant 16 : i32
      %mul3A_55 = arith.muli %scan3A_44, %mul3A_54 : i32
      %swap3A_56 = arith.index_cast %mul3A_55 : i32 to index
      %swap3A_57 = tpu.vector_load %arg5[%swap3A_56] {strides = array<i32>} : memref<640xf32, #tpu.memory_space<vmem>>, vector<16xf32>,
      %swap3A_58 = vector.shape_cast %swap3A_57 : vector<16xf32> to vector<16xf32>
      %swap3A_59 = vector.shape_cast %broadcast_in_dim3A_53 : vector<16xf32> to vector<16xf32>
      tpu.vector_store %arg5[%swap3A_56], %swap3A_59 {strides = array<i32>} : memref<640xf32, #tpu.memory_space<vmem>>, vector<16xf32>,
      %scan3A_60 = arith.constant 0 : i32
      scf.yield %scan3A_60 : i32
    }
    %scan3A_6 = arith.constant 40 : i32
    %mul3A_7 = arith.constant 640 : i32
    %mul3A_8 = arith.muli %arg1, %mul3A_7 : i32
    "tpu.region"() ({
      %run_scoped3A_44 = tpu.sem_alloc : memref<!tpu.dma_semaphore, #tpu.memory_space<semaphore_mem>>
      %dma_start3A_45 = tpu.memref_slice %arg10[%mul3A_8] : memref<10240xf32, #tpu.memory_space<vmem_shared>> -> memref<640xf32, #tpu.memory_space<vmem_shared>>
      %dma_start3A_46 = tpu.memref_slice %arg10[%mul3A_8] : memref<10240xf32, #tpu.memory_space<vmem_shared>> -> memref<640xf32, #tpu.memory_space<vmem_shared>>
      tpu.enqueue_dma source(%arg4 : memref<640xf32, #tpu.memory_space<vmem>>) target(%dma_start3A_46 : memref<640xf32, #tpu.memory_space<vmem_shared>>) target_semaphore(%run_scoped3A_44 : memref<!tpu.dma_semaphore, #tpu.memory_space<semaphore_mem>>)
      %dma_wait3A = tpu.memref_slice %arg10[%mul3A_8] : memref<10240xf32, #tpu.memory_space<vmem_shared>> -> memref<640xf32, #tpu.memory_space<vmem_shared>>
      %dma_wait3A_47 = tpu.memref_slice %arg10[%mul3A_8] : memref<10240xf32, #tpu.memory_space<vmem_shared>> -> memref<640xf32, #tpu.memory_space<vmem_shared>>
      tpu.wait_dma2 semaphore(%run_scoped3A_44 : memref<!tpu.dma_semaphore, #tpu.memory_space<semaphore_mem>>) src(%arg4 : memref<640xf32, #tpu.memory_space<vmem>>) dst(%dma_wait3A_47 : memref<640xf32, #tpu.memory_space<vmem_shared>>)
      tpu.yield
    }) : () -> ()
    %barrier3A = arith.constant 0 : index
    tpu.barrier barrier_id(%barrier3A)
    %mul3A_9 = arith.constant 10000 : i32
    %mul3A_10 = arith.muli %add3A, %mul3A_9 : i32
    %add3A_11 = arith.constant 320000 : i32
    %add3A_12 = arith.addi %add3A_11, %mul3A_10 : i32
    %run_scoped3A = arith.constant 0 : i32
    "tpu.region"() ({
      %run_scoped3A_44 = tpu.sem_alloc : memref<!tpu.dma_semaphore, #tpu.memory_space<semaphore_mem>>
      %dma_start3A_45 = arith.constant 0 : i32
      %dma_start3A_46 = tpu.memref_slice %arg6[%run_scoped3A, %dma_start3A_45] : memref<16x128xi32, #tpu.memory_space<vmem>> -> memref<1x128xi32, #tpu.memory_space<vmem>>
      %dma_start3A_47 = tpu.memref_squeeze %dma_start3A_46 : memref<1x128xi32, #tpu.memory_space<vmem>> -> memref<128xi32, #tpu.memory_space<vmem>>
      %dma_start3A_48 = tpu.memref_slice %arg2[%add3A_12] : memref<640000xi32, #tpu.memory_space<hbm>> -> memref<128xi32, #tpu.memory_space<hbm>>
      %dma_start3A_49 = arith.constant 0 : i32
      %dma_start3A_50 = tpu.memref_slice %arg6[%run_scoped3A, %dma_start3A_49] : memref<16x128xi32, #tpu.memory_space<vmem>> -> memref<1x128xi32, #tpu.memory_space<vmem>>
      %dma_start3A_51 = tpu.memref_squeeze %dma_start3A_50 : memref<1x128xi32, #tpu.memory_space<vmem>> -> memref<128xi32, #tpu.memory_space<vmem>>
      %dma_start3A_52 = tpu.memref_slice %arg2[%add3A_12] : memref<640000xi32, #tpu.memory_space<hbm>> -> memref<128xi32, #tpu.memory_space<hbm>>
      tpu.enqueue_dma source(%dma_start3A_52 : memref<128xi32, #tpu.memory_space<hbm>>) target(%dma_start3A_51 : memref<128xi32, #tpu.memory_space<vmem>>) target_semaphore(%run_scoped3A_44 : memref<!tpu.dma_semaphore, #tpu.memory_space<semaphore_mem>>)
      %dma_wait3A = arith.constant 0 : i32
      %dma_wait3A_53 = tpu.memref_slice %arg6[%run_scoped3A, %dma_wait3A] : memref<16x128xi32, #tpu.memory_space<vmem>> -> memref<1x128xi32, #tpu.memory_space<vmem>>
      %dma_wait3A_54 = tpu.memref_squeeze %dma_wait3A_53 : memref<1x128xi32, #tpu.memory_space<vmem>> -> memref<128xi32, #tpu.memory_space<vmem>>
      %dma_wait3A_55 = tpu.memref_slice %arg2[%add3A_12] : memref<640000xi32, #tpu.memory_space<hbm>> -> memref<128xi32, #tpu.memory_space<hbm>>
      %dma_wait3A_56 = arith.constant 0 : i32
      %dma_wait3A_57 = tpu.memref_slice %arg6[%run_scoped3A, %dma_wait3A_56] : memref<16x128xi32, #tpu.memory_space<vmem>> -> memref<1x128xi32, #tpu.memory_space<vmem>>
      %dma_wait3A_58 = tpu.memref_squeeze %dma_wait3A_57 : memref<1x128xi32, #tpu.memory_space<vmem>> -> memref<128xi32, #tpu.memory_space<vmem>>
      %dma_wait3A_59 = tpu.memref_slice %arg2[%add3A_12] : memref<640000xi32, #tpu.memory_space<hbm>> -> memref<128xi32, #tpu.memory_space<hbm>>
      tpu.wait_dma2 semaphore(%run_scoped3A_44 : memref<!tpu.dma_semaphore, #tpu.memory_space<semaphore_mem>>) src(%dma_wait3A_59 : memref<128xi32, #tpu.memory_space<hbm>>) dst(%dma_wait3A_58 : memref<128xi32, #tpu.memory_space<vmem>>)
      tpu.yield
    }) : () -> ()
    %add3A_13 = arith.constant 128 : i32
    %add3A_14 = arith.addi %add3A_12, %add3A_13 : i32
    %dma_start3A = arith.constant 1 : i32
    %dma_start3A_15 = arith.constant 0 : i32
    %dma_start3A_16 = tpu.memref_slice %arg6[%dma_start3A, %dma_start3A_15] : memref<16x128xi32, #tpu.memory_space<vmem>> -> memref<1x128xi32, #tpu.memory_space<vmem>>
    %dma_start3A_17 = tpu.memref_squeeze %dma_start3A_16 : memref<1x128xi32, #tpu.memory_space<vmem>> -> memref<128xi32, #tpu.memory_space<vmem>>
    %dma_start3A_18 = tpu.memref_slice %arg2[%add3A_14] : memref<640000xi32, #tpu.memory_space<hbm>> -> memref<128xi32, #tpu.memory_space<hbm>>
    %dma_start3A_19 = arith.constant 0 : i32
    %dma_start3A_20 = tpu.memref_slice %arg6[%dma_start3A, %dma_start3A_19] : memref<16x128xi32, #tpu.memory_space<vmem>> -> memref<1x128xi32, #tpu.memory_space<vmem>>
    %dma_start3A_21 = tpu.memref_squeeze %dma_start3A_20 : memref<1x128xi32, #tpu.memory_space<vmem>> -> memref<128xi32, #tpu.memory_space<vmem>>
    %dma_start3A_22 = tpu.memref_slice %arg2[%add3A_14] : memref<640000xi32, #tpu.memory_space<hbm>> -> memref<128xi32, #tpu.memory_space<hbm>>
    tpu.enqueue_dma source(%dma_start3A_22 : memref<128xi32, #tpu.memory_space<hbm>>) target(%dma_start3A_21 : memref<128xi32, #tpu.memory_space<vmem>>) target_semaphore(%arg9 : memref<!tpu.dma_semaphore, #tpu.memory_space<semaphore_mem>>)
    %scan3A_23 = arith.constant 0 : i32
    %scan3A_24 = arith.constant 0 : i32
    %scan3A_25 = arith.constant 78 : i32
    %scan3A_26 = arith.addi %scan3A_24, %scan3A_25 : i32
    %scan3A_27 = arith.constant 1 : i32
    %scan3A_28 = scf.for %scan3A_44 = %scan3A_24 to %scan3A_26 step %scan3A_27 iter_args(%scan3A_45 = %scan3A_23) -> (i32)  : i32 {
      %add3A_46 = arith.constant 2 : i32
      %add3A_47 = arith.addi %scan3A_44, %add3A_46 : i32
      %lt3A = arith.constant 78 : i32
      %lt3A_48 = arith.cmpi slt, %add3A_47, %lt3A : i32
      %convert_element_type3A = arith.extui %lt3A_48 : i1 to i32
      %cond3A = arith.constant 0 : i32
      %cond3A_49 = arith.cmpi ne, %convert_element_type3A, %cond3A : i32
      scf.if %cond3A_49 {
        %add3A_73 = arith.constant 2 : i32
        %add3A_74 = arith.addi %scan3A_44, %add3A_73 : i32
        %min3A = arith.constant 77 : i32
        %min3A_75 = arith.minsi %add3A_74, %min3A : i32
        %mul3A_76 = arith.constant 128 : i32
        %mul3A_77 = arith.muli %min3A_75, %mul3A_76 : i32
        %add3A_78 = arith.addi %add3A_12, %mul3A_77 : i32
        %and3A_79 = arith.constant 15 : i32
        %and3A_80 = arith.andi %min3A_75, %and3A_79 : i32
        %dma_start3A_81 = arith.constant 0 : i32
        %dma_start3A_82 = tpu.memref_slice %arg6[%and3A_80, %dma_start3A_81] : memref<16x128xi32, #tpu.memory_space<vmem>> -> memref<1x128xi32, #tpu.memory_space<vmem>>
        %dma_start3A_83 = tpu.memref_squeeze %dma_start3A_82 : memref<1x128xi32, #tpu.memory_space<vmem>> -> memref<128xi32, #tpu.memory_space<vmem>>
        %dma_start3A_84 = tpu.memref_slice %arg2[%add3A_78] : memref<640000xi32, #tpu.memory_space<hbm>> -> memref<128xi32, #tpu.memory_space<hbm>>
        %dma_start3A_85 = arith.constant 0 : i32
        %dma_start3A_86 = tpu.memref_slice %arg6[%and3A_80, %dma_start3A_85] : memref<16x128xi32, #tpu.memory_space<vmem>> -> memref<1x128xi32, #tpu.memory_space<vmem>>
        %dma_start3A_87 = tpu.memref_squeeze %dma_start3A_86 : memref<1x128xi32, #tpu.memory_space<vmem>> -> memref<128xi32, #tpu.memory_space<vmem>>
        %dma_start3A_88 = tpu.memref_slice %arg2[%add3A_78] : memref<640000xi32, #tpu.memory_space<hbm>> -> memref<128xi32, #tpu.memory_space<hbm>>
        tpu.enqueue_dma source(%dma_start3A_88 : memref<128xi32, #tpu.memory_space<hbm>>) target(%dma_start3A_87 : memref<128xi32, #tpu.memory_space<vmem>>) target_semaphore(%arg9 : memref<!tpu.dma_semaphore, #tpu.memory_space<semaphore_mem>>)
      } else {
      }
      %ge3A = arith.constant 12 : i32
      %ge3A_50 = arith.cmpi sge, %scan3A_44, %ge3A : i32
      %convert_element_type3A_51 = arith.extui %ge3A_50 : i1 to i32
      %cond3A_52 = arith.constant 0 : i32
      %cond3A_53 = arith.cmpi ne, %convert_element_type3A_51, %cond3A_52 : i32
      scf.if %cond3A_53 {
        %rem3A_73 = arith.constant 12 : i32
        %rem3A_74 = arith.remsi %scan3A_44, %rem3A_73 : i32
        %dma_wait3A = arith.constant 0 : i32
        %dma_wait3A_75 = arith.constant 0 : i32
        %dma_wait3A_76 = tpu.memref_slice %arg5[%dma_wait3A_75] : memref<640xf32, #tpu.memory_space<vmem>> -> memref<128xf32, #tpu.memory_space<vmem>>
        %dma_wait3A_77 = arith.constant 0 : i32
        %dma_wait3A_78 = tpu.memref_slice %arg6[%dma_wait3A, %dma_wait3A_77] : memref<16x128xi32, #tpu.memory_space<vmem>> -> memref<1x128xi32, #tpu.memory_space<vmem>>
        %dma_wait3A_79 = tpu.memref_squeeze %dma_wait3A_78 : memref<1x128xi32, #tpu.memory_space<vmem>> -> memref<128xi32, #tpu.memory_space<vmem>>
        %dma_wait3A_80 = arith.constant 0 : i32
        %dma_wait3A_81 = tpu.memref_slice %arg10[%dma_wait3A_80] : memref<10240xf32, #tpu.memory_space<vmem_shared>> -> memref<10240xf32, #tpu.memory_space<vmem_shared>>
        %dma_wait3A_82 = tpu.memref_slice %arg8[%rem3A_74] : memref<12x!tpu.dma_semaphore, #tpu.memory_space<semaphore_mem>> -> memref<1x!tpu.dma_semaphore, #tpu.memory_space<semaphore_mem>>
        %dma_wait3A_83 = tpu.memref_squeeze %dma_wait3A_82 : memref<1x!tpu.dma_semaphore, #tpu.memory_space<semaphore_mem>> -> memref<!tpu.dma_semaphore, #tpu.memory_space<semaphore_mem>>
        tpu.wait_indirect_dma semaphore(%dma_wait3A_83 : memref<!tpu.dma_semaphore, #tpu.memory_space<semaphore_mem>>) src(%dma_wait3A_76 : memref<128xf32, #tpu.memory_space<vmem>>) dst(%dma_wait3A_81 : memref<10240xf32, #tpu.memory_space<vmem_shared>>)
      } else {
      }
      %and3A = arith.constant 15 : i32
      %and3A_54 = arith.andi %scan3A_44, %and3A : i32
      %rem3A = arith.constant 12 : i32
      %rem3A_55 = arith.remsi %scan3A_44, %rem3A : i32
      %dma_start3A_56 = arith.constant 0 : i32
      %dma_start3A_57 = tpu.memref_slice %arg5[%dma_start3A_56] : memref<640xf32, #tpu.memory_space<vmem>> -> memref<128xf32, #tpu.memory_space<vmem>>
      %dma_start3A_58 = arith.constant 0 : i32
      %dma_start3A_59 = tpu.memref_slice %arg6[%and3A_54, %dma_start3A_58] : memref<16x128xi32, #tpu.memory_space<vmem>> -> memref<1x128xi32, #tpu.memory_space<vmem>>
      %dma_start3A_60 = tpu.memref_squeeze %dma_start3A_59 : memref<1x128xi32, #tpu.memory_space<vmem>> -> memref<128xi32, #tpu.memory_space<vmem>>
      %dma_start3A_61 = arith.constant 0 : i32
      %dma_start3A_62 = tpu.memref_slice %arg10[%dma_start3A_61] : memref<10240xf32, #tpu.memory_space<vmem_shared>> -> memref<10240xf32, #tpu.memory_space<vmem_shared>>
      %dma_start3A_63 = tpu.memref_slice %arg8[%rem3A_55] : memref<12x!tpu.dma_semaphore, #tpu.memory_space<semaphore_mem>> -> memref<1x!tpu.dma_semaphore, #tpu.memory_space<semaphore_mem>>
      %dma_start3A_64 = tpu.memref_squeeze %dma_start3A_63 : memref<1x!tpu.dma_semaphore, #tpu.memory_space<semaphore_mem>> -> memref<!tpu.dma_semaphore, #tpu.memory_space<semaphore_mem>>
      tpu.enqueue_indirect_dma source(%dma_start3A_57 : memref<128xf32, #tpu.memory_space<vmem>>) target(%dma_start3A_62 : memref<10240xf32, #tpu.memory_space<vmem_shared>>) offsets(%dma_start3A_60 : memref<128xi32, #tpu.memory_space<vmem>>) semaphore(%dma_start3A_64 : memref<!tpu.dma_semaphore, #tpu.memory_space<semaphore_mem>>) {add = true}
      %add3A_65 = arith.constant 1 : i32
      %add3A_66 = arith.addi %scan3A_44, %add3A_65 : i32
      %lt3A_67 = arith.constant 78 : i32
      %lt3A_68 = arith.cmpi slt, %add3A_66, %lt3A_67 : i32
      %convert_element_type3A_69 = arith.extui %lt3A_68 : i1 to i32
      %cond3A_70 = arith.constant 0 : i32
      %cond3A_71 = arith.cmpi ne, %convert_element_type3A_69, %cond3A_70 : i32
      scf.if %cond3A_71 {
        %dma_wait3A = arith.constant 0 : i32
        %dma_wait3A_73 = arith.constant 0 : i32
        %dma_wait3A_74 = tpu.memref_slice %arg6[%dma_wait3A, %dma_wait3A_73] : memref<16x128xi32, #tpu.memory_space<vmem>> -> memref<1x128xi32, #tpu.memory_space<vmem>>
        %dma_wait3A_75 = tpu.memref_squeeze %dma_wait3A_74 : memref<1x128xi32, #tpu.memory_space<vmem>> -> memref<128xi32, #tpu.memory_space<vmem>>
        %dma_wait3A_76 = tpu.memref_slice %arg2[%add3A_12] : memref<640000xi32, #tpu.memory_space<hbm>> -> memref<128xi32, #tpu.memory_space<hbm>>
        %dma_wait3A_77 = arith.constant 0 : i32
        %dma_wait3A_78 = tpu.memref_slice %arg6[%dma_wait3A, %dma_wait3A_77] : memref<16x128xi32, #tpu.memory_space<vmem>> -> memref<1x128xi32, #tpu.memory_space<vmem>>
        %dma_wait3A_79 = tpu.memref_squeeze %dma_wait3A_78 : memref<1x128xi32, #tpu.memory_space<vmem>> -> memref<128xi32, #tpu.memory_space<vmem>>
        %dma_wait3A_80 = tpu.memref_slice %arg2[%add3A_12] : memref<640000xi32, #tpu.memory_space<hbm>> -> memref<128xi32, #tpu.memory_space<hbm>>
        tpu.wait_dma2 semaphore(%arg9 : memref<!tpu.dma_semaphore, #tpu.memory_space<semaphore_mem>>) src(%dma_wait3A_80 : memref<128xi32, #tpu.memory_space<hbm>>) dst(%dma_wait3A_79 : memref<128xi32, #tpu.memory_space<vmem>>)
      } else {
      }
      %scan3A_72 = arith.constant 0 : i32
      scf.yield %scan3A_72 : i32
    }
    %scan3A_29 = arith.constant 78 : i32
    %scan3A_30 = arith.constant 0 : i32
    %scan3A_31 = arith.constant 66 : i32
    %scan3A_32 = arith.constant 12 : i32
    %scan3A_33 = arith.addi %scan3A_31, %scan3A_32 : i32
    %scan3A_34 = arith.constant 1 : i32
    %scan3A_35 = scf.for %scan3A_44 = %scan3A_31 to %scan3A_33 step %scan3A_34 iter_args(%scan3A_45 = %scan3A_30) -> (i32)  : i32 {
      %rem3A = arith.constant 12 : i32
      %rem3A_46 = arith.remsi %scan3A_44, %rem3A : i32
      %dma_wait3A = arith.constant 0 : i32
      %dma_wait3A_47 = arith.constant 0 : i32
      %dma_wait3A_48 = tpu.memref_slice %arg5[%dma_wait3A_47] : memref<640xf32, #tpu.memory_space<vmem>> -> memref<128xf32, #tpu.memory_space<vmem>>
      %dma_wait3A_49 = arith.constant 0 : i32
      %dma_wait3A_50 = tpu.memref_slice %arg6[%dma_wait3A, %dma_wait3A_49] : memref<16x128xi32, #tpu.memory_space<vmem>> -> memref<1x128xi32, #tpu.memory_space<vmem>>
      %dma_wait3A_51 = tpu.memref_squeeze %dma_wait3A_50 : memref<1x128xi32, #tpu.memory_space<vmem>> -> memref<128xi32, #tpu.memory_space<vmem>>
      %dma_wait3A_52 = arith.constant 0 : i32
      %dma_wait3A_53 = tpu.memref_slice %arg10[%dma_wait3A_52] : memref<10240xf32, #tpu.memory_space<vmem_shared>> -> memref<10240xf32, #tpu.memory_space<vmem_shared>>
      %dma_wait3A_54 = tpu.memref_slice %arg8[%rem3A_46] : memref<12x!tpu.dma_semaphore, #tpu.memory_space<semaphore_mem>> -> memref<1x!tpu.dma_semaphore, #tpu.memory_space<semaphore_mem>>
      %dma_wait3A_55 = tpu.memref_squeeze %dma_wait3A_54 : memref<1x!tpu.dma_semaphore, #tpu.memory_space<semaphore_mem>> -> memref<!tpu.dma_semaphore, #tpu.memory_space<semaphore_mem>>
      tpu.wait_indirect_dma semaphore(%dma_wait3A_55 : memref<!tpu.dma_semaphore, #tpu.memory_space<semaphore_mem>>) src(%dma_wait3A_48 : memref<128xf32, #tpu.memory_space<vmem>>) dst(%dma_wait3A_53 : memref<10240xf32, #tpu.memory_space<vmem_shared>>)
      %scan3A_56 = arith.constant 0 : i32
      scf.yield %scan3A_56 : i32
    }
    %scan3A_36 = arith.constant 12 : i32
    %add3A_37 = arith.constant 9984 : i32
    %add3A_38 = arith.addi %add3A_12, %add3A_37 : i32
    "tpu.region"() ({
      %run_scoped3A_44 = tpu.sem_alloc : memref<!tpu.dma_semaphore, #tpu.memory_space<semaphore_mem>>
      %dma_start3A_45 = tpu.memref_slice %arg2[%add3A_38] : memref<640000xi32, #tpu.memory_space<hbm>> -> memref<16xi32, #tpu.memory_space<hbm>>
      %dma_start3A_46 = tpu.memref_slice %arg2[%add3A_38] : memref<640000xi32, #tpu.memory_space<hbm>> -> memref<16xi32, #tpu.memory_space<hbm>>
      tpu.enqueue_dma source(%dma_start3A_46 : memref<16xi32, #tpu.memory_space<hbm>>) target(%arg7 : memref<16xi32, #tpu.memory_space<vmem>>) target_semaphore(%run_scoped3A_44 : memref<!tpu.dma_semaphore, #tpu.memory_space<semaphore_mem>>)
      %dma_wait3A = tpu.memref_slice %arg2[%add3A_38] : memref<640000xi32, #tpu.memory_space<hbm>> -> memref<16xi32, #tpu.memory_space<hbm>>
      %dma_wait3A_47 = tpu.memref_slice %arg2[%add3A_38] : memref<640000xi32, #tpu.memory_space<hbm>> -> memref<16xi32, #tpu.memory_space<hbm>>
      tpu.wait_dma2 semaphore(%run_scoped3A_44 : memref<!tpu.dma_semaphore, #tpu.memory_space<semaphore_mem>>) src(%dma_wait3A_47 : memref<16xi32, #tpu.memory_space<hbm>>) dst(%arg7 : memref<16xi32, #tpu.memory_space<vmem>>)
      tpu.yield
    }) : () -> ()
    "tpu.region"() ({
      %run_scoped3A_44 = tpu.sem_alloc : memref<!tpu.dma_semaphore, #tpu.memory_space<semaphore_mem>>
      %dma_start3A_45 = arith.constant 0 : i32
      %dma_start3A_46 = tpu.memref_slice %arg5[%dma_start3A_45] : memref<640xf32, #tpu.memory_space<vmem>> -> memref<16xf32, #tpu.memory_space<vmem>>
      %dma_start3A_47 = arith.constant 0 : i32
      %dma_start3A_48 = tpu.memref_slice %arg10[%dma_start3A_47] : memref<10240xf32, #tpu.memory_space<vmem_shared>> -> memref<10240xf32, #tpu.memory_space<vmem_shared>>
      tpu.enqueue_indirect_dma source(%dma_start3A_46 : memref<16xf32, #tpu.memory_space<vmem>>) target(%dma_start3A_48 : memref<10240xf32, #tpu.memory_space<vmem_shared>>) offsets(%arg7 : memref<16xi32, #tpu.memory_space<vmem>>) semaphore(%run_scoped3A_44 : memref<!tpu.dma_semaphore, #tpu.memory_space<semaphore_mem>>) {add = true}
      %dma_wait3A = arith.constant 0 : i32
      %dma_wait3A_49 = tpu.memref_slice %arg5[%dma_wait3A] : memref<640xf32, #tpu.memory_space<vmem>> -> memref<16xf32, #tpu.memory_space<vmem>>
      %dma_wait3A_50 = arith.constant 0 : i32
      %dma_wait3A_51 = tpu.memref_slice %arg10[%dma_wait3A_50] : memref<10240xf32, #tpu.memory_space<vmem_shared>> -> memref<10240xf32, #tpu.memory_space<vmem_shared>>
      tpu.wait_indirect_dma semaphore(%run_scoped3A_44 : memref<!tpu.dma_semaphore, #tpu.memory_space<semaphore_mem>>) src(%dma_wait3A_49 : memref<16xf32, #tpu.memory_space<vmem>>) dst(%dma_wait3A_51 : memref<10240xf32, #tpu.memory_space<vmem_shared>>)
      tpu.yield
    }) : () -> ()
    %barrier3A_39 = arith.constant 0 : index
    tpu.barrier barrier_id(%barrier3A_39)
    %mul3A_40 = arith.constant 640 : i32
    %mul3A_41 = arith.muli %arg1, %mul3A_40 : i32
    %mul3A_42 = arith.constant 640 : i32
    %mul3A_43 = arith.muli %arg1, %mul3A_42 : i32
    "tpu.region"() ({
      %run_scoped3A_44 = tpu.sem_alloc : memref<!tpu.dma_semaphore, #tpu.memory_space<semaphore_mem>>
      %dma_start3A_45 = tpu.memref_slice %arg3[%arg0, %mul3A_43] : memref<2x10240xf32, #tpu.memory_space<hbm>> -> memref<1x640xf32, #tpu.memory_space<hbm>>
      %dma_start3A_46 = tpu.memref_squeeze %dma_start3A_45 : memref<1x640xf32, #tpu.memory_space<hbm>> -> memref<640xf32, #tpu.memory_space<hbm>>
      %dma_start3A_47 = tpu.memref_slice %arg10[%mul3A_41] : memref<10240xf32, #tpu.memory_space<vmem_shared>> -> memref<640xf32, #tpu.memory_space<vmem_shared>>
      tpu.enqueue_dma source(%dma_start3A_47 : memref<640xf32, #tpu.memory_space<vmem_shared>>) target(%dma_start3A_46 : memref<640xf32, #tpu.memory_space<hbm>>) target_semaphore(%run_scoped3A_44 : memref<!tpu.dma_semaphore, #tpu.memory_space<semaphore_mem>>)
      %dma_wait3A = tpu.memref_slice %arg3[%arg0, %mul3A_43] : memref<2x10240xf32, #tpu.memory_space<hbm>> -> memref<1x640xf32, #tpu.memory_space<hbm>>
      %dma_wait3A_48 = tpu.memref_squeeze %dma_wait3A : memref<1x640xf32, #tpu.memory_space<hbm>> -> memref<640xf32, #tpu.memory_space<hbm>>
      %dma_wait3A_49 = tpu.memref_slice %arg10[%mul3A_41] : memref<10240xf32, #tpu.memory_space<vmem_shared>> -> memref<640xf32, #tpu.memory_space<vmem_shared>>
      tpu.wait_dma2 semaphore(%run_scoped3A_44 : memref<!tpu.dma_semaphore, #tpu.memory_space<semaphore_mem>>) src(%dma_wait3A_49 : memref<640xf32, #tpu.memory_space<vmem_shared>>) dst(%dma_wait3A_48 : memref<640xf32, #tpu.memory_space<hbm>>)
      tpu.yield
    }) : () -> ()
    return
  }
}

module attributes {stable_mosaic.version = 14 : i64} {
  func.func @_mmscale_body(%arg0: i32, %arg1: memref<2000x128xf32, #tpu.memory_space<vmem>>, %arg2: memref<128x128xf32, #tpu.memory_space<vmem>>, %arg3: memref<2x1x1x2000xf32, #tpu.memory_space<vmem>>, %arg4: memref<2000x128xf32, #tpu.memory_space<vmem>>) attributes {dimension_semantics = [#tpu.dimension_semantics<arbitrary>], iteration_bounds = array<i64: 5>, scalar_prefetch = 0 : i64, scratch_operands = 0 : i64, tpu.core_type = #tpu.core_type<tc>, window_params = [{transform_indices = @transform_0, window_bounds = array<i64: 2000, 128>}, {pipeline_mode = #tpu.pipeline_mode<synchronous>, transform_indices = @transform_1, window_bounds = array<i64: 128, 128>}, {transform_indices = @transform_2, window_bounds = array<i64: 2, 1, 1, 2000>}, {transform_indices = @transform_3, window_bounds = array<i64: 2000, 128>}]} {
    %get3A = arith.constant 0 : index
    %get3A_0 = arith.constant 0 : index
    %get3A_1 = arith.constant 0 : index
    %get3A_2 = arith.constant 0 : index
    %get3A_3 = vector.load %arg3[%get3A, %get3A_0, %get3A_1, %get3A_2] : memref<2x1x1x2000xf32, #tpu.memory_space<vmem>>, vector<1x1x1x2000xf32>
    %get3A_4 = vector.shape_cast %get3A_3 : vector<1x1x1x2000xf32> to vector<2000xf32>
    %get3A_5 = arith.constant 1 : index
    %get3A_6 = arith.constant 0 : index
    %get3A_7 = arith.constant 0 : index
    %get3A_8 = arith.constant 0 : index
    %get3A_9 = vector.load %arg3[%get3A_5, %get3A_6, %get3A_7, %get3A_8] : memref<2x1x1x2000xf32, #tpu.memory_space<vmem>>, vector<1x1x1x2000xf32>
    %get3A_10 = vector.shape_cast %get3A_9 : vector<1x1x1x2000xf32> to vector<2000xf32>
    %add3A = arith.addf %get3A_4, %get3A_10 : vector<2000xf32>
    %add3A_11 = arith.constant 1.000000e+00 : f32
    %add3A_12 = vector.broadcast %add3A_11 : f32 to vector<2000xf32>
    %add3A_13 = arith.addf %add3A, %add3A_12 : vector<2000xf32>
    %rsqrt3A = math.rsqrt %add3A_13 : vector<2000xf32>
    %get3A_14 = arith.constant 0 : index
    %get3A_15 = arith.constant 0 : index
    %get3A_16 = vector.load %arg1[%get3A_14, %get3A_15] : memref<2000x128xf32, #tpu.memory_space<vmem>>, vector<2000x128xf32>
    %get3A_17 = arith.constant 0 : index
    %get3A_18 = arith.constant 0 : index
    %get3A_19 = vector.load %arg2[%get3A_17, %get3A_18] : memref<128x128xf32, #tpu.memory_space<vmem>>, vector<128x128xf32>
    %dot_general3A = arith.constant dense<0.000000e+00> : vector<2000x128xf32>
    %dot_general3A_20 = tpu.matmul %get3A_16, %get3A_19, %dot_general3A {dimension_numbers = #tpu.dot_dimension_numbers<[1], [0], [0], [1], [0, 0, 1, 1], [], []>, transpose_lhs_hint = false} : vector<2000x128xf32>, vector<128x128xf32>, vector<2000x128xf32> -> vector<2000x128xf32>
    %broadcast_in_dim3A = vector.shape_cast %rsqrt3A : vector<2000xf32> to vector<2000x1xf32>
    %mul3A = vector.broadcast %broadcast_in_dim3A : vector<2000x1xf32> to vector<2000x128xf32>
    %mul3A_21 = arith.mulf %dot_general3A_20, %mul3A : vector<2000x128xf32>
    %swap3A = arith.constant 0 : index
    %swap3A_22 = arith.constant 0 : index
    %swap3A_23 = vector.load %arg4[%swap3A, %swap3A_22] : memref<2000x128xf32, #tpu.memory_space<vmem>>, vector<2000x128xf32>
    tpu.vector_store %arg4[%swap3A, %swap3A_22], %mul3A_21 {strides = array<i32>} : memref<2000x128xf32, #tpu.memory_space<vmem>>, vector<2000x128xf32>,
    return
  }
  func.func @transform_0(%arg0: i32) -> (i32, i32) {
    %c0_i32 = arith.constant 0 : i32
    %c0_i32_0 = arith.constant 0 : i32
    return %arg0, %c0_i32 : i32, i32
  }
  func.func @transform_1(%arg0: i32) -> (i32, i32) {
    %c0_i32 = arith.constant 0 : i32
    %c0_i32_0 = arith.constant 0 : i32
    %c0_i32_1 = arith.constant 0 : i32
    return %c0_i32, %c0_i32_0 : i32, i32
  }
  func.func @transform_2(%arg0: i32) -> (i32, i32, i32, i32) {
    %c0_i32 = arith.constant 0 : i32
    %c0_i32_0 = arith.constant 0 : i32
    %c0_i32_1 = arith.constant 0 : i32
    %c0_i32_2 = arith.constant 0 : i32
    return %c0_i32, %arg0, %c0_i32_0, %c0_i32_1 : i32, i32, i32, i32
  }
  func.func @transform_3(%arg0: i32) -> (i32, i32) {
    %c0_i32 = arith.constant 0 : i32
    %c0_i32_0 = arith.constant 0 : i32
    return %arg0, %c0_i32 : i32, i32
  }
}

module attributes {stable_mosaic.version = 14 : i64} {
  func.func @_mid_body(%arg0: i32, %arg1: memref<2x2000x128xf32, #tpu.memory_space<vmem>>, %arg2: memref<2000x128xf32, #tpu.memory_space<vmem>>, %arg3: memref<2x1x1x2000xf32, #tpu.memory_space<vmem>>, %arg4: memref<1x128xf32, #tpu.memory_space<vmem>>, %arg5: memref<128x128xf32, #tpu.memory_space<vmem>>, %arg6: memref<2000x128xf32, #tpu.memory_space<vmem>>) attributes {dimension_semantics = [#tpu.dimension_semantics<arbitrary>], iteration_bounds = array<i64: 5>, scalar_prefetch = 0 : i64, scratch_operands = 0 : i64, tpu.core_type = #tpu.core_type<tc>, window_params = [{transform_indices = @transform_0, window_bounds = array<i64: 2, 2000, 128>}, {transform_indices = @transform_1, window_bounds = array<i64: 2000, 128>}, {transform_indices = @transform_2, window_bounds = array<i64: 2, 1, 1, 2000>}, {pipeline_mode = #tpu.pipeline_mode<synchronous>, transform_indices = @transform_3, window_bounds = array<i64: 1, 128>}, {pipeline_mode = #tpu.pipeline_mode<synchronous>, transform_indices = @transform_4, window_bounds = array<i64: 128, 128>}, {transform_indices = @transform_5, window_bounds = array<i64: 2000, 128>}]} {
    %get3A = arith.constant 0 : index
    %get3A_0 = arith.constant 0 : index
    %get3A_1 = arith.constant 0 : index
    %get3A_2 = arith.constant 0 : index
    %get3A_3 = vector.load %arg3[%get3A, %get3A_0, %get3A_1, %get3A_2] : memref<2x1x1x2000xf32, #tpu.memory_space<vmem>>, vector<1x1x1x2000xf32>
    %get3A_4 = vector.shape_cast %get3A_3 : vector<1x1x1x2000xf32> to vector<2000xf32>
    %get3A_5 = arith.constant 1 : index
    %get3A_6 = arith.constant 0 : index
    %get3A_7 = arith.constant 0 : index
    %get3A_8 = arith.constant 0 : index
    %get3A_9 = vector.load %arg3[%get3A_5, %get3A_6, %get3A_7, %get3A_8] : memref<2x1x1x2000xf32, #tpu.memory_space<vmem>>, vector<1x1x1x2000xf32>
    %get3A_10 = vector.shape_cast %get3A_9 : vector<1x1x1x2000xf32> to vector<2000xf32>
    %add3A = arith.addf %get3A_4, %get3A_10 : vector<2000xf32>
    %add3A_11 = arith.constant 1.000000e+00 : f32
    %add3A_12 = vector.broadcast %add3A_11 : f32 to vector<2000xf32>
    %add3A_13 = arith.addf %add3A, %add3A_12 : vector<2000xf32>
    %rsqrt3A = math.rsqrt %add3A_13 : vector<2000xf32>
    %get3A_14 = arith.constant 0 : index
    %get3A_15 = arith.constant 0 : index
    %get3A_16 = arith.constant 0 : index
    %get3A_17 = vector.load %arg1[%get3A_14, %get3A_15, %get3A_16] : memref<2x2000x128xf32, #tpu.memory_space<vmem>>, vector<1x2000x128xf32>
    %get3A_18 = vector.shape_cast %get3A_17 : vector<1x2000x128xf32> to vector<2000x128xf32>
    %get3A_19 = arith.constant 1 : index
    %get3A_20 = arith.constant 0 : index
    %get3A_21 = arith.constant 0 : index
    %get3A_22 = vector.load %arg1[%get3A_19, %get3A_20, %get3A_21] : memref<2x2000x128xf32, #tpu.memory_space<vmem>>, vector<1x2000x128xf32>
    %get3A_23 = vector.shape_cast %get3A_22 : vector<1x2000x128xf32> to vector<2000x128xf32>
    %add3A_24 = arith.addf %get3A_18, %get3A_23 : vector<2000x128xf32>
    %get3A_25 = arith.constant 0 : index
    %get3A_26 = arith.constant 0 : index
    %get3A_27 = vector.load %arg2[%get3A_25, %get3A_26] : memref<2000x128xf32, #tpu.memory_space<vmem>>, vector<2000x128xf32>
    %add3A_28 = arith.addf %add3A_24, %get3A_27 : vector<2000x128xf32>
    %broadcast_in_dim3A = vector.shape_cast %rsqrt3A : vector<2000xf32> to vector<2000x1xf32>
    %mul3A = vector.broadcast %broadcast_in_dim3A : vector<2000x1xf32> to vector<2000x128xf32>
    %mul3A_29 = arith.mulf %add3A_28, %mul3A : vector<2000x128xf32>
    %get3A_30 = arith.constant 0 : index
    %get3A_31 = arith.constant 0 : index
    %get3A_32 = vector.load %arg4[%get3A_30, %get3A_31] : memref<1x128xf32, #tpu.memory_space<vmem>>, vector<1x128xf32>
    %add3A_33 = vector.broadcast %get3A_32 : vector<1x128xf32> to vector<2000x128xf32>
    %add3A_34 = arith.addf %mul3A_29, %add3A_33 : vector<2000x128xf32>
    %max3A = arith.constant 0.000000e+00 : f32
    %max3A_35 = vector.broadcast %max3A : f32 to vector<2000x128xf32>
    %max3A_36 = arith.maximumf %add3A_34, %max3A_35 : vector<2000x128xf32>
    %get3A_37 = arith.constant 0 : index
    %get3A_38 = arith.constant 0 : index
    %get3A_39 = vector.load %arg5[%get3A_37, %get3A_38] : memref<128x128xf32, #tpu.memory_space<vmem>>, vector<128x128xf32>
    %dot_general3A = arith.constant dense<0.000000e+00> : vector<2000x128xf32>
    %dot_general3A_40 = tpu.matmul %max3A_36, %get3A_39, %dot_general3A {dimension_numbers = #tpu.dot_dimension_numbers<[1], [0], [0], [1], [0, 0, 1, 1], [], []>, transpose_lhs_hint = false} : vector<2000x128xf32>, vector<128x128xf32>, vector<2000x128xf32> -> vector<2000x128xf32>
    %broadcast_in_dim3A_41 = vector.shape_cast %rsqrt3A : vector<2000xf32> to vector<2000x1xf32>
    %mul3A_42 = vector.broadcast %broadcast_in_dim3A_41 : vector<2000x1xf32> to vector<2000x128xf32>
    %mul3A_43 = arith.mulf %dot_general3A_40, %mul3A_42 : vector<2000x128xf32>
    %swap3A = arith.constant 0 : index
    %swap3A_44 = arith.constant 0 : index
    %swap3A_45 = vector.load %arg6[%swap3A, %swap3A_44] : memref<2000x128xf32, #tpu.memory_space<vmem>>, vector<2000x128xf32>
    tpu.vector_store %arg6[%swap3A, %swap3A_44], %mul3A_43 {strides = array<i32>} : memref<2000x128xf32, #tpu.memory_space<vmem>>, vector<2000x128xf32>,
    return
  }
  func.func @transform_0(%arg0: i32) -> (i32, i32, i32) {
    %c0_i32 = arith.constant 0 : i32
    %c0_i32_0 = arith.constant 0 : i32
    %c0_i32_1 = arith.constant 0 : i32
    return %c0_i32, %arg0, %c0_i32_0 : i32, i32, i32
  }
  func.func @transform_1(%arg0: i32) -> (i32, i32) {
    %c0_i32 = arith.constant 0 : i32
    %c0_i32_0 = arith.constant 0 : i32
    return %arg0, %c0_i32 : i32, i32
  }
  func.func @transform_2(%arg0: i32) -> (i32, i32, i32, i32) {
    %c0_i32 = arith.constant 0 : i32
    %c0_i32_0 = arith.constant 0 : i32
    %c0_i32_1 = arith.constant 0 : i32
    %c0_i32_2 = arith.constant 0 : i32
    return %c0_i32, %arg0, %c0_i32_0, %c0_i32_1 : i32, i32, i32, i32
  }
  func.func @transform_3(%arg0: i32) -> (i32, i32) {
    %c0_i32 = arith.constant 0 : i32
    %c0_i32_0 = arith.constant 0 : i32
    %c0_i32_1 = arith.constant 0 : i32
    return %c0_i32, %c0_i32_0 : i32, i32
  }
  func.func @transform_4(%arg0: i32) -> (i32, i32) {
    %c0_i32 = arith.constant 0 : i32
    %c0_i32_0 = arith.constant 0 : i32
    %c0_i32_1 = arith.constant 0 : i32
    return %c0_i32, %c0_i32_0 : i32, i32
  }
  func.func @transform_5(%arg0: i32) -> (i32, i32) {
    %c0_i32 = arith.constant 0 : i32
    %c0_i32_0 = arith.constant 0 : i32
    return %arg0, %c0_i32 : i32, i32
  }
}

module attributes {stable_mosaic.version = 14 : i64} {
  func.func @_final_body(%arg0: i32, %arg1: memref<2x2000x128xf32, #tpu.memory_space<vmem>>, %arg2: memref<2000x128xf32, #tpu.memory_space<vmem>>, %arg3: memref<2x1x1x2000xf32, #tpu.memory_space<vmem>>, %arg4: memref<1x128xf32, #tpu.memory_space<vmem>>, %arg5: memref<2000x128xf32, #tpu.memory_space<vmem>>) attributes {dimension_semantics = [#tpu.dimension_semantics<arbitrary>], iteration_bounds = array<i64: 5>, scalar_prefetch = 0 : i64, scratch_operands = 0 : i64, tpu.core_type = #tpu.core_type<tc>, window_params = [{transform_indices = @transform_0, window_bounds = array<i64: 2, 2000, 128>}, {transform_indices = @transform_1, window_bounds = array<i64: 2000, 128>}, {transform_indices = @transform_2, window_bounds = array<i64: 2, 1, 1, 2000>}, {pipeline_mode = #tpu.pipeline_mode<synchronous>, transform_indices = @transform_3, window_bounds = array<i64: 1, 128>}, {transform_indices = @transform_4, window_bounds = array<i64: 2000, 128>}]} {
    %get3A = arith.constant 0 : index
    %get3A_0 = arith.constant 0 : index
    %get3A_1 = arith.constant 0 : index
    %get3A_2 = arith.constant 0 : index
    %get3A_3 = vector.load %arg3[%get3A, %get3A_0, %get3A_1, %get3A_2] : memref<2x1x1x2000xf32, #tpu.memory_space<vmem>>, vector<1x1x1x2000xf32>
    %get3A_4 = vector.shape_cast %get3A_3 : vector<1x1x1x2000xf32> to vector<2000xf32>
    %get3A_5 = arith.constant 1 : index
    %get3A_6 = arith.constant 0 : index
    %get3A_7 = arith.constant 0 : index
    %get3A_8 = arith.constant 0 : index
    %get3A_9 = vector.load %arg3[%get3A_5, %get3A_6, %get3A_7, %get3A_8] : memref<2x1x1x2000xf32, #tpu.memory_space<vmem>>, vector<1x1x1x2000xf32>
    %get3A_10 = vector.shape_cast %get3A_9 : vector<1x1x1x2000xf32> to vector<2000xf32>
    %add3A = arith.addf %get3A_4, %get3A_10 : vector<2000xf32>
    %add3A_11 = arith.constant 1.000000e+00 : f32
    %add3A_12 = vector.broadcast %add3A_11 : f32 to vector<2000xf32>
    %add3A_13 = arith.addf %add3A, %add3A_12 : vector<2000xf32>
    %rsqrt3A = math.rsqrt %add3A_13 : vector<2000xf32>
    %get3A_14 = arith.constant 0 : index
    %get3A_15 = arith.constant 0 : index
    %get3A_16 = arith.constant 0 : index
    %get3A_17 = vector.load %arg1[%get3A_14, %get3A_15, %get3A_16] : memref<2x2000x128xf32, #tpu.memory_space<vmem>>, vector<1x2000x128xf32>
    %get3A_18 = vector.shape_cast %get3A_17 : vector<1x2000x128xf32> to vector<2000x128xf32>
    %get3A_19 = arith.constant 1 : index
    %get3A_20 = arith.constant 0 : index
    %get3A_21 = arith.constant 0 : index
    %get3A_22 = vector.load %arg1[%get3A_19, %get3A_20, %get3A_21] : memref<2x2000x128xf32, #tpu.memory_space<vmem>>, vector<1x2000x128xf32>
    %get3A_23 = vector.shape_cast %get3A_22 : vector<1x2000x128xf32> to vector<2000x128xf32>
    %add3A_24 = arith.addf %get3A_18, %get3A_23 : vector<2000x128xf32>
    %get3A_25 = arith.constant 0 : index
    %get3A_26 = arith.constant 0 : index
    %get3A_27 = vector.load %arg2[%get3A_25, %get3A_26] : memref<2000x128xf32, #tpu.memory_space<vmem>>, vector<2000x128xf32>
    %add3A_28 = arith.addf %add3A_24, %get3A_27 : vector<2000x128xf32>
    %broadcast_in_dim3A = vector.shape_cast %rsqrt3A : vector<2000xf32> to vector<2000x1xf32>
    %mul3A = vector.broadcast %broadcast_in_dim3A : vector<2000x1xf32> to vector<2000x128xf32>
    %mul3A_29 = arith.mulf %add3A_28, %mul3A : vector<2000x128xf32>
    %get3A_30 = arith.constant 0 : index
    %get3A_31 = arith.constant 0 : index
    %get3A_32 = vector.load %arg4[%get3A_30, %get3A_31] : memref<1x128xf32, #tpu.memory_space<vmem>>, vector<1x128xf32>
    %add3A_33 = vector.broadcast %get3A_32 : vector<1x128xf32> to vector<2000x128xf32>
    %add3A_34 = arith.addf %mul3A_29, %add3A_33 : vector<2000x128xf32>
    %swap3A = arith.constant 0 : index
    %swap3A_35 = arith.constant 0 : index
    %swap3A_36 = vector.load %arg5[%swap3A, %swap3A_35] : memref<2000x128xf32, #tpu.memory_space<vmem>>, vector<2000x128xf32>
    tpu.vector_store %arg5[%swap3A, %swap3A_35], %add3A_34 {strides = array<i32>} : memref<2000x128xf32, #tpu.memory_space<vmem>>, vector<2000x128xf32>,
    return
  }
  func.func @transform_0(%arg0: i32) -> (i32, i32, i32) {
    %c0_i32 = arith.constant 0 : i32
    %c0_i32_0 = arith.constant 0 : i32
    %c0_i32_1 = arith.constant 0 : i32
    return %c0_i32, %arg0, %c0_i32_0 : i32, i32, i32
  }
  func.func @transform_1(%arg0: i32) -> (i32, i32) {
    %c0_i32 = arith.constant 0 : i32
    %c0_i32_0 = arith.constant 0 : i32
    return %arg0, %c0_i32 : i32, i32
  }
  func.func @transform_2(%arg0: i32) -> (i32, i32, i32, i32) {
    %c0_i32 = arith.constant 0 : i32
    %c0_i32_0 = arith.constant 0 : i32
    %c0_i32_1 = arith.constant 0 : i32
    %c0_i32_2 = arith.constant 0 : i32
    return %c0_i32, %arg0, %c0_i32_0, %c0_i32_1 : i32, i32, i32, i32
  }
  func.func @transform_3(%arg0: i32) -> (i32, i32) {
    %c0_i32 = arith.constant 0 : i32
    %c0_i32_0 = arith.constant 0 : i32
    %c0_i32_1 = arith.constant 0 : i32
    return %c0_i32, %c0_i32_0 : i32, i32
  }
  func.func @transform_4(%arg0: i32) -> (i32, i32) {
    %c0_i32 = arith.constant 0 : i32
    %c0_i32_0 = arith.constant 0 : i32
    return %arg0, %c0_i32 : i32, i32
  }
}

</mosaic_0001>

<sc_bundles>
// kernel: kernel.11.cloned.1.call-start
scs
__scs_entry_jumppad:
0x0: {  	(pc) =	sbr.rel $0x88, $3  }
0x1: {  	(tag) =	ssettag $0x0;
	lr =	simm.s32 $0x1  }
0x2: {  	[smem:$0x3F9B] =	sst lr;
	_ =	strace $0xD0000000  }
0x3: {  	_ = 	snop  }
0x4: {  	_ = 	snop  }
0x5: {  	_ = 	snop  }
0x6: {  	_ = 	snop  }
0x7: {  	_ = 	snop  }
__scs_overlays_trampoline_lowered:
0x8: {  	[smem:$0x3FAA] =	sst s0  }
0x9: {  	[smem:$0x3FAB] =	sst s1  }
0xa: {  	[smem:$0x3FAC] =	sst s2  }
0xb: {  	[smem:$0x3FAD] =	sst s3  }
0xc: {  	[smem:$0x3FAE] =	sst s4  }
0xd: {  	[smem:$0x3FAF] =	sst s5  }
0xe: {  	[smem:$0x3FB0] =	sst s6  }
0xf: {  	[smem:$0x3FB1] =	sst s7  }
0x10: {  	[smem:$0x3FB2] =	sst s8  }
0x11: {  	[smem:$0x3FB3] =	sst s9;
	s0 =	simm.s32 @!p0 $0x0  }
0x12: {  	s1 =	sld [smem:$0x3F99];
	s0 =	simm.s32 @p0 $0x1  }
0x13: {  	[smem:$0x3FB4] =	sst s0;
	s0 =	simm.s32 @!p1 $0x0  }
0x14: {  	s2 =	sld [smem:$0x3F98];
	s0 =	simm.s32 @p1 $0x1  }
0x15: {  	[smem:$0x3FB5] =	sst s0;
	s0 =	simm.s32 @!p2 $0x0  }
0x16: {  	s3 =	sld [smem:$0x3FDB];
	s0 =	simm.s32 @p2 $0x1  }
0x17: {  	s4 =	simm.s32 $0x1BF5;
	[smem:$0x3FB7] =	sst s0  }
0x18: {  	s0 =	sld [smem:$0x3F9A];
	_ =	swait.ge [sflag:s4], $0x0  }
0x19: {  	s7 =	sld [smem:$0x3F9B]  }
0x1a: {  	s8 =	sadd.s32 $0xFFFFE003, lr  }
0x1b: {  	s9 =	sadd.s32 $0xFFFFFEF7, lr;
	s5 =	simm.s32 $0xFFFFFFFF;
	p2 =	slt.u32 s8, $0xFFFFF086  }
0x1c: {  	p1 =	slt.u32 s9, $0xF7A;
	s5 =	simm.s32 @!p2 $0x0  }
0x1d: {  	s5 =	simm.s32 @p1 $0x1;
	p0 =	seq.s32 s7, s2  }
0x1e: {  	s7 =	smul.u32 @!p0 $0xF7A, s2;
	p2 =	seq.s32 @!p0 s5, $0x0  }
0x1f: {  	s9 =	smul.u32 $0xF7A, s1;
	s8 =	simm.s32 @!p0 $0x1BF5;
	p2 =	por !p2, p0  }
0x20: {  	[sflag:s8] =	ssyncset.s32 @!p0 $0xFFFFF086;
	s6 =	sadd.s32 @!p0 s3, s7;
	s7 =	simm.s32 @!p0 $0x108  }
0x21: {  	s3 =	sadd.s32 s3, s9;
	s6 =	sadd.s32 @!p0 $0x88, s6;
	s7 =	simm.s32 @p2 $0x1082  }
0x22: {  	[simem:s7], [sflag:s8] =	dma.local @!p0 [hbm:s6], $0xF7A  }
0x23: {  	s9 =	sor.u32 $0xD0000000, s2;
	s6 =	simm.s32 $0x108;
	_ =	swait.ge @!p0 [sflag:s8], $0x0  }
0x24: {  	s3 =	sadd.s32 $0x88, s3;
	s6 =	simm.s32 @!p1 $0x1082;
	[sflag:s4] =	ssyncset.s32 $0xFFFFF086  }
0x25: {  	[simem:s6], [sflag:s4] =	dma.local [hbm:s3], $0xF7A  }
0x26: {  	[smem:$0x3F9B] =	sst s1;
	(tag) =	ssettag s2;
	_ =	strace s9  }
0x27: {  	s1 =	sld [smem:$0x3FAB]  }
0x28: {  	s2 =	sld [smem:$0x3FAC]  }
0x29: {  	s4 =	sld [smem:$0x3FAE]  }
0x2a: {  	p0 =	seq.s32 s5, $0x0;
	s5 =	sld [smem:$0x3FAF]  }
0x2b: {  	s6 =	sld [smem:$0x3FB0]  }
0x2c: {  	s7 =	sld [smem:$0x3FB1]  }
0x2d: {  	s3 =	simm.s32 $0x108;
	s8 =	sld [smem:$0x3FB2]  }
0x2e: {  	s3 =	simm.s32 @!p0 $0x1082;
	s9 =	sld [smem:$0x3FB3]  }
0x2f: {  	lr =	sadd.s32 s0, s3;
	s0 =	sld [smem:$0x3FAA]  }
0x30: {  	s3 =	sld [smem:$0x3FAD]  }
0x31: {  	[smem:$0x3FB6] =	sst s10  }
0x32: {  	s10 =	sld [smem:$0x3FB4];
	_ =	sdelay $0x3  }
0x33: {  	p0 =	seq.s32 s10, $0x1;
	s10 =	sld [smem:$0x3FB6];
	_ =	sdelay $0x3  }
0x34: {  	[smem:$0x3FB6] =	sst s10  }
0x35: {  	s10 =	sld [smem:$0x3FB5];
	_ =	sdelay $0x3  }
0x36: {  	p1 =	seq.s32 s10, $0x1;
	s10 =	sld [smem:$0x3FB6];
	_ =	sdelay $0x3  }
0x37: {  	[smem:$0x3FB6] =	sst s10  }
0x38: {  	s10 =	sld [smem:$0x3FB7]  }
0x39: {  	_ = 	snop;
	(pc) =	sbr.ind lr, $3  }
0x3a: {  	_ = 	snop  }
0x3b: {  	_ = 	snop  }
0x3c: {  	p2 =	seq.s32 s10, $0x1;
	s10 =	sld [smem:$0x3FB6]  }
0x3d: {  	_ =	shalt  }
0x3e: {  	_ =	shalt  }
0x3f: {  	_ =	shalt  }
0x40: {  	_ =	shalt  }
0x41: {  	_ =	shalt  }
0x42: {  	_ =	shalt  }
0x43: {  	_ =	shalt  }
0x44: {  	_ =	shalt  }
0x45: {  	_ =	shalt  }
0x46: {  	_ =	shalt  }
0x47: {  	_ =	shalt  }
0x48: {  	_ =	shalt  }
0x49: {  	_ =	shalt  }
0x4a: {  	_ =	shalt  }
0x4b: {  	_ =	shalt  }
0x4c: {  	_ =	shalt  }
0x4d: {  	_ =	shalt  }
0x4e: {  	_ =	shalt  }
0x4f: {  	_ =	shalt  }
0x50: {  	_ =	shalt  }
0x51: {  	_ =	shalt  }
0x52: {  	_ =	shalt  }
0x53: {  	_ =	shalt  }
0x54: {  	_ =	shalt  }
0x55: {  	_ =	shalt  }
0x56: {  	_ =	shalt  }
0x57: {  	_ =	shalt  }
0x58: {  	_ =	shalt  }
0x59: {  	_ =	shalt  }
0x5a: {  	_ =	shalt  }
0x5b: {  	_ =	shalt  }
0x5c: {  	_ =	shalt  }
0x5d: {  	_ =	shalt  }
0x5e: {  	_ =	shalt  }
0x5f: {  	_ =	shalt  }
0x60: {  	_ =	shalt  }
0x61: {  	_ =	shalt  }
0x62: {  	_ =	shalt  }
0x63: {  	_ =	shalt  }
0x64: {  	_ =	shalt  }
0x65: {  	_ =	shalt  }
0x66: {  	_ =	shalt  }
0x67: {  	_ =	shalt  }
0x68: {  	_ =	shalt  }
0x69: {  	_ =	shalt  }
0x6a: {  	_ =	shalt  }
0x6b: {  	_ =	shalt  }
0x6c: {  	_ =	shalt  }
0x6d: {  	_ =	shalt  }
0x6e: {  	_ =	shalt  }
0x6f: {  	_ =	shalt  }
0x70: {  	_ =	shalt  }
0x71: {  	_ =	shalt  }
0x72: {  	_ =	shalt  }
0x73: {  	_ =	shalt  }
0x74: {  	_ =	shalt  }
0x75: {  	_ =	shalt  }
0x76: {  	_ =	shalt  }
0x77: {  	_ =	shalt  }
0x78: {  	_ =	shalt  }
0x79: {  	_ =	shalt  }
0x7a: {  	_ =	shalt  }
0x7b: {  	_ =	shalt  }
0x7c: {  	_ =	shalt  }
0x7d: {  	_ =	shalt  }
0x7e: {  	_ =	shalt  }
0x7f: {  	_ =	shalt  }
0x80: {  	_ =	shalt  }
0x81: {  	_ =	shalt  }
0x82: {  	_ =	shalt  }
0x83: {  	_ =	shalt  }
0x84: {  	_ =	shalt  }
0x85: {  	_ =	shalt  }
0x86: {  	_ =	shalt  }
0x87: {  	_ =	shalt  }
.Lfunc_end0:
.L_simem_size_0:
called_computation.1_lowered:
.L_overlay_start_0:
0x88: {  	s2 =	sld [smem:$0x3FD9]  }
0x89: {  	s3 =	sld [smem:$0x3FFE];
	_ =	sdelay $0x1  }
0x8a: {  	s1 =	srdreg.scid  }
0x8b: {  	s0 =	sand.u32 $0x1, s1  }
0x8c: {  	s17 =	sshll.u32 s0, $0xA;
	s2 =	sadd.s32 s3, s2  }
0x8d: {  	s2 =	sadd.s32 s2, s17  }
0x8e: {  	[smem:$0x3FC2] =	sst s2  }
0x8f: {  	_ = 	snop  }
0x90: {  	s2 =	sld [smem:$0x3FD0];
	(tm) =	ssettm $0x1  }
0x91: {  	s18 =	sld [smem:$0x3FFB];
	_ =	sdelay $0x3  }
0x92: {  	_ =	strace s18  }
0x93: {  	s3 =	sld [smem:$0x3FFC];
	_ =	sdelay $0x3  }
0x94: {  	_ =	strace s3  }
0x95: {  	s3 =	sld [smem:$0x3FFD];
	_ =	sdelay $0x3  }
0x96: {  	_ =	strace s3  }
0x97: {  	_ =	strace $0x8FFFFFFF  }
0x98: {  	s19 =	sld [smem:$0x3FDB];
	_ =	sdelay $0x1  }
0x99: {  	s4 =	simm.s32 $_scs_section_size  }
0x9a: {  	s5 =	simm.s32 $_size__tile_overlayer_lowered;
	s6 =	simm.s32 $_tile_overlayer_lowered  }
0x9b: {  	s22 =	simm.s32 $0x1BFF;
	s21 =	sshll.u32 s6, $0x1;
	s3 =	sadd.s32 s4, s19  }
0x9c: {  	s7 =	simm.s32 $0x0;
	s20 =	sshll.u32 s5, $0x1;
	s5 =	sadd.s32 s21, s3  }
0x9d: {  	[timem:s7], [sflag:s22] =	dma.local [hbm:s5], s20  }
0x9e: {  	_ =	swait.ge [sflag:s22], s20  }
0x9f: {  	s4 =	ssub.s32 $0x0, s20;
	[sflag:s22] =	ssyncset.done $0x0  }
0xa0: {  	[sflag:s22] =	ssyncadd.s32 s4;
	_ =	sdelay $0x1  }
0xa1: {  	s23 =	simm.s32 $0x1B8B  }
0xa2: {  	_ =	swait.ge [sflag:s23], $0x1  }
0xa3: {  	[sflag:s23] =	ssyncset.done $0x0  }
0xa4: {  	s25 =	simm.s32 $0x1B8E;
	s24 =	sld [smem:$0x3FFE];
	[sflag:s23] =	ssyncadd.s32 $0xFFFFFFFF  }
0xa5: {  	s26 =	simm.s32 $execute0_lowered;
	[smem:$0x3FD2] =	sst s25  }
0xa6: {  	s5 =	sshll.u32 s26, $0x1;
	_ =	strace $0x80000049;
	[dreg:$0x1] =	wrdreg $0xFFFFFFFF  }
0xa7: {  	s28 =	simm.s32 $_size_execute0_lowered;
	s3 =	sadd.s32 s3, s5;
	[dreg:$0x0] =	wrdreg $0x0  }
0xa8: {  	s5 =	sshll.u32 s28, $0x1;
	[dreg:$0x2] =	wrdreg s3  }
0xa9: {  	[dreg:$0x3] =	wrdreg s5  }
0xaa: {  	[dreg:$0x4] =	wrdreg $0xC0  }
0xab: {  	_ =	task [dreg:s7], $0x5FFFF  }
0xac: {  	[dreg:$0x1] =	wrdreg $0xFFFFFFFF  }
0xad: {  	[dreg:$0x0] =	wrdreg $0x60  }
0xae: {  	[dreg:$0x2] =	wrdreg s2  }
0xaf: {  	[dreg:$0x3] =	wrdreg s24  }
0xb0: {  	[dreg:$0x4] =	wrdreg $0xA8000  }
0xb1: {  	[dreg:$0x5] =	wrdreg $0x9  }
0xb2: {  	_ =	task.clear_ibuf [dreg:s7], $0x6FFFF;
	_ =	strace $0x90000049  }
0xb3: {  	s29 =	simm.s32 $0x9;
	_ =	strace $0x8000004B  }
0xb4: {  	_ =	swait.ge [sflag:s29], $0x1  }
0xb5: {  	[sflag:s29] =	ssyncadd.s32 $0xFFFFFFFF  }
0xb6: {  	_ =	strace $0x9000004B  }
0xb7: {  	_ =	sfence  }
0xb8: {  	s30 =	sld [smem:$0x0];
	_ =	sdelay $0x2  }
0xb9: {  	s31 =	sshll.u32 s1, $0xD;
	s1 =	sshrl.u32 s1, $0x2  }
0xba: {  	s3 =	sand.u32 $0x4000, s31;
	s1 =	sadd.s32 s1, s30  }
0xbb: {  	s0 =	sor.u32 s3, s0;
	s1 =	sshll.u32 s1, $0x11  }
0xbc: {  	s0 =	sor.u32 s1, s0  }
0xbd: {  	s0 =	sadd.s32 $0x8F2B, s0  }
0xbe: {  	[sflag:s0] =	ssyncadd.remote.s32 $0x1  }
0xbf: {  	_ =	sfence.sel $0xFFFF  }
0xc0: {  	[dreg:$0x0] =	wrdreg $0xFFFFFFFF;
	(pc) =	sbr.abs _section_cstart, $3  }
0xc1: {  	[dreg:$0x1] =	wrdreg $0xFFFFFFFF  }
0xc2: {  	_ =	task.clear_ibuf [dreg:s7], $0x2FFFF;
	_ =	strace $0x9FFFFFFF  }
0xc3: {  	(tm) =	ssettm $0x7FFFFFFF  }
tec
execute0_lowered:
.L_overlay_start_1:
0x0: {  	(tag) =	ssettag $0x1  }
0x1: {  	s1 =	rddreg [dreg:$0x0]  }
0x2: {  	s0 =	rddreg [dreg:$0x1]  }
0x3: {  	s2 =	rddreg [dreg:$0x2];
	s3 =	simm.s32 $0x0  }
0x4: {  	s16 =	srdreg.scid;
	s12 =	stileid.u32;
	s28 =	simm.s32 $0x9  }
0x5: {  	s29 =	simm.s32 $0x0;
	[smem:$0x7FF] =	sst s3;
	s4 =	sadd.s32 $0x2800, s0  }
0x6: {  	s3 =	sand.u32 $0x1, s16;
	s0 =	sadd.s32 $0x16200, s0;
	s8 =	smul.u32 $0x4F000, s12  }
0x7: {  	p0 =	seq.s32 s12, $0xF;
	s20 =	sadd.s32 $0x137400, s2;
	s21 =	smul.u32 $0x13C00, s12  }
0x8: {  	_ =	strace $0x8000004A;
	s5 =	ssub.s32 $0x2, s3;
	s11 =	smul.u32 $0x138800, s3  }
0x9: {  	s7 =	sshll.u32 s3, $0x4;
	[dreg:$0x5] =	wrdreg s20;
	s3 =	smul.u32 $0x27100, s3  }
0xa: {  	s6 =	sshrl.u32 s5, $0x1;
	s17 =	sor.u32 s12, s7;
	s18 =	sshrl.u32 s8, $0x2  }
0xb: {  	s12 =	smul.u32 $0x2710, s12;
	s9 =	ssub.s32 s5, s6;
	s5 =	simm.s32 $0x6  }
0xc: {  	s19 =	smul.u32 $0x2710, s17;
	s6 =	simm.s32 $0x6;
	s7 =	sadd.s32 s18, s2  }
0xd: {  	s5 =	simm.s32 @!p0 $0x7;
	s10 =	sadd.s32 $0x11800, s7;
	s3 =	sadd.s32 s12, s3  }
0xe: {  	s18 =	smax.u32 s9, $0x1;
	[dreg:$0x4] =	wrdreg s10;
	s8 =	sshrl.u32 s19, $0x3  }
0xf: {  	s30 =	sadd.s32 $0x4E2F0, s3;
	s3 =	sadd.s32 $0xF0, s3;
	s10 =	sadd.s32 s4, s8  }
0x10: {  	s8 =	sadd.s32 s21, s11;
	s11 =	sshrl.u32 s11, $0x3;
	s13 =	sadd.s32 $0x9C40, s10  }
0x11: {  	s31 =	sshrl.u32 s3, $0x3;
	s22 =	sadd.s32 $0xA, s10;
	[dreg:$0x6] =	wrdreg s13  }
0x12: {  	s21 =	simm.s32 $0x800;
	s23 =	sadd.s32 $0x9C4A, s10;
	[dreg:$0x7] =	wrdreg s22  }
0x13: {  	s24 =	sadd.s32 $0x14, s10;
	s25 =	sadd.s32 $0x9C54, s10;
	[dreg:$0x8] =	wrdreg s23  }
0x14: {  	s8 =	sshrl.u32 s8, $0x3;
	s11 =	sadd.s32 s0, s11;
	[dreg:$0x9] =	wrdreg s24  }
0x15: {  	s20 =	sadd.s32 s31, s4;
	[dreg:$0xa] =	wrdreg s25;
	s0 =	sadd.s32 s0, s8  }
0x16: {  	s26 =	sadd.s32 $0x25080, s11;
	s8 =	sadd.s32 $0x128400, s2;
	s22 =	simm.s32 $0x5  }
0x17: {  	s24 =	simm.s32 $0x50;
	s23 =	simm.s32 $0x8;
	[dreg:$0xb] =	wrdreg s0  }
0x18: {  	[dreg:$0xc] =	wrdreg s26;
	s0 =	sshrl.u32 s30, $0x3;
	s25 =	sshrl.u32 @p0 s8, $0x3  }
0x19: {  	v0 =	vimm.f32 $0.0e+00;
	s26 =	simm.s32 $0x80;
	s19 =	sadd.s32 s0, s4;
	s0 =	simm.s32 $0x7  }
.LBB2_1:
0x1a: {  	s4 =	simm.s32 $0x0  }
0x1b: {  	s3 =	sand.u32 $0xFE00, s4  }
0x1c: {  	s4 =	sand.u32 $0x70, s4;
	s8 =	sshrl.u32 s3, $0x2  }
0x1d: {  	s3 =	simm.s32 $0x40;
	s8 =	sor.u32 s4, s8;
	s4 =	simm.s32 $0x0  }
.LBB2_2:
0x1e: {  	p1 =	sne.s32 s3, $0x9FC0  }
0x1f: {  	[tilespmem:s8+$0x800] =	vst v0;
	s4 =	sadd.s32 $0x10, s4;
	s8 =	smov.u32 s3;
	s3 =	sadd.s32 $0x40, s3  }
.Ltmp0:
0x20: {  	(pc) =	sbr.rel @p1 .LBB2_2-.Ltmp0, $4  }
0x21: {  	_ = 	snop  }
0x22: {  	s8 =	sand.u32 $0xFE00, s8  }
0x23: {  	s9 =	sand.u32 $0x70, s4;
	s8 =	sshrl.u32 s8, $0x2  }
0x24: {  	s8 =	sor.u32 s9, s8  }
0x25: {  	p1 =	sne.s32 s5, $0x1  }
.Ltmp1:
0x26: {  	_ = 	snop;
	(pc) =	sbr.rel @!p1 .LBB2_5-.Ltmp1, $3  }
0x27: {  	_ =	sdelay $0x1  }
0x28: {  	[tilespmem:s8+$0x800] =	vst v0;
	s3 =	sadd.s32 $0xFFFFFFFF, s5;
	s4 =	smov.u32 s7  }
0x29: {  	[spmem:s7] =	stream.linear.scatter [tilespmem:s21], [sflag:$0x5], $0x2800, $0x38;
	[tilespmem:$0x1E080] =	vst v63  }
.LBB2_4:
0x2a: {  	p2 =	sne.s32 s3, $0x1  }
.Ltmp2:
0x2b: {  	_ = 	snop;
	(pc) =	sbr.rel @p2 .LBB2_4-.Ltmp2, $3  }
0x2c: {  	_ = 	snop  }
0x2d: {  	s3 =	sadd.s32 $0xFFFFFFFF, s3;
	s4 =	sadd.s32 $0x2800, s4;
	_ =	sdelay $0x1  }
0x2e: {  	[spmem:s4] =	stream.linear.scatter [tilespmem:s21], [sflag:$0x5], $0x2800, $0x38;
	[tilespmem:$0x1E080] =	vst v63  }
.LBB2_5:
0x2f: {  	s3 =	simm.s32 @p0 $0x800;
	s4 =	rddreg [dreg:$0x5]  }
0x30: {  	[spmem:s4] =	stream.linear.scatter @p0 [tilespmem:s3], [sflag:$0x5], $0x1400, $0x38;
	[tilespmem:$0x1E080] =	vst v63  }
.Ltmp3:
0x31: {  	_ = 	snop;
	(pc) =	sbr.rel @!p1 .LBB2_7-.Ltmp3, $4  }
0x32: {  	s3 =	simm.s32 @!p0 $0x800;
	s4 =	rddreg [dreg:$0x4]  }
0x33: {  	[spmem:s4] =	stream.linear.scatter @!p0 [tilespmem:s3], [sflag:$0x5], $0x2400, $0x38;
	[tilespmem:$0x1E080] =	vst v63  }
0x34: {  	_ =	swait.ge [sflag:s22], $0x2800  }
0x35: {  	s3 =	sadd.s32 $0xFFFFFFFF, s5;
	[sflag:s22] =	ssyncset.done $0x0  }
.LBB2_6:
0x36: {  	p1 =	sne.s32 s3, $0x1;
	s3 =	sadd.s32 $0xFFFFFFFF, s3;
	[sflag:s22] =	ssyncadd.s32 $0xFFFFD800  }
.Ltmp4:
0x37: {  	(pc) =	sbr.rel @p1 .LBB2_6-.Ltmp4, $3  }
0x38: {  	_ =	sdelay $0x1  }
0x39: {  	_ =	swait.ge [sflag:s22], $0x2800  }
0x3a: {  	[sflag:s22] =	ssyncset.done $0x0  }
.LBB2_7:
0x3b: {  	[sflag:s22] =	ssyncadd.s32 $0xFFFFD800;
	s3 =	simm.s32 @p0 $0x5  }
0x3c: {  	_ =	swait.ge @p0 [sflag:s3], $0x1400  }
0x3d: {  	[sflag:s3] =	ssyncset.done @p0 $0x0  }
0x3e: {  	[sflag:s3] =	ssyncadd.s32 @p0 $0xFFFFEC00;
	s3 =	simm.s32 @!p0 $0x5  }
0x3f: {  	_ =	swait.ge @!p0 [sflag:s3], $0x2400  }
0x40: {  	[sflag:s3] =	ssyncset.done @!p0 $0x0  }
0x41: {  	[sflag:s3] =	ssyncadd.s32 @!p0 $0xFFFFDC00  }
0x42: {  	s3 =	simm.s32 $0x0;
	[bflag:$0x0] =	sbarrier.arrive $0xFFFF  }
0x43: {  	[tilespmem:s3], [sflag:$0x5] =	stream.linear.gather [hbm4b:s10+s3], $0x50, $0x38;
	[tilespmem:$0x1E080] =	vst v63  }
0x44: {  	s8 =	simm.s32 $0x400;
	s4 =	rddreg [dreg:$0x6]  }
0x45: {  	[tilespmem:s8], [sflag:$0x5] =	stream.linear.gather [hbm4b:s4+s3], $0x50, $0x38;
	[tilespmem:$0x1E080] =	vst v63  }
0x46: {  	_ =	swait.ge [sflag:s22], $0x50  }
0x47: {  	[sflag:s22] =	ssyncset.done $0x0  }
0x48: {  	[sflag:s22] =	ssyncadd.s32 $0xFFFFFFB0  }
0x49: {  	_ =	swait.ge [sflag:s22], $0x50  }
0x4a: {  	[sflag:s22] =	ssyncset.done $0x0  }
0x4b: {  	[sflag:s22] =	ssyncadd.s32 $0xFFFFFFB0  }
0x4c: {  	[tilespmem:s21], [sflag:$0x1] =	stream.indirect.gather [hbm4b:s1+s24], $0x80, s3, s24, $0xb8;
	[tilespmem:$0x1E080] =	vst v63  }
0x4d: {  	s17 =	rddreg [dreg:$0x7]  }
0x4e: {  	[tilespmem:s26], [sflag:$0x5] =	stream.linear.gather [hbm4b:s17+s3], $0x50, $0x38;
	[tilespmem:$0x1E080] =	vst v63  }
0x4f: {  	s9 =	simm.s32 $0x480;
	s8 =	rddreg [dreg:$0x8]  }
0x50: {  	[tilespmem:s9], [sflag:$0x5] =	stream.linear.gather [hbm4b:s8+s3], $0x50, $0x38;
	[tilespmem:$0x1E080] =	vst v63  }
0x51: {  	_ =	swait.ge [sflag:s22], $0x50  }
0x52: {  	[sflag:s22] =	ssyncset.done $0x0  }
0x53: {  	[sflag:s22] =	ssyncadd.s32 $0xFFFFFFB0  }
0x54: {  	_ =	swait.ge [sflag:s22], $0x50  }
0x55: {  	[sflag:s22] =	ssyncset.done $0x0  }
0x56: {  	s11 =	simm.s32 $0x3000;
	s13 =	simm.s32 $0x100;
	[sflag:s22] =	ssyncadd.s32 $0xFFFFFFB0  }
0x57: {  	[tilespmem:s11], [sflag:$0x2] =	stream.indirect.gather [hbm4b:s1+s24], $0x80, s26, s24, $0xb8;
	[tilespmem:$0x1E080] =	vst v63  }
0x58: {  	s15 =	simm.s32 $0x500;
	p1 =	por $0x0, $0x0;
	s12 =	rddreg [dreg:$0x9]  }
0x59: {  	[tilespmem:s13], [sflag:$0x5] =	stream.linear.gather [hbm4b:s12+s3], $0x50, $0x38;
	[tilespmem:$0x1E080] =	vst v63  }
0x5a: {  	s31 =	sadd.s32 $0xA, s20;
	s4 =	simm.s32 @!p1 $0x5;
	s14 =	rddreg [dreg:$0xa]  }
0x5b: {  	[tilespmem:s15], [sflag:$0x5] =	stream.linear.gather [hbm4b:s14+s3], $0x50, $0x38;
	[tilespmem:$0x1E080] =	vst v63  }
0x5c: {  	p2 =	por @!p1 $0x1, $0x1;
	p3 =	por @!p1 $0x0, $0x0;
	_ =	swait.ge @!p1 [sflag:s4], $0x50  }
0x5d: {  	p2 =	por p2, p1;
	s17 =	simm.s32 $0x0;
	[sflag:s4] =	ssyncset.done @!p1 $0x0  }
0x5e: {  	s8 =	simm.s32 $0x180;
	s9 =	simm.s32 @!p1 $0x2;
	[sflag:s4] =	ssyncadd.s32 @!p1 $0xFFFFFFB0  }
0x5f: {  	s9 =	sand.u32 @!p1 $0x3, s9;
	s12 =	sand.u32 @!p2 $0x3, s3;
	_ =	swait.ge @!p1 [sflag:s4], $0x50  }
0x60: {  	s30 =	smul.u32 @!p1 $0xA000, s9;
	s12 =	sxor.u32 @!p2 $0x2, s12;
	[sflag:s4] =	ssyncset.done @!p1 $0x0  }
0x61: {  	s9 =	sadd.s32 @!p1 $0x1, s9;
	[sflag:s4] =	ssyncadd.s32 @!p1 $0xFFFFFFB0;
	s4 =	sadd.s32 @!p2 $0x6, s12  }
0x62: {  	s11 =	simm.s32 @!p1 $0x100;
	s12 =	sshrl.u32 @!p1 s30, $0x2;
	_ =	swait.ge @!p2 [sflag:s4], $0x2800  }
0x63: {  	s11 =	sand.u32 @!p1 $0x380, s11;
	s12 =	sadd.s32 @!p1 $0x800, s12;
	[sflag:s4] =	ssyncset.done @!p2 $0x0  }
0x64: {  	[sflag:s4] =	ssyncadd.s32 @!p2 $0xFFFFD800;
	s4 =	simm.s32 @!p1 $0x50;
	p2 =	por p3, p1  }
0x65: {  	[tilespmem:s12], [sflag:s9] =	stream.indirect.gather @!p1 [hbm4b:s1+s4], $0x80, s11, s4, $0xb8;
	[tilespmem:$0x1E080] =	vst v63  }
0x66: {  	s13 =	sand.u32 $0x380, s17;
	s30 =	sadd.s32 $0xA, s19;
	s9 =	sand.u32 @!p2 $0x380, s8  }
0x67: {  	s11 =	simm.s32 @!p2 $0x0;
	s4 =	simm.s32 $0x200;
	s8 =	sand.u32 $0x3, s3  }
0x68: {  	[tilespmem:s9], [sflag:$0x5] =	stream.linear.gather @!p2 [hbm4b:s20+s11], $0x50, $0x38;
	[tilespmem:$0x1E080] =	vst v63  }
0x69: {  	s3 =	sor.u32 @!p2 $0x400, s9;
	s16 =	smul.u32 $0xA000, s8;
	s9 =	sadd.s32 $0x1, s8  }
0x6a: {  	[tilespmem:s3], [sflag:$0x5] =	stream.linear.gather @!p2 [hbm4b:s19+s11], $0x50, $0x38;
	[tilespmem:$0x1E080] =	vst v63  }
0x6b: {  	s12 =	sshrl.u32 s16, $0x2;
	s3 =	simm.s32 $0x1;
	_ =	swait.ge [sflag:s9], $0x2800  }
0x6c: {  	s11 =	sadd.s32 $0x800, s12;
	s12 =	sor.u32 $0x400, s13;
	[sflag:s9] =	ssyncset.done $0x0  }
.LBB2_8:
0x6d: {  	[sflag:s9] =	ssyncadd.s32 $0xFFFFD800;
	s8 =	sadd.s32 $0x6, s8;
	s13 =	smov.u32 s4  }
0x6e: {  	s4 =	sadd.s32 $0x80, s4;
	s14 =	smov.u32 s30;
	s9 =	smov.u32 s31  }
0x6f: {  	[spmem:s2] =	stream.indirect.scatter.add.f32 [tilespmem:s11], [sflag:s8], $0x80, s12, s24, $0xb8;
	[tilespmem:$0x1E080] =	vst v63  }
0x70: {  	p2 =	sgt.u32 s3, $0x7A;
	p1 =	sne.s32 s4, $0x4000;
	s8 =	smov.u32 s3  }
0x71: {  	s11 =	simm.s32 @!p2 $0x5;
	p3 =	slt.u32 @!p2 s3, $0x2;
	s12 =	sadd.s32 @!p2 $0x2, s3  }
0x72: {  	s15 =	sadd.s32 @!p2 $0xFFFFFF80, s13;
	s12 =	sand.u32 @!p2 $0x3, s12;
	_ =	swait.ge @!p2 [sflag:s11], $0x50  }
0x73: {  	s16 =	smul.u32 @!p2 $0xA000, s12;
	s12 =	sadd.s32 @!p2 $0x1, s12;
	[sflag:s11] =	ssyncset.done @!p2 $0x0  }
0x74: {  	p3 =	por p3, p2;
	s15 =	sand.u32 @!p2 $0x380, s15;
	[sflag:s11] =	ssyncadd.s32 @!p2 $0xFFFFFFB0  }
0x75: {  	s17 =	sand.u32 @!p3 $0x3, s3;
	s16 =	sshrl.u32 @!p2 s16, $0x2;
	_ =	swait.ge @!p2 [sflag:s11], $0x50  }
0x76: {  	s17 =	sxor.u32 @!p3 $0x2, s17;
	s16 =	sadd.s32 @!p2 $0x800, s16;
	[sflag:s11] =	ssyncset.done @!p2 $0x0  }
0x77: {  	p4 =	seq.s32 @!p2 s13, $0x3E80;
	[sflag:s11] =	ssyncadd.s32 @!p2 $0xFFFFFFB0;
	s11 =	sadd.s32 @!p3 $0x6, s17  }
0x78: {  	_ =	swait.ge @!p3 [sflag:s11], $0x2800  }
0x79: {  	s30 =	sadd.s32 $0xA, s30;
	s31 =	sadd.s32 $0xA, s31;
	[sflag:s11] =	ssyncset.done @!p3 $0x0  }
0x7a: {  	[sflag:s11] =	ssyncadd.s32 @!p3 $0xFFFFD800;
	s11 =	simm.s32 @!p2 $0x50;
	p3 =	por p4, p2  }
0x7b: {  	[tilespmem:s16], [sflag:s12] =	stream.indirect.gather @!p2 [hbm4b:s1+s11], $0x80, s15, s11, $0xb8;
	[tilespmem:$0x1E080] =	vst v63  }
0x7c: {  	s3 =	sadd.s32 $0x1, s3;
	s11 =	sand.u32 @!p3 $0x380, s13;
	s12 =	simm.s32 @!p3 $0x0  }
0x7d: {  	[tilespmem:s11], [sflag:$0x5] =	stream.linear.gather @!p3 [hbm4b:s9+s12], $0x50, $0x38;
	[tilespmem:$0x1E080] =	vst v63  }
.Ltmp5:
0x7e: {  	s8 =	sand.u32 $0x3, s8;
	s11 =	sor.u32 @!p3 $0x400, s11;
	(pc) =	sbr.rel @p1 .LBB2_8-.Ltmp5, $4  }
0x7f: {  	s15 =	smul.u32 $0xA000, s8;
	s13 =	sadd.s32 $0xFFFFFE80, s13;
	s9 =	sadd.s32 $0x1, s8  }
0x80: {  	[tilespmem:s11], [sflag:$0x5] =	stream.linear.gather @!p3 [hbm4b:s14+s12], $0x50, $0x38;
	[tilespmem:$0x1E080] =	vst v63  }
0x81: {  	s11 =	sshrl.u32 s15, $0x2;
	s12 =	sand.u32 $0x380, s13;
	_ =	swait.ge [sflag:s9], $0x2800  }
0x82: {  	s11 =	sadd.s32 $0x800, s11;
	s12 =	sor.u32 $0x400, s12;
	[sflag:s9] =	ssyncset.done $0x0  }
0x83: {  	[sflag:s9] =	ssyncadd.s32 $0xFFFFD800;
	s3 =	sadd.s32 $0x6, s8  }
0x84: {  	[spmem:s2] =	stream.indirect.scatter.add.f32 [tilespmem:s11], [sflag:s3], $0x80, s12, s24, $0xb8;
	[tilespmem:$0x1E080] =	vst v63  }
0x85: {  	_ =	swait.ge [sflag:s0], $0x2800  }
0x86: {  	[sflag:s0] =	ssyncset.done $0x0  }
0x87: {  	[sflag:s0] =	ssyncadd.s32 $0xFFFFD800  }
0x88: {  	_ =	swait.ge [sflag:s23], $0x2800  }
0x89: {  	[sflag:s23] =	ssyncset.done $0x0  }
0x8a: {  	[sflag:s23] =	ssyncadd.s32 $0xFFFFD800  }
0x8b: {  	_ =	swait.ge [sflag:s28], $0x2800  }
0x8c: {  	[sflag:s28] =	ssyncset.done $0x0  }
0x8d: {  	[sflag:s28] =	ssyncadd.s32 $0xFFFFD800  }
0x8e: {  	_ =	swait.ge [sflag:s6], $0x2800  }
0x8f: {  	[sflag:s6] =	ssyncset.done $0x0  }
0x90: {  	[sflag:s6] =	ssyncadd.s32 $0xFFFFD800  }
0x91: {  	[bflag:$0x0] =	sbarrier.arrive $0xFFFF  }
0x92: {  	s3 =	simm.s32 @p0 $0x1FCA;
	s4 =	rddreg [dreg:$0xc]  }
0x93: {  	[hbm:s4], [sflag:s3] =	dma.local @p0 [spmem:s25], $0x2080  }
0x94: {  	s29 =	sadd.s32 $0x1, s29;
	s3 =	simm.s32 @p0 $0xA  }
0x95: {  	p1 =	sne.s32 s29, s18;
	s4 =	stileid.u32;
	_ =	swait.ge @p0 [sflag:s3], $0x2080  }
0x96: {  	s4 =	sshll.u32 @!p0 s4, $0x6;
	[sflag:s3] =	ssyncset.done @p0 $0x0;
	s8 =	rddreg [dreg:$0xb]  }
0x97: {  	[sflag:s3] =	ssyncadd.s32 @p0 $0xFFFFDF80;
	s3 =	sor.u32 @!p0 $0x1C0A, s4;
	s4 =	sshrl.u32 @!p0 s7, $0x3  }
0x98: {  	[hbm:s8], [sflag:s3] =	dma.local @!p0 [spmem:s4], $0x2780  }
.Ltmp6:
0x99: {  	_ = 	snop;
	(pc) =	sbr.rel @p1 .LBB2_1-.Ltmp6, $4  }
0x9a: {  	s3 =	simm.s32 @!p0 $0xA  }
0x9b: {  	_ =	swait.ge @!p0 [sflag:s3], $0x2780  }
0x9c: {  	[sflag:s3] =	ssyncset.done @!p0 $0x0  }
0x9d: {  	[sflag:s3] =	ssyncadd.s32 @!p0 $0xFFFFD880  }
0x9e: {  	_ =	sfence.sel $0x180000  }
0x9f: {  	[bflag:$0x0] =	sbarrier.arrive $0xFFFF  }
0xa0: {  	_ =	strace $0x9000004A  }
0xa1: {  	s0 =	stileid.u32;
	[bflag:$0x2] =	sbarrier.arrive $0xFFFF  }
0xa2: {  	p0 =	sne.s32 s0, $0x0;
	s0 =	rddreg [dreg:$0x3]  }
0xa3: {  	s0 =	sadd.s32 @!p0 $0x100000, s0  }
0xa4: {  	[sflag:s0] =	ssyncadd.tile.s32 @!p0 $0x1;
	_ =	shalt  }
.Lfunc_end2:
_tile_overlayer_lowered:
.L_overlay_start_2:
0xa5: {  	(tag) =	ssettag $0x2  }
0xa6: {  	s0 =	rddreg [dreg:$0x0];
	s2 =	stileid.u32  }
0xa7: {  	s1 =	rddreg [dreg:$0x1];
	p0 =	sne.s32 s2, $0x0  }
0xa8: {  	s3 =	rddreg [dreg:$0x2];
	[bflag:$0x3] =	sbarrier.arrive $0xFFFF;
	s2 =	simm.s32 @!p0 $0x1C0A  }
0xa9: {  	[timem:s3], [sflag:s2] =	dma.local @!p0 [hbm:s0], s1  }
0xaa: {  	s0 =	simm.s32 @!p0 $0xA  }
0xab: {  	_ =	swait.ge @!p0 [sflag:s0], s1  }
0xac: {  	s1 =	ssub.s32 @!p0 $0x0, s1;
	[sflag:s0] =	ssyncset.done @!p0 $0x0  }
0xad: {  	[sflag:s0] =	ssyncadd.s32 @!p0 s1  }
0xae: {  	[bflag:$0x3] =	sbarrier.arrive $0xFFFF  }
0xaf: {  	_ =	shalt  }

// kernel: kernel.14.cloned.1.call-start
scs
__scs_entry_jumppad:
0x0: {  	(pc) =	sbr.rel $0x88, $3  }
0x1: {  	(tag) =	ssettag $0x0;
	lr =	simm.s32 $0x1  }
0x2: {  	[smem:$0x3F9B] =	sst lr;
	_ =	strace $0xD0000000  }
0x3: {  	_ = 	snop  }
0x4: {  	_ = 	snop  }
0x5: {  	_ = 	snop  }
0x6: {  	_ = 	snop  }
0x7: {  	_ = 	snop  }
__scs_overlays_trampoline_lowered:
0x8: {  	[smem:$0x3FAA] =	sst s0  }
0x9: {  	[smem:$0x3FAB] =	sst s1  }
0xa: {  	[smem:$0x3FAC] =	sst s2  }
0xb: {  	[smem:$0x3FAD] =	sst s3  }
0xc: {  	[smem:$0x3FAE] =	sst s4  }
0xd: {  	[smem:$0x3FAF] =	sst s5  }
0xe: {  	[smem:$0x3FB0] =	sst s6  }
0xf: {  	[smem:$0x3FB1] =	sst s7  }
0x10: {  	[smem:$0x3FB2] =	sst s8  }
0x11: {  	[smem:$0x3FB3] =	sst s9;
	s0 =	simm.s32 @!p0 $0x0  }
0x12: {  	s1 =	sld [smem:$0x3F99];
	s0 =	simm.s32 @p0 $0x1  }
0x13: {  	[smem:$0x3FB4] =	sst s0;
	s0 =	simm.s32 @!p1 $0x0  }
0x14: {  	s2 =	sld [smem:$0x3F98];
	s0 =	simm.s32 @p1 $0x1  }
0x15: {  	[smem:$0x3FB5] =	sst s0;
	s0 =	simm.s32 @!p2 $0x0  }
0x16: {  	s3 =	sld [smem:$0x3FDB];
	s0 =	simm.s32 @p2 $0x1  }
0x17: {  	s4 =	simm.s32 $0x1BF5;
	[smem:$0x3FB7] =	sst s0  }
0x18: {  	s0 =	sld [smem:$0x3F9A];
	_ =	swait.ge [sflag:s4], $0x0  }
0x19: {  	s7 =	sld [smem:$0x3F9B]  }
0x1a: {  	s8 =	sadd.s32 $0xFFFFE003, lr  }
0x1b: {  	s9 =	sadd.s32 $0xFFFFFEF7, lr;
	s5 =	simm.s32 $0xFFFFFFFF;
	p2 =	slt.u32 s8, $0xFFFFF086  }
0x1c: {  	p1 =	slt.u32 s9, $0xF7A;
	s5 =	simm.s32 @!p2 $0x0  }
0x1d: {  	s5 =	simm.s32 @p1 $0x1;
	p0 =	seq.s32 s7, s2  }
0x1e: {  	s7 =	smul.u32 @!p0 $0xF7A, s2;
	p2 =	seq.s32 @!p0 s5, $0x0  }
0x1f: {  	s9 =	smul.u32 $0xF7A, s1;
	s8 =	simm.s32 @!p0 $0x1BF5;
	p2 =	por !p2, p0  }
0x20: {  	[sflag:s8] =	ssyncset.s32 @!p0 $0xFFFFF086;
	s6 =	sadd.s32 @!p0 s3, s7;
	s7 =	simm.s32 @!p0 $0x108  }
0x21: {  	s3 =	sadd.s32 s3, s9;
	s6 =	sadd.s32 @!p0 $0x88, s6;
	s7 =	simm.s32 @p2 $0x1082  }
0x22: {  	[simem:s7], [sflag:s8] =	dma.local @!p0 [hbm:s6], $0xF7A  }
0x23: {  	s9 =	sor.u32 $0xD0000000, s2;
	s6 =	simm.s32 $0x108;
	_ =	swait.ge @!p0 [sflag:s8], $0x0  }
0x24: {  	s3 =	sadd.s32 $0x88, s3;
	s6 =	simm.s32 @!p1 $0x1082;
	[sflag:s4] =	ssyncset.s32 $0xFFFFF086  }
0x25: {  	[simem:s6], [sflag:s4] =	dma.local [hbm:s3], $0xF7A  }
0x26: {  	[smem:$0x3F9B] =	sst s1;
	(tag) =	ssettag s2;
	_ =	strace s9  }
0x27: {  	s1 =	sld [smem:$0x3FAB]  }
0x28: {  	s2 =	sld [smem:$0x3FAC]  }
0x29: {  	s4 =	sld [smem:$0x3FAE]  }
0x2a: {  	p0 =	seq.s32 s5, $0x0;
	s5 =	sld [smem:$0x3FAF]  }
0x2b: {  	s6 =	sld [smem:$0x3FB0]  }
0x2c: {  	s7 =	sld [smem:$0x3FB1]  }
0x2d: {  	s3 =	simm.s32 $0x108;
	s8 =	sld [smem:$0x3FB2]  }
0x2e: {  	s3 =	simm.s32 @!p0 $0x1082;
	s9 =	sld [smem:$0x3FB3]  }
0x2f: {  	lr =	sadd.s32 s0, s3;
	s0 =	sld [smem:$0x3FAA]  }
0x30: {  	s3 =	sld [smem:$0x3FAD]  }
0x31: {  	[smem:$0x3FB6] =	sst s10  }
0x32: {  	s10 =	sld [smem:$0x3FB4];
	_ =	sdelay $0x3  }
0x33: {  	p0 =	seq.s32 s10, $0x1;
	s10 =	sld [smem:$0x3FB6];
	_ =	sdelay $0x3  }
0x34: {  	[smem:$0x3FB6] =	sst s10  }
0x35: {  	s10 =	sld [smem:$0x3FB5];
	_ =	sdelay $0x3  }
0x36: {  	p1 =	seq.s32 s10, $0x1;
	s10 =	sld [smem:$0x3FB6];
	_ =	sdelay $0x3  }
0x37: {  	[smem:$0x3FB6] =	sst s10  }
0x38: {  	s10 =	sld [smem:$0x3FB7]  }
0x39: {  	_ = 	snop;
	(pc) =	sbr.ind lr, $3  }
0x3a: {  	_ = 	snop  }
0x3b: {  	_ = 	snop  }
0x3c: {  	p2 =	seq.s32 s10, $0x1;
	s10 =	sld [smem:$0x3FB6]  }
0x3d: {  	_ =	shalt  }
0x3e: {  	_ =	shalt  }
0x3f: {  	_ =	shalt  }
0x40: {  	_ =	shalt  }
0x41: {  	_ =	shalt  }
0x42: {  	_ =	shalt  }
0x43: {  	_ =	shalt  }
0x44: {  	_ =	shalt  }
0x45: {  	_ =	shalt  }
0x46: {  	_ =	shalt  }
0x47: {  	_ =	shalt  }
0x48: {  	_ =	shalt  }
0x49: {  	_ =	shalt  }
0x4a: {  	_ =	shalt  }
0x4b: {  	_ =	shalt  }
0x4c: {  	_ =	shalt  }
0x4d: {  	_ =	shalt  }
0x4e: {  	_ =	shalt  }
0x4f: {  	_ =	shalt  }
0x50: {  	_ =	shalt  }
0x51: {  	_ =	shalt  }
0x52: {  	_ =	shalt  }
0x53: {  	_ =	shalt  }
0x54: {  	_ =	shalt  }
0x55: {  	_ =	shalt  }
0x56: {  	_ =	shalt  }
0x57: {  	_ =	shalt  }
0x58: {  	_ =	shalt  }
0x59: {  	_ =	shalt  }
0x5a: {  	_ =	shalt  }
0x5b: {  	_ =	shalt  }
0x5c: {  	_ =	shalt  }
0x5d: {  	_ =	shalt  }
0x5e: {  	_ =	shalt  }
0x5f: {  	_ =	shalt  }
0x60: {  	_ =	shalt  }
0x61: {  	_ =	shalt  }
0x62: {  	_ =	shalt  }
0x63: {  	_ =	shalt  }
0x64: {  	_ =	shalt  }
0x65: {  	_ =	shalt  }
0x66: {  	_ =	shalt  }
0x67: {  	_ =	shalt  }
0x68: {  	_ =	shalt  }
0x69: {  	_ =	shalt  }
0x6a: {  	_ =	shalt  }
0x6b: {  	_ =	shalt  }
0x6c: {  	_ =	shalt  }
0x6d: {  	_ =	shalt  }
0x6e: {  	_ =	shalt  }
0x6f: {  	_ =	shalt  }
0x70: {  	_ =	shalt  }
0x71: {  	_ =	shalt  }
0x72: {  	_ =	shalt  }
0x73: {  	_ =	shalt  }
0x74: {  	_ =	shalt  }
0x75: {  	_ =	shalt  }
0x76: {  	_ =	shalt  }
0x77: {  	_ =	shalt  }
0x78: {  	_ =	shalt  }
0x79: {  	_ =	shalt  }
0x7a: {  	_ =	shalt  }
0x7b: {  	_ =	shalt  }
0x7c: {  	_ =	shalt  }
0x7d: {  	_ =	shalt  }
0x7e: {  	_ =	shalt  }
0x7f: {  	_ =	shalt  }
0x80: {  	_ =	shalt  }
0x81: {  	_ =	shalt  }
0x82: {  	_ =	shalt  }
0x83: {  	_ =	shalt  }
0x84: {  	_ =	shalt  }
0x85: {  	_ =	shalt  }
0x86: {  	_ =	shalt  }
0x87: {  	_ =	shalt  }
.Lfunc_end0:
.L_simem_size_0:
called_computation.2_lowered:
.L_overlay_start_0:
0x88: {  	s2 =	sld [smem:$0x3FD9]  }
0x89: {  	s3 =	sld [smem:$0x3FFE];
	_ =	sdelay $0x1  }
0x8a: {  	s1 =	srdreg.scid  }
0x8b: {  	s0 =	sand.u32 $0x1, s1  }
0x8c: {  	s17 =	sshll.u32 s0, $0xA;
	s2 =	sadd.s32 s3, s2  }
0x8d: {  	s2 =	sadd.s32 s2, s17  }
0x8e: {  	[smem:$0x3FC2] =	sst s2  }
0x8f: {  	_ = 	snop  }
0x90: {  	s2 =	sld [smem:$0x3FD0];
	(tm) =	ssettm $0x1  }
0x91: {  	s18 =	sld [smem:$0x3FFB];
	_ =	sdelay $0x3  }
0x92: {  	_ =	strace s18  }
0x93: {  	s3 =	sld [smem:$0x3FFC];
	_ =	sdelay $0x3  }
0x94: {  	_ =	strace s3  }
0x95: {  	s3 =	sld [smem:$0x3FFD];
	_ =	sdelay $0x3  }
0x96: {  	_ =	strace s3  }
0x97: {  	_ =	strace $0x8FFFFFFF  }
0x98: {  	s19 =	sld [smem:$0x3FDB];
	_ =	sdelay $0x1  }
0x99: {  	s4 =	simm.s32 $_scs_section_size  }
0x9a: {  	s5 =	simm.s32 $_size__tile_overlayer_lowered;
	s6 =	simm.s32 $_tile_overlayer_lowered  }
0x9b: {  	s22 =	simm.s32 $0x1BFF;
	s21 =	sshll.u32 s6, $0x1;
	s3 =	sadd.s32 s4, s19  }
0x9c: {  	s7 =	simm.s32 $0x0;
	s20 =	sshll.u32 s5, $0x1;
	s5 =	sadd.s32 s21, s3  }
0x9d: {  	[timem:s7], [sflag:s22] =	dma.local [hbm:s5], s20  }
0x9e: {  	_ =	swait.ge [sflag:s22], s20  }
0x9f: {  	s4 =	ssub.s32 $0x0, s20;
	[sflag:s22] =	ssyncset.done $0x0  }
0xa0: {  	[sflag:s22] =	ssyncadd.s32 s4;
	_ =	sdelay $0x1  }
0xa1: {  	s23 =	simm.s32 $0x1B8B  }
0xa2: {  	_ =	swait.ge [sflag:s23], $0x1  }
0xa3: {  	[sflag:s23] =	ssyncset.done $0x0  }
0xa4: {  	s25 =	simm.s32 $0x1B8E;
	s24 =	sld [smem:$0x3FFE];
	[sflag:s23] =	ssyncadd.s32 $0xFFFFFFFF  }
0xa5: {  	s26 =	simm.s32 $execute0_lowered;
	[smem:$0x3FD2] =	sst s25  }
0xa6: {  	s5 =	sshll.u32 s26, $0x1;
	_ =	strace $0x8000004C;
	[dreg:$0x1] =	wrdreg $0xFFFFFFFF  }
0xa7: {  	s28 =	simm.s32 $_size_execute0_lowered;
	s3 =	sadd.s32 s3, s5;
	[dreg:$0x0] =	wrdreg $0x0  }
0xa8: {  	s5 =	sshll.u32 s28, $0x1;
	[dreg:$0x2] =	wrdreg s3  }
0xa9: {  	[dreg:$0x3] =	wrdreg s5  }
0xaa: {  	[dreg:$0x4] =	wrdreg $0xC0  }
0xab: {  	_ =	task [dreg:s7], $0x5FFFF  }
0xac: {  	[dreg:$0x1] =	wrdreg $0xFFFFFFFF  }
0xad: {  	[dreg:$0x0] =	wrdreg $0x60  }
0xae: {  	[dreg:$0x2] =	wrdreg s2  }
0xaf: {  	[dreg:$0x3] =	wrdreg s24  }
0xb0: {  	[dreg:$0x4] =	wrdreg $0xA8000  }
0xb1: {  	[dreg:$0x5] =	wrdreg $0x9  }
0xb2: {  	_ =	task.clear_ibuf [dreg:s7], $0x6FFFF;
	_ =	strace $0x9000004C  }
0xb3: {  	s29 =	simm.s32 $0x9;
	_ =	strace $0x8000004E  }
0xb4: {  	_ =	swait.ge [sflag:s29], $0x1  }
0xb5: {  	[sflag:s29] =	ssyncadd.s32 $0xFFFFFFFF  }
0xb6: {  	_ =	strace $0x9000004E  }
0xb7: {  	_ =	sfence  }
0xb8: {  	s30 =	sld [smem:$0x0];
	_ =	sdelay $0x2  }
0xb9: {  	s31 =	sshll.u32 s1, $0xD;
	s1 =	sshrl.u32 s1, $0x2  }
0xba: {  	s3 =	sand.u32 $0x4000, s31;
	s1 =	sadd.s32 s1, s30  }
0xbb: {  	s0 =	sor.u32 s3, s0;
	s1 =	sshll.u32 s1, $0x11  }
0xbc: {  	s0 =	sor.u32 s1, s0  }
0xbd: {  	s0 =	sadd.s32 $0x8F2B, s0  }
0xbe: {  	[sflag:s0] =	ssyncadd.remote.s32 $0x1  }
0xbf: {  	_ =	sfence.sel $0xFFFF  }
0xc0: {  	[dreg:$0x0] =	wrdreg $0xFFFFFFFF;
	(pc) =	sbr.abs _section_cstart, $3  }
0xc1: {  	[dreg:$0x1] =	wrdreg $0xFFFFFFFF  }
0xc2: {  	_ =	task.clear_ibuf [dreg:s7], $0x2FFFF;
	_ =	strace $0x9FFFFFFF  }
0xc3: {  	(tm) =	ssettm $0x7FFFFFFF  }
tec
execute0_lowered:
.L_overlay_start_1:
0x0: {  	(tag) =	ssettag $0x1  }
0x1: {  	s1 =	rddreg [dreg:$0x0]  }
0x2: {  	s0 =	rddreg [dreg:$0x1]  }
0x3: {  	s2 =	rddreg [dreg:$0x2];
	s3 =	simm.s32 $0x0  }
0x4: {  	s16 =	srdreg.scid;
	s12 =	stileid.u32;
	s28 =	simm.s32 $0x9  }
0x5: {  	s29 =	simm.s32 $0x0;
	[smem:$0x7FF] =	sst s3;
	s4 =	sadd.s32 $0x2800, s0  }
0x6: {  	s3 =	sand.u32 $0x1, s16;
	s0 =	sadd.s32 $0x16200, s0;
	s8 =	smul.u32 $0x4F000, s12  }
0x7: {  	p0 =	seq.s32 s12, $0xF;
	s20 =	sadd.s32 $0x137400, s2;
	s21 =	smul.u32 $0x13C00, s12  }
0x8: {  	_ =	strace $0x8000004D;
	s5 =	ssub.s32 $0x2, s3;
	s11 =	smul.u32 $0x138800, s3  }
0x9: {  	s7 =	sshll.u32 s3, $0x4;
	[dreg:$0x5] =	wrdreg s20;
	s3 =	smul.u32 $0x27100, s3  }
0xa: {  	s6 =	sshrl.u32 s5, $0x1;
	s17 =	sor.u32 s12, s7;
	s18 =	sshrl.u32 s8, $0x2  }
0xb: {  	s12 =	smul.u32 $0x2710, s12;
	s9 =	ssub.s32 s5, s6;
	s5 =	simm.s32 $0x6  }
0xc: {  	s19 =	smul.u32 $0x2710, s17;
	s6 =	simm.s32 $0x6;
	s7 =	sadd.s32 s18, s2  }
0xd: {  	s5 =	simm.s32 @!p0 $0x7;
	s10 =	sadd.s32 $0x11800, s7;
	s3 =	sadd.s32 s12, s3  }
0xe: {  	s18 =	smax.u32 s9, $0x1;
	[dreg:$0x4] =	wrdreg s10;
	s8 =	sshrl.u32 s19, $0x3  }
0xf: {  	s30 =	sadd.s32 $0x4E2F0, s3;
	s3 =	sadd.s32 $0xF0, s3;
	s10 =	sadd.s32 s4, s8  }
0x10: {  	s8 =	sadd.s32 s21, s11;
	s11 =	sshrl.u32 s11, $0x3;
	s13 =	sadd.s32 $0x9C40, s10  }
0x11: {  	s31 =	sshrl.u32 s3, $0x3;
	s22 =	sadd.s32 $0xA, s10;
	[dreg:$0x6] =	wrdreg s13  }
0x12: {  	s21 =	simm.s32 $0x800;
	s23 =	sadd.s32 $0x9C4A, s10;
	[dreg:$0x7] =	wrdreg s22  }
0x13: {  	s24 =	sadd.s32 $0x14, s10;
	s25 =	sadd.s32 $0x9C54, s10;
	[dreg:$0x8] =	wrdreg s23  }
0x14: {  	s8 =	sshrl.u32 s8, $0x3;
	s11 =	sadd.s32 s0, s11;
	[dreg:$0x9] =	wrdreg s24  }
0x15: {  	s20 =	sadd.s32 s31, s4;
	[dreg:$0xa] =	wrdreg s25;
	s0 =	sadd.s32 s0, s8  }
0x16: {  	s26 =	sadd.s32 $0x25080, s11;
	s8 =	sadd.s32 $0x128400, s2;
	s22 =	simm.s32 $0x5  }
0x17: {  	s24 =	simm.s32 $0x50;
	s23 =	simm.s32 $0x8;
	[dreg:$0xb] =	wrdreg s0  }
0x18: {  	[dreg:$0xc] =	wrdreg s26;
	s0 =	sshrl.u32 s30, $0x3;
	s25 =	sshrl.u32 @p0 s8, $0x3  }
0x19: {  	v0 =	vimm.f32 $0.0e+00;
	s26 =	simm.s32 $0x80;
	s19 =	sadd.s32 s0, s4;
	s0 =	simm.s32 $0x7  }
.LBB2_1:
0x1a: {  	s4 =	simm.s32 $0x0  }
0x1b: {  	s3 =	sand.u32 $0xFE00, s4  }
0x1c: {  	s4 =	sand.u32 $0x70, s4;
	s8 =	sshrl.u32 s3, $0x2  }
0x1d: {  	s3 =	simm.s32 $0x40;
	s8 =	sor.u32 s4, s8;
	s4 =	simm.s32 $0x0  }
.LBB2_2:
0x1e: {  	p1 =	sne.s32 s3, $0x9FC0  }
0x1f: {  	[tilespmem:s8+$0x800] =	vst v0;
	s4 =	sadd.s32 $0x10, s4;
	s8 =	smov.u32 s3;
	s3 =	sadd.s32 $0x40, s3  }
.Ltmp0:
0x20: {  	(pc) =	sbr.rel @p1 .LBB2_2-.Ltmp0, $4  }
0x21: {  	_ = 	snop  }
0x22: {  	s8 =	sand.u32 $0xFE00, s8  }
0x23: {  	s9 =	sand.u32 $0x70, s4;
	s8 =	sshrl.u32 s8, $0x2  }
0x24: {  	s8 =	sor.u32 s9, s8  }
0x25: {  	p1 =	sne.s32 s5, $0x1  }
.Ltmp1:
0x26: {  	_ = 	snop;
	(pc) =	sbr.rel @!p1 .LBB2_5-.Ltmp1, $3  }
0x27: {  	_ =	sdelay $0x1  }
0x28: {  	[tilespmem:s8+$0x800] =	vst v0;
	s3 =	sadd.s32 $0xFFFFFFFF, s5;
	s4 =	smov.u32 s7  }
0x29: {  	[spmem:s7] =	stream.linear.scatter [tilespmem:s21], [sflag:$0x5], $0x2800, $0x38;
	[tilespmem:$0x1E080] =	vst v63  }
.LBB2_4:
0x2a: {  	p2 =	sne.s32 s3, $0x1  }
.Ltmp2:
0x2b: {  	_ = 	snop;
	(pc) =	sbr.rel @p2 .LBB2_4-.Ltmp2, $3  }
0x2c: {  	_ = 	snop  }
0x2d: {  	s3 =	sadd.s32 $0xFFFFFFFF, s3;
	s4 =	sadd.s32 $0x2800, s4;
	_ =	sdelay $0x1  }
0x2e: {  	[spmem:s4] =	stream.linear.scatter [tilespmem:s21], [sflag:$0x5], $0x2800, $0x38;
	[tilespmem:$0x1E080] =	vst v63  }
.LBB2_5:
0x2f: {  	s3 =	simm.s32 @p0 $0x800;
	s4 =	rddreg [dreg:$0x5]  }
0x30: {  	[spmem:s4] =	stream.linear.scatter @p0 [tilespmem:s3], [sflag:$0x5], $0x1400, $0x38;
	[tilespmem:$0x1E080] =	vst v63  }
.Ltmp3:
0x31: {  	_ = 	snop;
	(pc) =	sbr.rel @!p1 .LBB2_7-.Ltmp3, $4  }
0x32: {  	s3 =	simm.s32 @!p0 $0x800;
	s4 =	rddreg [dreg:$0x4]  }
0x33: {  	[spmem:s4] =	stream.linear.scatter @!p0 [tilespmem:s3], [sflag:$0x5], $0x2400, $0x38;
	[tilespmem:$0x1E080] =	vst v63  }
0x34: {  	_ =	swait.ge [sflag:s22], $0x2800  }
0x35: {  	s3 =	sadd.s32 $0xFFFFFFFF, s5;
	[sflag:s22] =	ssyncset.done $0x0  }
.LBB2_6:
0x36: {  	p1 =	sne.s32 s3, $0x1;
	s3 =	sadd.s32 $0xFFFFFFFF, s3;
	[sflag:s22] =	ssyncadd.s32 $0xFFFFD800  }
.Ltmp4:
0x37: {  	(pc) =	sbr.rel @p1 .LBB2_6-.Ltmp4, $3  }
0x38: {  	_ =	sdelay $0x1  }
0x39: {  	_ =	swait.ge [sflag:s22], $0x2800  }
0x3a: {  	[sflag:s22] =	ssyncset.done $0x0  }
.LBB2_7:
0x3b: {  	[sflag:s22] =	ssyncadd.s32 $0xFFFFD800;
	s3 =	simm.s32 @p0 $0x5  }
0x3c: {  	_ =	swait.ge @p0 [sflag:s3], $0x1400  }
0x3d: {  	[sflag:s3] =	ssyncset.done @p0 $0x0  }
0x3e: {  	[sflag:s3] =	ssyncadd.s32 @p0 $0xFFFFEC00;
	s3 =	simm.s32 @!p0 $0x5  }
0x3f: {  	_ =	swait.ge @!p0 [sflag:s3], $0x2400  }
0x40: {  	[sflag:s3] =	ssyncset.done @!p0 $0x0  }
0x41: {  	[sflag:s3] =	ssyncadd.s32 @!p0 $0xFFFFDC00  }
0x42: {  	s3 =	simm.s32 $0x0;
	[bflag:$0x0] =	sbarrier.arrive $0xFFFF  }
0x43: {  	[tilespmem:s3], [sflag:$0x5] =	stream.linear.gather [hbm4b:s10+s3], $0x50, $0x38;
	[tilespmem:$0x1E080] =	vst v63  }
0x44: {  	s8 =	simm.s32 $0x400;
	s4 =	rddreg [dreg:$0x6]  }
0x45: {  	[tilespmem:s8], [sflag:$0x5] =	stream.linear.gather [hbm4b:s4+s3], $0x50, $0x38;
	[tilespmem:$0x1E080] =	vst v63  }
0x46: {  	_ =	swait.ge [sflag:s22], $0x50  }
0x47: {  	[sflag:s22] =	ssyncset.done $0x0  }
0x48: {  	[sflag:s22] =	ssyncadd.s32 $0xFFFFFFB0  }
0x49: {  	_ =	swait.ge [sflag:s22], $0x50  }
0x4a: {  	[sflag:s22] =	ssyncset.done $0x0  }
0x4b: {  	[sflag:s22] =	ssyncadd.s32 $0xFFFFFFB0  }
0x4c: {  	[tilespmem:s21], [sflag:$0x1] =	stream.indirect.gather [hbm4b:s1+s24], $0x80, s3, s24, $0xb8;
	[tilespmem:$0x1E080] =	vst v63  }
0x4d: {  	s17 =	rddreg [dreg:$0x7]  }
0x4e: {  	[tilespmem:s26], [sflag:$0x5] =	stream.linear.gather [hbm4b:s17+s3], $0x50, $0x38;
	[tilespmem:$0x1E080] =	vst v63  }
0x4f: {  	s9 =	simm.s32 $0x480;
	s8 =	rddreg [dreg:$0x8]  }
0x50: {  	[tilespmem:s9], [sflag:$0x5] =	stream.linear.gather [hbm4b:s8+s3], $0x50, $0x38;
	[tilespmem:$0x1E080] =	vst v63  }
0x51: {  	_ =	swait.ge [sflag:s22], $0x50  }
0x52: {  	[sflag:s22] =	ssyncset.done $0x0  }
0x53: {  	[sflag:s22] =	ssyncadd.s32 $0xFFFFFFB0  }
0x54: {  	_ =	swait.ge [sflag:s22], $0x50  }
0x55: {  	[sflag:s22] =	ssyncset.done $0x0  }
0x56: {  	s11 =	simm.s32 $0x3000;
	s13 =	simm.s32 $0x100;
	[sflag:s22] =	ssyncadd.s32 $0xFFFFFFB0  }
0x57: {  	[tilespmem:s11], [sflag:$0x2] =	stream.indirect.gather [hbm4b:s1+s24], $0x80, s26, s24, $0xb8;
	[tilespmem:$0x1E080] =	vst v63  }
0x58: {  	s15 =	simm.s32 $0x500;
	p1 =	por $0x0, $0x0;
	s12 =	rddreg [dreg:$0x9]  }
0x59: {  	[tilespmem:s13], [sflag:$0x5] =	stream.linear.gather [hbm4b:s12+s3], $0x50, $0x38;
	[tilespmem:$0x1E080] =	vst v63  }
0x5a: {  	s31 =	sadd.s32 $0xA, s20;
	s4 =	simm.s32 @!p1 $0x5;
	s14 =	rddreg [dreg:$0xa]  }
0x5b: {  	[tilespmem:s15], [sflag:$0x5] =	stream.linear.gather [hbm4b:s14+s3], $0x50, $0x38;
	[tilespmem:$0x1E080] =	vst v63  }
0x5c: {  	p2 =	por @!p1 $0x1, $0x1;
	p3 =	por @!p1 $0x0, $0x0;
	_ =	swait.ge @!p1 [sflag:s4], $0x50  }
0x5d: {  	p2 =	por p2, p1;
	s17 =	simm.s32 $0x0;
	[sflag:s4] =	ssyncset.done @!p1 $0x0  }
0x5e: {  	s8 =	simm.s32 $0x180;
	s9 =	simm.s32 @!p1 $0x2;
	[sflag:s4] =	ssyncadd.s32 @!p1 $0xFFFFFFB0  }
0x5f: {  	s9 =	sand.u32 @!p1 $0x3, s9;
	s12 =	sand.u32 @!p2 $0x3, s3;
	_ =	swait.ge @!p1 [sflag:s4], $0x50  }
0x60: {  	s30 =	smul.u32 @!p1 $0xA000, s9;
	s12 =	sxor.u32 @!p2 $0x2, s12;
	[sflag:s4] =	ssyncset.done @!p1 $0x0  }
0x61: {  	s9 =	sadd.s32 @!p1 $0x1, s9;
	[sflag:s4] =	ssyncadd.s32 @!p1 $0xFFFFFFB0;
	s4 =	sadd.s32 @!p2 $0x6, s12  }
0x62: {  	s11 =	simm.s32 @!p1 $0x100;
	s12 =	sshrl.u32 @!p1 s30, $0x2;
	_ =	swait.ge @!p2 [sflag:s4], $0x2800  }
0x63: {  	s11 =	sand.u32 @!p1 $0x380, s11;
	s12 =	sadd.s32 @!p1 $0x800, s12;
	[sflag:s4] =	ssyncset.done @!p2 $0x0  }
0x64: {  	[sflag:s4] =	ssyncadd.s32 @!p2 $0xFFFFD800;
	s4 =	simm.s32 @!p1 $0x50;
	p2 =	por p3, p1  }
0x65: {  	[tilespmem:s12], [sflag:s9] =	stream.indirect.gather @!p1 [hbm4b:s1+s4], $0x80, s11, s4, $0xb8;
	[tilespmem:$0x1E080] =	vst v63  }
0x66: {  	s13 =	sand.u32 $0x380, s17;
	s30 =	sadd.s32 $0xA, s19;
	s9 =	sand.u32 @!p2 $0x380, s8  }
0x67: {  	s11 =	simm.s32 @!p2 $0x0;
	s4 =	simm.s32 $0x200;
	s8 =	sand.u32 $0x3, s3  }
0x68: {  	[tilespmem:s9], [sflag:$0x5] =	stream.linear.gather @!p2 [hbm4b:s20+s11], $0x50, $0x38;
	[tilespmem:$0x1E080] =	vst v63  }
0x69: {  	s3 =	sor.u32 @!p2 $0x400, s9;
	s16 =	smul.u32 $0xA000, s8;
	s9 =	sadd.s32 $0x1, s8  }
0x6a: {  	[tilespmem:s3], [sflag:$0x5] =	stream.linear.gather @!p2 [hbm4b:s19+s11], $0x50, $0x38;
	[tilespmem:$0x1E080] =	vst v63  }
0x6b: {  	s12 =	sshrl.u32 s16, $0x2;
	s3 =	simm.s32 $0x1;
	_ =	swait.ge [sflag:s9], $0x2800  }
0x6c: {  	s11 =	sadd.s32 $0x800, s12;
	s12 =	sor.u32 $0x400, s13;
	[sflag:s9] =	ssyncset.done $0x0  }
.LBB2_8:
0x6d: {  	[sflag:s9] =	ssyncadd.s32 $0xFFFFD800;
	s8 =	sadd.s32 $0x6, s8;
	s13 =	smov.u32 s4  }
0x6e: {  	s4 =	sadd.s32 $0x80, s4;
	s14 =	smov.u32 s30;
	s9 =	smov.u32 s31  }
0x6f: {  	[spmem:s2] =	stream.indirect.scatter.add.f32 [tilespmem:s11], [sflag:s8], $0x80, s12, s24, $0xb8;
	[tilespmem:$0x1E080] =	vst v63  }
0x70: {  	p2 =	sgt.u32 s3, $0x7A;
	p1 =	sne.s32 s4, $0x4000;
	s8 =	smov.u32 s3  }
0x71: {  	s11 =	simm.s32 @!p2 $0x5;
	p3 =	slt.u32 @!p2 s3, $0x2;
	s12 =	sadd.s32 @!p2 $0x2, s3  }
0x72: {  	s15 =	sadd.s32 @!p2 $0xFFFFFF80, s13;
	s12 =	sand.u32 @!p2 $0x3, s12;
	_ =	swait.ge @!p2 [sflag:s11], $0x50  }
0x73: {  	s16 =	smul.u32 @!p2 $0xA000, s12;
	s12 =	sadd.s32 @!p2 $0x1, s12;
	[sflag:s11] =	ssyncset.done @!p2 $0x0  }
0x74: {  	p3 =	por p3, p2;
	s15 =	sand.u32 @!p2 $0x380, s15;
	[sflag:s11] =	ssyncadd.s32 @!p2 $0xFFFFFFB0  }
0x75: {  	s17 =	sand.u32 @!p3 $0x3, s3;
	s16 =	sshrl.u32 @!p2 s16, $0x2;
	_ =	swait.ge @!p2 [sflag:s11], $0x50  }
0x76: {  	s17 =	sxor.u32 @!p3 $0x2, s17;
	s16 =	sadd.s32 @!p2 $0x800, s16;
	[sflag:s11] =	ssyncset.done @!p2 $0x0  }
0x77: {  	p4 =	seq.s32 @!p2 s13, $0x3E80;
	[sflag:s11] =	ssyncadd.s32 @!p2 $0xFFFFFFB0;
	s11 =	sadd.s32 @!p3 $0x6, s17  }
0x78: {  	_ =	swait.ge @!p3 [sflag:s11], $0x2800  }
0x79: {  	s30 =	sadd.s32 $0xA, s30;
	s31 =	sadd.s32 $0xA, s31;
	[sflag:s11] =	ssyncset.done @!p3 $0x0  }
0x7a: {  	[sflag:s11] =	ssyncadd.s32 @!p3 $0xFFFFD800;
	s11 =	simm.s32 @!p2 $0x50;
	p3 =	por p4, p2  }
0x7b: {  	[tilespmem:s16], [sflag:s12] =	stream.indirect.gather @!p2 [hbm4b:s1+s11], $0x80, s15, s11, $0xb8;
	[tilespmem:$0x1E080] =	vst v63  }
0x7c: {  	s3 =	sadd.s32 $0x1, s3;
	s11 =	sand.u32 @!p3 $0x380, s13;
	s12 =	simm.s32 @!p3 $0x0  }
0x7d: {  	[tilespmem:s11], [sflag:$0x5] =	stream.linear.gather @!p3 [hbm4b:s9+s12], $0x50, $0x38;
	[tilespmem:$0x1E080] =	vst v63  }
.Ltmp5:
0x7e: {  	s8 =	sand.u32 $0x3, s8;
	s11 =	sor.u32 @!p3 $0x400, s11;
	(pc) =	sbr.rel @p1 .LBB2_8-.Ltmp5, $4  }
0x7f: {  	s15 =	smul.u32 $0xA000, s8;
	s13 =	sadd.s32 $0xFFFFFE80, s13;
	s9 =	sadd.s32 $0x1, s8  }
0x80: {  	[tilespmem:s11], [sflag:$0x5] =	stream.linear.gather @!p3 [hbm4b:s14+s12], $0x50, $0x38;
	[tilespmem:$0x1E080] =	vst v63  }
0x81: {  	s11 =	sshrl.u32 s15, $0x2;
	s12 =	sand.u32 $0x380, s13;
	_ =	swait.ge [sflag:s9], $0x2800  }
0x82: {  	s11 =	sadd.s32 $0x800, s11;
	s12 =	sor.u32 $0x400, s12;
	[sflag:s9] =	ssyncset.done $0x0  }
0x83: {  	[sflag:s9] =	ssyncadd.s32 $0xFFFFD800;
	s3 =	sadd.s32 $0x6, s8  }
0x84: {  	[spmem:s2] =	stream.indirect.scatter.add.f32 [tilespmem:s11], [sflag:s3], $0x80, s12, s24, $0xb8;
	[tilespmem:$0x1E080] =	vst v63  }
0x85: {  	_ =	swait.ge [sflag:s0], $0x2800  }
0x86: {  	[sflag:s0] =	ssyncset.done $0x0  }
0x87: {  	[sflag:s0] =	ssyncadd.s32 $0xFFFFD800  }
0x88: {  	_ =	swait.ge [sflag:s23], $0x2800  }
0x89: {  	[sflag:s23] =	ssyncset.done $0x0  }
0x8a: {  	[sflag:s23] =	ssyncadd.s32 $0xFFFFD800  }
0x8b: {  	_ =	swait.ge [sflag:s28], $0x2800  }
0x8c: {  	[sflag:s28] =	ssyncset.done $0x0  }
0x8d: {  	[sflag:s28] =	ssyncadd.s32 $0xFFFFD800  }
0x8e: {  	_ =	swait.ge [sflag:s6], $0x2800  }
0x8f: {  	[sflag:s6] =	ssyncset.done $0x0  }
0x90: {  	[sflag:s6] =	ssyncadd.s32 $0xFFFFD800  }
0x91: {  	[bflag:$0x0] =	sbarrier.arrive $0xFFFF  }
0x92: {  	s3 =	simm.s32 @p0 $0x1FCA;
	s4 =	rddreg [dreg:$0xc]  }
0x93: {  	[hbm:s4], [sflag:s3] =	dma.local @p0 [spmem:s25], $0x2080  }
0x94: {  	s29 =	sadd.s32 $0x1, s29;
	s3 =	simm.s32 @p0 $0xA  }
0x95: {  	p1 =	sne.s32 s29, s18;
	s4 =	stileid.u32;
	_ =	swait.ge @p0 [sflag:s3], $0x2080  }
0x96: {  	s4 =	sshll.u32 @!p0 s4, $0x6;
	[sflag:s3] =	ssyncset.done @p0 $0x0;
	s8 =	rddreg [dreg:$0xb]  }
0x97: {  	[sflag:s3] =	ssyncadd.s32 @p0 $0xFFFFDF80;
	s3 =	sor.u32 @!p0 $0x1C0A, s4;
	s4 =	sshrl.u32 @!p0 s7, $0x3  }
0x98: {  	[hbm:s8], [sflag:s3] =	dma.local @!p0 [spmem:s4], $0x2780  }
.Ltmp6:
0x99: {  	_ = 	snop;
	(pc) =	sbr.rel @p1 .LBB2_1-.Ltmp6, $4  }
0x9a: {  	s3 =	simm.s32 @!p0 $0xA  }
0x9b: {  	_ =	swait.ge @!p0 [sflag:s3], $0x2780  }
0x9c: {  	[sflag:s3] =	ssyncset.done @!p0 $0x0  }
0x9d: {  	[sflag:s3] =	ssyncadd.s32 @!p0 $0xFFFFD880  }
0x9e: {  	_ =	sfence.sel $0x180000  }
0x9f: {  	[bflag:$0x0] =	sbarrier.arrive $0xFFFF  }
0xa0: {  	_ =	strace $0x9000004D  }
0xa1: {  	s0 =	stileid.u32;
	[bflag:$0x2] =	sbarrier.arrive $0xFFFF  }
0xa2: {  	p0 =	sne.s32 s0, $0x0;
	s0 =	rddreg [dreg:$0x3]  }
0xa3: {  	s0 =	sadd.s32 @!p0 $0x100000, s0  }
0xa4: {  	[sflag:s0] =	ssyncadd.tile.s32 @!p0 $0x1;
	_ =	shalt  }
.Lfunc_end2:
_tile_overlayer_lowered:
.L_overlay_start_2:
0xa5: {  	(tag) =	ssettag $0x2  }
0xa6: {  	s0 =	rddreg [dreg:$0x0];
	s2 =	stileid.u32  }
0xa7: {  	s1 =	rddreg [dreg:$0x1];
	p0 =	sne.s32 s2, $0x0  }
0xa8: {  	s3 =	rddreg [dreg:$0x2];
	[bflag:$0x3] =	sbarrier.arrive $0xFFFF;
	s2 =	simm.s32 @!p0 $0x1C0A  }
0xa9: {  	[timem:s3], [sflag:s2] =	dma.local @!p0 [hbm:s0], s1  }
0xaa: {  	s0 =	simm.s32 @!p0 $0xA  }
0xab: {  	_ =	swait.ge @!p0 [sflag:s0], s1  }
0xac: {  	s1 =	ssub.s32 @!p0 $0x0, s1;
	[sflag:s0] =	ssyncset.done @!p0 $0x0  }
0xad: {  	[sflag:s0] =	ssyncadd.s32 @!p0 s1  }
0xae: {  	[bflag:$0x3] =	sbarrier.arrive $0xFFFF  }
0xaf: {  	_ =	shalt  }

// kernel: kernel.8.cloned.1.call-start
scs
__scs_entry_jumppad:
0x0: {  	(pc) =	sbr.rel $0x88, $3  }
0x1: {  	(tag) =	ssettag $0x0;
	lr =	simm.s32 $0x1  }
0x2: {  	[smem:$0x3F9B] =	sst lr;
	_ =	strace $0xD0000000  }
0x3: {  	_ = 	snop  }
0x4: {  	_ = 	snop  }
0x5: {  	_ = 	snop  }
0x6: {  	_ = 	snop  }
0x7: {  	_ = 	snop  }
__scs_overlays_trampoline_lowered:
0x8: {  	[smem:$0x3FAA] =	sst s0  }
0x9: {  	[smem:$0x3FAB] =	sst s1  }
0xa: {  	[smem:$0x3FAC] =	sst s2  }
0xb: {  	[smem:$0x3FAD] =	sst s3  }
0xc: {  	[smem:$0x3FAE] =	sst s4  }
0xd: {  	[smem:$0x3FAF] =	sst s5  }
0xe: {  	[smem:$0x3FB0] =	sst s6  }
0xf: {  	[smem:$0x3FB1] =	sst s7  }
0x10: {  	[smem:$0x3FB2] =	sst s8  }
0x11: {  	[smem:$0x3FB3] =	sst s9;
	s0 =	simm.s32 @!p0 $0x0  }
0x12: {  	s1 =	sld [smem:$0x3F99];
	s0 =	simm.s32 @p0 $0x1  }
0x13: {  	[smem:$0x3FB4] =	sst s0;
	s0 =	simm.s32 @!p1 $0x0  }
0x14: {  	s2 =	sld [smem:$0x3F98];
	s0 =	simm.s32 @p1 $0x1  }
0x15: {  	[smem:$0x3FB5] =	sst s0;
	s0 =	simm.s32 @!p2 $0x0  }
0x16: {  	s3 =	sld [smem:$0x3FDB];
	s0 =	simm.s32 @p2 $0x1  }
0x17: {  	s4 =	simm.s32 $0x1BF5;
	[smem:$0x3FB7] =	sst s0  }
0x18: {  	s0 =	sld [smem:$0x3F9A];
	_ =	swait.ge [sflag:s4], $0x0  }
0x19: {  	s7 =	sld [smem:$0x3F9B]  }
0x1a: {  	s8 =	sadd.s32 $0xFFFFE003, lr  }
0x1b: {  	s9 =	sadd.s32 $0xFFFFFEF7, lr;
	s5 =	simm.s32 $0xFFFFFFFF;
	p2 =	slt.u32 s8, $0xFFFFF086  }
0x1c: {  	p1 =	slt.u32 s9, $0xF7A;
	s5 =	simm.s32 @!p2 $0x0  }
0x1d: {  	s5 =	simm.s32 @p1 $0x1;
	p0 =	seq.s32 s7, s2  }
0x1e: {  	s7 =	smul.u32 @!p0 $0xF7A, s2;
	p2 =	seq.s32 @!p0 s5, $0x0  }
0x1f: {  	s9 =	smul.u32 $0xF7A, s1;
	s8 =	simm.s32 @!p0 $0x1BF5;
	p2 =	por !p2, p0  }
0x20: {  	[sflag:s8] =	ssyncset.s32 @!p0 $0xFFFFF086;
	s6 =	sadd.s32 @!p0 s3, s7;
	s7 =	simm.s32 @!p0 $0x108  }
0x21: {  	s3 =	sadd.s32 s3, s9;
	s6 =	sadd.s32 @!p0 $0x88, s6;
	s7 =	simm.s32 @p2 $0x1082  }
0x22: {  	[simem:s7], [sflag:s8] =	dma.local @!p0 [hbm:s6], $0xF7A  }
0x23: {  	s9 =	sor.u32 $0xD0000000, s2;
	s6 =	simm.s32 $0x108;
	_ =	swait.ge @!p0 [sflag:s8], $0x0  }
0x24: {  	s3 =	sadd.s32 $0x88, s3;
	s6 =	simm.s32 @!p1 $0x1082;
	[sflag:s4] =	ssyncset.s32 $0xFFFFF086  }
0x25: {  	[simem:s6], [sflag:s4] =	dma.local [hbm:s3], $0xF7A  }
0x26: {  	[smem:$0x3F9B] =	sst s1;
	(tag) =	ssettag s2;
	_ =	strace s9  }
0x27: {  	s1 =	sld [smem:$0x3FAB]  }
0x28: {  	s2 =	sld [smem:$0x3FAC]  }
0x29: {  	s4 =	sld [smem:$0x3FAE]  }
0x2a: {  	p0 =	seq.s32 s5, $0x0;
	s5 =	sld [smem:$0x3FAF]  }
0x2b: {  	s6 =	sld [smem:$0x3FB0]  }
0x2c: {  	s7 =	sld [smem:$0x3FB1]  }
0x2d: {  	s3 =	simm.s32 $0x108;
	s8 =	sld [smem:$0x3FB2]  }
0x2e: {  	s3 =	simm.s32 @!p0 $0x1082;
	s9 =	sld [smem:$0x3FB3]  }
0x2f: {  	lr =	sadd.s32 s0, s3;
	s0 =	sld [smem:$0x3FAA]  }
0x30: {  	s3 =	sld [smem:$0x3FAD]  }
0x31: {  	[smem:$0x3FB6] =	sst s10  }
0x32: {  	s10 =	sld [smem:$0x3FB4];
	_ =	sdelay $0x3  }
0x33: {  	p0 =	seq.s32 s10, $0x1;
	s10 =	sld [smem:$0x3FB6];
	_ =	sdelay $0x3  }
0x34: {  	[smem:$0x3FB6] =	sst s10  }
0x35: {  	s10 =	sld [smem:$0x3FB5];
	_ =	sdelay $0x3  }
0x36: {  	p1 =	seq.s32 s10, $0x1;
	s10 =	sld [smem:$0x3FB6];
	_ =	sdelay $0x3  }
0x37: {  	[smem:$0x3FB6] =	sst s10  }
0x38: {  	s10 =	sld [smem:$0x3FB7]  }
0x39: {  	_ = 	snop;
	(pc) =	sbr.ind lr, $3  }
0x3a: {  	_ = 	snop  }
0x3b: {  	_ = 	snop  }
0x3c: {  	p2 =	seq.s32 s10, $0x1;
	s10 =	sld [smem:$0x3FB6]  }
0x3d: {  	_ =	shalt  }
0x3e: {  	_ =	shalt  }
0x3f: {  	_ =	shalt  }
0x40: {  	_ =	shalt  }
0x41: {  	_ =	shalt  }
0x42: {  	_ =	shalt  }
0x43: {  	_ =	shalt  }
0x44: {  	_ =	shalt  }
0x45: {  	_ =	shalt  }
0x46: {  	_ =	shalt  }
0x47: {  	_ =	shalt  }
0x48: {  	_ =	shalt  }
0x49: {  	_ =	shalt  }
0x4a: {  	_ =	shalt  }
0x4b: {  	_ =	shalt  }
0x4c: {  	_ =	shalt  }
0x4d: {  	_ =	shalt  }
0x4e: {  	_ =	shalt  }
0x4f: {  	_ =	shalt  }
0x50: {  	_ =	shalt  }
0x51: {  	_ =	shalt  }
0x52: {  	_ =	shalt  }
0x53: {  	_ =	shalt  }
0x54: {  	_ =	shalt  }
0x55: {  	_ =	shalt  }
0x56: {  	_ =	shalt  }
0x57: {  	_ =	shalt  }
0x58: {  	_ =	shalt  }
0x59: {  	_ =	shalt  }
0x5a: {  	_ =	shalt  }
0x5b: {  	_ =	shalt  }
0x5c: {  	_ =	shalt  }
0x5d: {  	_ =	shalt  }
0x5e: {  	_ =	shalt  }
0x5f: {  	_ =	shalt  }
0x60: {  	_ =	shalt  }
0x61: {  	_ =	shalt  }
0x62: {  	_ =	shalt  }
0x63: {  	_ =	shalt  }
0x64: {  	_ =	shalt  }
0x65: {  	_ =	shalt  }
0x66: {  	_ =	shalt  }
0x67: {  	_ =	shalt  }
0x68: {  	_ =	shalt  }
0x69: {  	_ =	shalt  }
0x6a: {  	_ =	shalt  }
0x6b: {  	_ =	shalt  }
0x6c: {  	_ =	shalt  }
0x6d: {  	_ =	shalt  }
0x6e: {  	_ =	shalt  }
0x6f: {  	_ =	shalt  }
0x70: {  	_ =	shalt  }
0x71: {  	_ =	shalt  }
0x72: {  	_ =	shalt  }
0x73: {  	_ =	shalt  }
0x74: {  	_ =	shalt  }
0x75: {  	_ =	shalt  }
0x76: {  	_ =	shalt  }
0x77: {  	_ =	shalt  }
0x78: {  	_ =	shalt  }
0x79: {  	_ =	shalt  }
0x7a: {  	_ =	shalt  }
0x7b: {  	_ =	shalt  }
0x7c: {  	_ =	shalt  }
0x7d: {  	_ =	shalt  }
0x7e: {  	_ =	shalt  }
0x7f: {  	_ =	shalt  }
0x80: {  	_ =	shalt  }
0x81: {  	_ =	shalt  }
0x82: {  	_ =	shalt  }
0x83: {  	_ =	shalt  }
0x84: {  	_ =	shalt  }
0x85: {  	_ =	shalt  }
0x86: {  	_ =	shalt  }
0x87: {  	_ =	shalt  }
.Lfunc_end0:
.L_simem_size_0:
called_computation_lowered:
.L_overlay_start_0:
0x88: {  	s2 =	sld [smem:$0x3FD9]  }
0x89: {  	s3 =	sld [smem:$0x3FFE];
	_ =	sdelay $0x1  }
0x8a: {  	s1 =	srdreg.scid  }
0x8b: {  	s0 =	sand.u32 $0x1, s1  }
0x8c: {  	s17 =	sshll.u32 s0, $0xA;
	s2 =	sadd.s32 s3, s2  }
0x8d: {  	s2 =	sadd.s32 s2, s17  }
0x8e: {  	[smem:$0x3FC2] =	sst s2  }
0x8f: {  	_ = 	snop  }
0x90: {  	s2 =	sld [smem:$0x3FD0];
	(tm) =	ssettm $0x1  }
0x91: {  	s18 =	sld [smem:$0x3FFB];
	_ =	sdelay $0x3  }
0x92: {  	_ =	strace s18  }
0x93: {  	s3 =	sld [smem:$0x3FFC];
	_ =	sdelay $0x3  }
0x94: {  	_ =	strace s3  }
0x95: {  	s3 =	sld [smem:$0x3FFD];
	_ =	sdelay $0x3  }
0x96: {  	_ =	strace s3  }
0x97: {  	_ =	strace $0x8FFFFFFF  }
0x98: {  	s19 =	sld [smem:$0x3FDB];
	_ =	sdelay $0x1  }
0x99: {  	s4 =	simm.s32 $_scs_section_size  }
0x9a: {  	s5 =	simm.s32 $_size__tile_overlayer_lowered;
	s6 =	simm.s32 $_tile_overlayer_lowered  }
0x9b: {  	s22 =	simm.s32 $0x1BFF;
	s21 =	sshll.u32 s6, $0x1;
	s3 =	sadd.s32 s4, s19  }
0x9c: {  	s7 =	simm.s32 $0x0;
	s20 =	sshll.u32 s5, $0x1;
	s5 =	sadd.s32 s21, s3  }
0x9d: {  	[timem:s7], [sflag:s22] =	dma.local [hbm:s5], s20  }
0x9e: {  	_ =	swait.ge [sflag:s22], s20  }
0x9f: {  	s4 =	ssub.s32 $0x0, s20;
	[sflag:s22] =	ssyncset.done $0x0  }
0xa0: {  	[sflag:s22] =	ssyncadd.s32 s4;
	_ =	sdelay $0x1  }
0xa1: {  	s23 =	simm.s32 $0x1B8B  }
0xa2: {  	_ =	swait.ge [sflag:s23], $0x1  }
0xa3: {  	[sflag:s23] =	ssyncset.done $0x0  }
0xa4: {  	s25 =	simm.s32 $0x1B8E;
	s24 =	sld [smem:$0x3FFE];
	[sflag:s23] =	ssyncadd.s32 $0xFFFFFFFF  }
0xa5: {  	s26 =	simm.s32 $execute0_lowered;
	[smem:$0x3FD2] =	sst s25  }
0xa6: {  	s5 =	sshll.u32 s26, $0x1;
	_ =	strace $0x80000046;
	[dreg:$0x1] =	wrdreg $0xFFFFFFFF  }
0xa7: {  	s28 =	simm.s32 $_size_execute0_lowered;
	s3 =	sadd.s32 s3, s5;
	[dreg:$0x0] =	wrdreg $0x0  }
0xa8: {  	s5 =	sshll.u32 s28, $0x1;
	[dreg:$0x2] =	wrdreg s3  }
0xa9: {  	[dreg:$0x3] =	wrdreg s5  }
0xaa: {  	[dreg:$0x4] =	wrdreg $0xC0  }
0xab: {  	_ =	task [dreg:s7], $0x5FFFF  }
0xac: {  	[dreg:$0x1] =	wrdreg $0xFFFFFFFF  }
0xad: {  	[dreg:$0x0] =	wrdreg $0x60  }
0xae: {  	[dreg:$0x2] =	wrdreg s24  }
0xaf: {  	[dreg:$0x3] =	wrdreg s2  }
0xb0: {  	[dreg:$0x4] =	wrdreg $0xD800  }
0xb1: {  	[dreg:$0x5] =	wrdreg $0x9  }
0xb2: {  	_ =	task.clear_ibuf [dreg:s7], $0x6FFFF;
	_ =	strace $0x90000046  }
0xb3: {  	s29 =	simm.s32 $0x9;
	_ =	strace $0x80000048  }
0xb4: {  	_ =	swait.ge [sflag:s29], $0x1  }
0xb5: {  	[sflag:s29] =	ssyncadd.s32 $0xFFFFFFFF  }
0xb6: {  	_ =	strace $0x90000048  }
0xb7: {  	_ =	sfence  }
0xb8: {  	s30 =	sld [smem:$0x0];
	_ =	sdelay $0x2  }
0xb9: {  	s31 =	sshll.u32 s1, $0xD;
	s1 =	sshrl.u32 s1, $0x2  }
0xba: {  	s3 =	sand.u32 $0x4000, s31;
	s1 =	sadd.s32 s1, s30  }
0xbb: {  	s0 =	sor.u32 s3, s0;
	s1 =	sshll.u32 s1, $0x11  }
0xbc: {  	s0 =	sor.u32 s1, s0  }
0xbd: {  	s0 =	sadd.s32 $0x8F2B, s0  }
0xbe: {  	[sflag:s0] =	ssyncadd.remote.s32 $0x1  }
0xbf: {  	_ =	sfence.sel $0xFFFF  }
0xc0: {  	[dreg:$0x0] =	wrdreg $0xFFFFFFFF;
	(pc) =	sbr.abs _section_cstart, $3  }
0xc1: {  	[dreg:$0x1] =	wrdreg $0xFFFFFFFF  }
0xc2: {  	_ =	task.clear_ibuf [dreg:s7], $0x2FFFF;
	_ =	strace $0x9FFFFFFF  }
0xc3: {  	(tm) =	ssettm $0x7FFFFFFF  }
tec
execute0_lowered:
.L_overlay_start_1:
0x0: {  	(tag) =	ssettag $0x1  }
0x1: {  	s4 =	rddreg [dreg:$0x0]  }
0x2: {  	s8 =	rddreg [dreg:$0x1];
	s0 =	srdreg.scid  }
0x3: {  	s2 =	rddreg [dreg:$0x2];
	s1 =	stileid.u32  }
0x4: {  	s3 =	simm.s32 $0x0;
	s14 =	simm.s32 $0x80;
	s15 =	simm.s32 $0x280  }
0x5: {  	s16 =	simm.s32 $0xD00;
	s17 =	simm.s32 $0x10;
	s18 =	simm.s32 $0x1  }
0x6: {  	s19 =	simm.s32 $0x20;
	s20 =	simm.s32 $0x0;
	s7 =	smul.u32 $0xA00, s1  }
0x7: {  	s5 =	sand.u32 $0x1, s0;
	s0 =	rddreg [dreg:$0x3];
	s11 =	smul.u32 $0x500, s1  }
0x8: {  	[smem:$0x7FF] =	sst s3;
	s12 =	sadd.s32 $0x2800, s4;
	s26 =	smul.u32 $0x2710, s1  }
0x9: {  	s6 =	sshll.u32 s5, $0x4;
	s9 =	ssub.s32 $0x2, s5;
	_ =	strace $0x80000047  }
0xa: {  	s24 =	smul.u32 $0x27100, s5;
	s28 =	sshll.u32 s5, $0x7;
	s6 =	sor.u32 s1, s6  }
0xb: {  	s10 =	sshrl.u32 s9, $0x1;
	s25 =	sshrl.u32 s7, $0x2;
	s11 =	sor.u32 s28, s11  }
0xc: {  	s6 =	smul.u32 $0x2710, s6;
	s9 =	ssub.s32 s9, s10;
	s4 =	sadd.s32 s25, s2  }
0xd: {  	s7 =	sadd.s32 s26, s24;
	s29 =	sshrl.u32 s11, $0x3;
	s11 =	simm.s32 $0xE  }
0xe: {  	s30 =	sadd.s32 $0x4E300, s7;
	s8 =	sadd.s32 s8, s29;
	s6 =	sshrl.u32 s6, $0x3  }
0xf: {  	s9 =	smax.u32 s9, $0x1;
	s31 =	sshrl.u32 s30, $0x3;
	s13 =	sadd.s32 s12, s6  }
0x10: {  	s10 =	sadd.s32 s31, s12;
	s12 =	simm.s32 $0x500;
	s5 =	sadd.s32 $0x9C40, s13  }
0x11: {  	v0 =	vimm.f32 $0.0e+00;
	v1 =	vimm.f32 $1.000000000e+00;
	s6 =	sadd.s32 $0x9C50, s13;
	s7 =	sadd.s32 $0xA120, s13;
	s13 =	simm.s32 $0x580  }
.LBB2_1:
0x12: {  	s21 =	simm.s32 $0x40;
	s22 =	simm.s32 $0x0  }
.LBB2_2:
0x13: {  	p0 =	sne.s32 s21, $0x9C0;
	[tilespmem:s22+$0x0] =	vst v0;
	s23 =	smov.u32 s21;
	s21 =	sadd.s32 $0x40, s21  }
.Ltmp0:
0x14: {  	[tilespmem:s22+$0x280] =	vst v1;
	(pc) =	sbr.rel @p0 .LBB2_2-.Ltmp0, $2  }
0x15: {  	_ =	sdelay $0x2  }
0x16: {  	s22 =	sshra.s32 s23, $0x2  }
0x17: {  	[tilespmem:s22+$0x0] =	vst v0  }
0x18: {  	[tilespmem:s22+$0x280] =	vst v1;
	s21 =	simm.s32 $0x0  }
0x19: {  	[spmem:s4] =	stream.linear.scatter [tilespmem:s21], [sflag:$0xE], $0x280, $0x38;
	[tilespmem:$0x1000] =	vst v63  }
0x1a: {  	_ =	swait.ge [sflag:s11], $0x280  }
0x1b: {  	[sflag:s11] =	ssyncset.done $0x0  }
0x1c: {  	[sflag:s11] =	ssyncadd.s32 $0xFFFFFD80  }
0x1d: {  	[bflag:$0x0] =	sbarrier.arrive $0xFFFF  }
0x1e: {  	[tilespmem:s12], [sflag:$0xE] =	stream.linear.gather [hbm4b:s5+s21], $0x80, $0x38;
	[tilespmem:$0x1000] =	vst v63  }
0x1f: {  	_ =	swait.ge [sflag:s11], $0x80  }
0x20: {  	[sflag:s11] =	ssyncset.done $0x0  }
0x21: {  	s22 =	smov.u32 s10;
	s23 =	simm.s32 $0x0;
	[sflag:s11] =	ssyncadd.s32 $0xFFFFFF80  }
0x22: {  	[tilespmem:s13], [sflag:$0xD] =	stream.linear.gather [hbm4b:s6+s21], $0x80, $0x38;
	[tilespmem:$0x1000] =	vst v63  }
.LBB2_4:
0x23: {  	p0 =	sgt.u32 s21, $0x4B  }
0x24: {  	s24 =	sadd.s32 @!p0 $0x100, s23  }
0x25: {  	s24 =	sand.u32 @!p0 $0x780, s24  }
0x26: {  	s25 =	simm.s32 @!p0 $0x0;
	p1 =	slt.u32 @!p0 s21, $0xC;
	s24 =	sadd.s32 @!p0 $0x500, s24  }
0x27: {  	[tilespmem:s24], [sflag:$0xD] =	stream.linear.gather @!p0 [hbm4b:s22+s25], $0x80, $0x38;
	[tilespmem:$0x1000] =	vst v63  }
0x28: {  	p0 =	por p0, !p1;
	s24 =	smov.u32 s21  }
0x29: {  	s24 =	smul.u32 @p0 $0xAB, s21;
	_ =	sdelay $0x1  }
0x2a: {  	s24 =	sshrl.u32 @p0 s24, $0xB  }
0x2b: {  	s24 =	sand.u32 @p0 $0x1F, s24  }
0x2c: {  	s24 =	smul.u32 @p0 $0xC, s24;
	_ =	sdelay $0x1  }
0x2d: {  	s24 =	ssub.s32 @p0 s21, s24  }
0x2e: {  	s24 =	sand.u32 @p0 $0xFF, s24  }
0x2f: {  	s25 =	sadd.s32 @p0 $0x1, s24  }
0x30: {  	_ =	swait.ge @p0 [sflag:s25], $0x80  }
0x31: {  	s31 =	sand.u32 $0x780, s23;
	s24 =	sadd.s32 $0x1, s24;
	[sflag:s25] =	ssyncset.done @p0 $0x0  }
0x32: {  	[sflag:s25] =	ssyncadd.s32 @p0 $0xFFFFFF80;
	s25 =	sadd.s32 $0x500, s31;
	p0 =	seq.s32 s21, $0x4D  }
0x33: {  	[spmem:s2] =	stream.indirect.scatter.add.f32 [tilespmem:s15], [sflag:s24], $0x1, s25, s14, $0xb8;
	[tilespmem:$0x1000] =	vst v63  }
0x34: {  	s21 =	sadd.s32 @!p0 $0x1, s21  }
0x35: {  	p1 =	sne.s32 @!p0 s21, $0x4E  }
0x36: {  	p1 =	por p0, !p1  }
.Ltmp1:
0x37: {  	_ = 	snop;
	(pc) =	sbr.rel @!p1 .LBB2_4-.Ltmp1, $4  }
0x38: {  	s24 =	simm.s32 @!p0 $0xD  }
0x39: {  	_ =	swait.ge @!p0 [sflag:s24], $0x80  }
0x3a: {  	[sflag:s24] =	ssyncset.done @!p0 $0x0  }
0x3b: {  	s23 =	sadd.s32 @!p0 $0x80, s23;
	s22 =	sadd.s32 @!p0 $0x10, s22;
	[sflag:s24] =	ssyncadd.s32 @!p0 $0xFFFFFF80  }
0x3c: {  	s21 =	simm.s32 $0x42  }
0x3d: {  	s22 =	smul.u32 $0xAB, s21;
	_ =	sdelay $0x1  }
0x3e: {  	s22 =	sshrl.u32 s22, $0xB  }
0x3f: {  	s23 =	sand.u32 $0x1F, s22  }
0x40: {  	s22 =	simm.s32 $0x43;
	s23 =	smul.u32 $0xC, s23  }
.LBB2_6:
0x41: {  	s24 =	smul.u32 $0xAB, s22  }
0x42: {  	s23 =	ssub.s32 s21, s23;
	s21 =	smov.u32 s22;
	p0 =	sne.s32 s22, $0x4D  }
.Ltmp2:
0x43: {  	s22 =	sadd.s32 $0x1, s22;
	s23 =	sand.u32 $0xFF, s23;
	(pc) =	sbr.rel @p0 .LBB2_6-.Ltmp2, $4  }
0x44: {  	s24 =	sshrl.u32 s24, $0xB;
	s25 =	sadd.s32 $0x1, s23  }
0x45: {  	s23 =	sand.u32 $0x1F, s24;
	_ =	swait.ge [sflag:s25], $0x80  }
0x46: {  	s23 =	smul.u32 $0xC, s23;
	[sflag:s25] =	ssyncset.done $0x0  }
0x47: {  	[sflag:s25] =	ssyncadd.s32 $0xFFFFFF80  }
0x48: {  	s21 =	ssub.s32 s21, s23  }
0x49: {  	s21 =	sand.u32 $0xFF, s21  }
0x4a: {  	s21 =	sadd.s32 $0x1, s21  }
0x4b: {  	_ =	swait.ge [sflag:s21], $0x80  }
0x4c: {  	[sflag:s21] =	ssyncset.done $0x0  }
0x4d: {  	[sflag:s21] =	ssyncadd.s32 $0xFFFFFF80  }
0x4e: {  	[tilespmem:s16], [sflag:$0xE] =	stream.linear.gather [hbm4b:s7+s3], $0x10, $0x38;
	[tilespmem:$0x1000] =	vst v63  }
0x4f: {  	_ =	swait.ge [sflag:s11], $0x10  }
0x50: {  	[sflag:s11] =	ssyncset.done $0x0  }
0x51: {  	[sflag:s11] =	ssyncadd.s32 $0xFFFFFFF0  }
0x52: {  	[spmem:s2] =	stream.indirect.scatter.add.f32 [tilespmem:s15], [sflag:$0xE], $0x1, s16, s17, $0xb8;
	[tilespmem:$0x1000] =	vst v63  }
0x53: {  	_ =	swait.ge [sflag:s11], $0x10  }
0x54: {  	s31 =	sshll.u32 s1, $0x6;
	s20 =	sadd.s32 $0x1, s20;
	[sflag:s11] =	ssyncset.done $0x0  }
0x55: {  	s22 =	sshrl.u32 s4, $0x3;
	p0 =	sne.s32 s20, s9;
	[sflag:s11] =	ssyncadd.s32 $0xFFFFFFF0  }
.Ltmp3:
0x56: {  	s21 =	sor.u32 $0x1C0E, s31;
	[bflag:$0x0] =	sbarrier.arrive $0xFFFF;
	(pc) =	sbr.rel @p0 .LBB2_1-.Ltmp3, $4  }
0x57: {  	[hbm:s8@s19], [sflag:s21] =	dma.strided [spmem:s22@s17], $0x50, s18, $0x10   }
0x58: {  	_ =	swait.ge [sflag:s11], $0x50  }
0x59: {  	[sflag:s11] =	ssyncset.done $0x0  }
0x5a: {  	[sflag:s11] =	ssyncadd.s32 $0xFFFFFFB0  }
0x5b: {  	_ =	sfence.sel $0x180000  }
0x5c: {  	[bflag:$0x0] =	sbarrier.arrive $0xFFFF  }
0x5d: {  	p0 =	sne.s32 s1, $0x0;
	_ =	strace $0x90000047  }
0x5e: {  	s0 =	sadd.s32 @!p0 $0x100000, s0;
	[bflag:$0x2] =	sbarrier.arrive $0xFFFF  }
0x5f: {  	[sflag:s0] =	ssyncadd.tile.s32 @!p0 $0x1;
	_ =	shalt  }
.Lfunc_end2:
_tile_overlayer_lowered:
.L_overlay_start_2:
0x60: {  	(tag) =	ssettag $0x2  }
0x61: {  	s0 =	rddreg [dreg:$0x0];
	s2 =	stileid.u32  }
0x62: {  	s1 =	rddreg [dreg:$0x1];
	p0 =	sne.s32 s2, $0x0  }
0x63: {  	s3 =	rddreg [dreg:$0x2];
	[bflag:$0x3] =	sbarrier.arrive $0xFFFF;
	s2 =	simm.s32 @!p0 $0x1C0E  }
0x64: {  	[timem:s3], [sflag:s2] =	dma.local @!p0 [hbm:s0], s1  }
0x65: {  	s0 =	simm.s32 @!p0 $0xE  }
0x66: {  	_ =	swait.ge @!p0 [sflag:s0], s1  }
0x67: {  	s1 =	ssub.s32 @!p0 $0x0, s1;
	[sflag:s0] =	ssyncset.done @!p0 $0x0  }
0x68: {  	[sflag:s0] =	ssyncadd.s32 @!p0 s1  }
0x69: {  	[bflag:$0x3] =	sbarrier.arrive $0xFFFF  }
0x6a: {  	_ =	shalt  }

</sc_bundles>
